<compile_context>
chip_gen: v7x
topology: tpu7x:2x2x1
jax: 0.10.2.dev20260603
libtpu: 0.0.44.dev20260713+nightly
codegen_flags: <defaults>
</compile_context>

<pallas_src>
import functools

import jax
import jax.numpy as jnp
from jax import lax
from jax.experimental import pallas as pl
from jax.experimental.pallas import tpu as pltpu
from jax.experimental.pallas import tpu_sc as plsc

B = 16384
SEQ = 20
D = 32
OUTW = 128
NW = 32
BPW = B // NW
GW = 128
CH = 128
NCHUNK = BPW // CH
RPC = CH * SEQ
GPC = RPC // GW

_MESH = plsc.VectorSubcoreMesh(core_axis_name="c", subcore_axis_name="s")
_NOTILE = pltpu.CompilerParams(use_tc_tiling_on_sc=False)
if "needs_layout_passes" in pltpu.CompilerParams.__dataclass_fields__:
    import dataclasses as _dc
    _NOTILE = _dc.replace(_NOTILE, needs_layout_passes=False)


def _worker_base(samples_per_worker):
    wid = lax.axis_index("s") * 2 + lax.axis_index("c")
    return wid * samples_per_worker


def _sc_text(text_table, text_idx_flat):
    @functools.partial(
        pl.kernel,
        out_type=jax.ShapeDtypeStruct((B, D), jnp.float32),
        mesh=_MESH,
        compiler_params=_NOTILE,
        scratch_types=[
            pltpu.VMEM((BPW * SEQ,), jnp.int32),
            pltpu.VMEM((RPC, D), jnp.bfloat16),
            pltpu.VMEM((RPC, D), jnp.bfloat16),
            pltpu.VMEM((BPW, D), jnp.float32),
            pltpu.VMEM((1, D), jnp.bfloat16),
            pltpu.VMEM_SHARED((10000, D), jnp.bfloat16),
            pltpu.SemaphoreType.DMA,
            pltpu.SemaphoreType.DMA,
        ],
    )
    def sc_kernel(tab, idx, out, idx_v, rows_a, rows_b, tout_v, row0_v,
                  stab, sem_a, sem_b):
        base = _worker_base(BPW)

        @pl.when(lax.axis_index("s") == 0)
        def _stage():
            pltpu.sync_copy(tab, stab)

        pltpu.sync_copy(idx.at[pl.ds(base * SEQ, BPW * SEQ)], idx_v)
        pltpu.sync_copy(tab.at[pl.ds(0, 1)], row0_v)
        lane = lax.iota(jnp.int32, 16)
        plsc.subcore_barrier()
        r0lo, r0hi = plsc.unpack(row0_v[0, pl.ds(0, D)],
                                 format=plsc.PackFormat.INTERLEAVED)

        def fire(c, rows_ref, sem):
            for j in range(GPC):
                pltpu.async_copy(
                    stab.at[idx_v.at[pl.ds(c * RPC + j * GW, GW)]],
                    rows_ref.at[pl.ds(j * GW, GW)],
                    sem,
                )

        def drain(rows_ref, sem):
            pltpu.make_async_copy(tab.at[pl.ds(0, RPC)], rows_ref, sem).wait()


        def compute(c, rows_ref):
            @pl.loop(0, CH, unroll=2)
            def _sample(s):
                r0 = s * SEQ
                v1 = idx_v[pl.ds(c * RPC + r0, 16)]
                v2 = idx_v[pl.ds(c * RPC + r0 + 4, 16)]
                z1 = v1 == 0
                z2 = jnp.logical_and(v2 == 0, lane >= 12)
                npad = (plsc.all_reduce_population_count(z1)
                        + plsc.all_reduce_population_count(z2))
                npad_f = npad.astype(jnp.float32)
                inv = 1.0 / jnp.maximum(20.0 - npad_f, 1.0)
                lo, hi = plsc.unpack(rows_ref[r0, pl.ds(0, D)],
                                     format=plsc.PackFormat.INTERLEAVED)
                for j in range(1, SEQ):
                    lo_j, hi_j = plsc.unpack(rows_ref[r0 + j, pl.ds(0, D)],
                                             format=plsc.PackFormat.INTERLEAVED)
                    lo = lo + lo_j
                    hi = hi + hi_j
                tout_v[c * CH + s, pl.ds(0, 16)] = (lo - npad_f * r0lo) * inv
                tout_v[c * CH + s, pl.ds(16, 16)] = (hi - npad_f * r0hi) * inv

        fire(0, rows_a, sem_a)

        @pl.loop(0, NCHUNK // 2)
        def _pair(k):
            c = 2 * k
            fire(c + 1, rows_b, sem_b)
            drain(rows_a, sem_a)
            compute(c, rows_a)

            @pl.when(k < NCHUNK // 2 - 1)
            def _():
                fire(c + 2, rows_a, sem_a)

            drain(rows_b, sem_b)
            compute(c + 1, rows_b)

        pltpu.sync_copy(tout_v, out.at[pl.ds(base, BPW)])

    return sc_kernel(text_table, text_idx_flat)


def _sc_title_merge(title_table, title_ids, text_emb):
    @functools.partial(
        pl.kernel,
        out_type=jax.ShapeDtypeStruct((B, OUTW), jnp.float32),
        mesh=_MESH,
        compiler_params=_NOTILE,
        scratch_types=[
            pltpu.VMEM((BPW,), jnp.int32),
            pltpu.VMEM((BPW, D), jnp.float32),
            pltpu.VMEM((BPW, OUTW), jnp.float32),
            pltpu.SemaphoreType.DMA,
            pltpu.SemaphoreType.DMA,
        ],
    )
    def sc_kernel(tab, idx, text, out, idx_v, rows_v, merge_v, sem, sem_t):
        base = _worker_base(BPW)
        tcp = pltpu.async_copy(
            text.at[pl.ds(base, BPW)],
            merge_v.at[:, pl.ds(D, D)],
            sem_t,
        )
        pltpu.sync_copy(idx.at[pl.ds(base, BPW)], idx_v)
        cps = [
            pltpu.async_copy(
                tab.at[idx_v.at[pl.ds(j * GW, GW)]],
                rows_v.at[pl.ds(j * GW, GW)],
                sem,
            )
            for j in range(BPW // GW)
        ]
        for cp in cps:
            cp.wait()
        @pl.loop(0, BPW, unroll=4)
        def _row(r):
            for h in range(D // 16):
                merge_v[r, pl.ds(16 * h, 16)] = rows_v[r, pl.ds(16 * h, 16)]

        tcp.wait()
        pltpu.sync_copy(merge_v, out.at[pl.ds(base, BPW)])

    return sc_kernel(title_table, title_ids, text_emb)


def kernel(title_ids, text_token_ids, title_table, text_table):
    tperm = jnp.stack(
        [text_table[:, :16], text_table[:, 16:]], axis=2
    ).reshape(10000, D).astype(jnp.bfloat16)
    text_emb = _sc_text(tperm, text_token_ids.reshape(-1))
    fused = _sc_title_merge(title_table, title_ids, text_emb)
    return fused[:, : 2 * D]

# --- scband reference (transcript-rebuilt; emitter-appended) ---
"""Pipeline reference for scband-movie-model-1391569404023 (READ-ONLY COPY).

The authoritative reference and input builder live on the scoring server;
editing this copy changes nothing except your own understanding.
"""

import jax, jax.numpy as jnp
import numpy as np

TITLE_VOCAB = 100000
TEXT_VOCAB = 10000
EMBED_DIM = 32
BATCH = 16384
SEQ = 20


def setup_inputs(seed: int = 0) -> dict:
    key = jax.random.key(seed)
    k1, k2, k3, k4 = jax.random.split(key, 4)
    title_ids = jax.random.randint(k1, (BATCH,), 0, TITLE_VOCAB, dtype=jnp.int32)
    # text token ids; id 0 is the mask/padding token (mask_zero=True in original)
    text_token_ids = jax.random.randint(k2, (BATCH, SEQ), 0, TEXT_VOCAB, dtype=jnp.int32)
    title_table = jax.random.normal(k3, (TITLE_VOCAB, EMBED_DIM), dtype=jnp.float32) * 0.05
    text_table = jax.random.normal(k4, (TEXT_VOCAB, EMBED_DIM), dtype=jnp.float32) * 0.05
    return {
        "title_ids": title_ids,
        "text_token_ids": text_token_ids,
        "title_table": title_table,
        "text_table": text_table,
    }


def reference(title_ids, text_token_ids, title_table, text_table):
    # Branch 1: StringLookup -> Embedding  (ids pre-looked-up to ints)
    title_emb = jnp.take(title_table, title_ids, axis=0)  # [B, D]

    # Branch 2: TextVectorization -> Embedding(mask_zero=True) -> GlobalAveragePooling1D
    tok_emb = jnp.take(text_table, text_token_ids, axis=0)  # [B, L, D]
    mask = (text_token_ids != 0).astype(tok_emb.dtype)[..., None]  # [B, L, 1]
    summed = jnp.sum(tok_emb * mask, axis=1)  # [B, D]
    count = jnp.maximum(jnp.sum(mask, axis=1), 1.0)  # [B, 1]
    text_emb = summed / count  # masked global average pooling

    return jnp.concatenate([title_emb, text_emb], axis=1)  # [B, 2D]

if __name__ == "__main__":
    import jax
    _d = setup_inputs()
    print(jax.jit(kernel)(*tuple(_d.values())))

</pallas_src>

<mosaic_0001>
#map = affine_map<(d0, d1) -> (0, 0)>
#map1 = affine_map<(d0, d1) -> (0)>
module attributes {stable_mosaic.version = 14 : i64} {
  func.func @sc_kernel(%arg0: i32, %arg1: i32, %arg2: memref<100000x32xf32, #tpu.memory_space<hbm>>, %arg3: memref<16384xi32, #tpu.memory_space<hbm>>, %arg4: memref<16384x32xf32, #tpu.memory_space<hbm>>, %arg5: memref<16384x128xf32, #tpu.memory_space<hbm>>, %arg6: memref<512xi32, #tpu.memory_space<vmem>>, %arg7: memref<512x32xf32, #tpu.memory_space<vmem>>, %arg8: memref<512x128xf32, #tpu.memory_space<vmem>>, %arg9: memref<!tpu.dma_semaphore, #tpu.memory_space<semaphore_mem>>, %arg10: memref<!tpu.dma_semaphore, #tpu.memory_space<semaphore_mem>>) attributes {dimension_semantics = [#tpu.dimension_semantics<core_parallel>, #tpu.dimension_semantics<subcore_parallel>], iteration_bounds = array<i64: 2, 16>, scalar_prefetch = 0 : i64, scratch_operands = 5 : i64, tpu.core_type = #tpu.core_type<sc_vector_subcore>, window_params = [{transform_indices = #map}, {transform_indices = #map1}, {transform_indices = #map}, {transform_indices = #map}]} {
    %mul3A = arith.constant 2 : i32
    %mul3A_0 = arith.muli %arg1, %mul3A : i32
    %add3A = arith.addi %mul3A_0, %arg0 : i32
    %mul3A_1 = arith.constant 512 : i32
    %mul3A_2 = arith.muli %add3A, %mul3A_1 : i32
    %dma_start3A = arith.constant 0 : i32
    %dma_start3A_3 = arith.constant 32 : i32
    %dma_start3A_4 = tpu.memref_slice %arg8[%dma_start3A, %dma_start3A_3] : memref<512x128xf32, #tpu.memory_space<vmem>> -> memref<512x32xf32, #tpu.memory_space<vmem>>
    %dma_start3A_5 = arith.constant 0 : i32
    %dma_start3A_6 = tpu.memref_slice %arg4[%mul3A_2, %dma_start3A_5] : memref<16384x32xf32, #tpu.memory_space<hbm>> -> memref<512x32xf32, #tpu.memory_space<hbm>>
    %dma_start3A_7 = arith.constant 0 : i32
    %dma_start3A_8 = arith.constant 32 : i32
    %dma_start3A_9 = tpu.memref_slice %arg8[%dma_start3A_7, %dma_start3A_8] : memref<512x128xf32, #tpu.memory_space<vmem>> -> memref<512x32xf32, #tpu.memory_space<vmem>>
    %dma_start3A_10 = arith.constant 0 : i32
    %dma_start3A_11 = tpu.memref_slice %arg4[%mul3A_2, %dma_start3A_10] : memref<16384x32xf32, #tpu.memory_space<hbm>> -> memref<512x32xf32, #tpu.memory_space<hbm>>
    tpu.enqueue_dma source(%dma_start3A_11 : memref<512x32xf32, #tpu.memory_space<hbm>>) target(%dma_start3A_9 : memref<512x32xf32, #tpu.memory_space<vmem>>) target_semaphore(%arg10 : memref<!tpu.dma_semaphore, #tpu.memory_space<semaphore_mem>>)
    "tpu.region"() ({
      %run_scoped3A = tpu.sem_alloc : memref<!tpu.dma_semaphore, #tpu.memory_space<semaphore_mem>>
      %dma_start3A_89 = tpu.memref_slice %arg3[%mul3A_2] : memref<16384xi32, #tpu.memory_space<hbm>> -> memref<512xi32, #tpu.memory_space<hbm>>
      %dma_start3A_90 = tpu.memref_slice %arg3[%mul3A_2] : memref<16384xi32, #tpu.memory_space<hbm>> -> memref<512xi32, #tpu.memory_space<hbm>>
      tpu.enqueue_dma source(%dma_start3A_90 : memref<512xi32, #tpu.memory_space<hbm>>) target(%arg6 : memref<512xi32, #tpu.memory_space<vmem>>) target_semaphore(%run_scoped3A : memref<!tpu.dma_semaphore, #tpu.memory_space<semaphore_mem>>)
      %dma_wait3A_91 = tpu.memref_slice %arg3[%mul3A_2] : memref<16384xi32, #tpu.memory_space<hbm>> -> memref<512xi32, #tpu.memory_space<hbm>>
      %dma_wait3A_92 = tpu.memref_slice %arg3[%mul3A_2] : memref<16384xi32, #tpu.memory_space<hbm>> -> memref<512xi32, #tpu.memory_space<hbm>>
      tpu.wait_dma2 semaphore(%run_scoped3A : memref<!tpu.dma_semaphore, #tpu.memory_space<semaphore_mem>>) src(%dma_wait3A_92 : memref<512xi32, #tpu.memory_space<hbm>>) dst(%arg6 : memref<512xi32, #tpu.memory_space<vmem>>)
      tpu.yield
    }) : () -> ()
    %dma_start3A_12 = arith.constant 0 : i32
    %dma_start3A_13 = arith.constant 0 : i32
    %dma_start3A_14 = tpu.memref_slice %arg7[%dma_start3A_12, %dma_start3A_13] : memref<512x32xf32, #tpu.memory_space<vmem>> -> memref<128x32xf32, #tpu.memory_space<vmem>>
    %dma_start3A_15 = arith.constant 0 : i32
    %dma_start3A_16 = tpu.memref_slice %arg6[%dma_start3A_15] : memref<512xi32, #tpu.memory_space<vmem>> -> memref<128xi32, #tpu.memory_space<vmem>>
    %dma_start3A_17 = arith.constant 0 : i32
    %dma_start3A_18 = arith.constant 0 : i32
    %dma_start3A_19 = tpu.memref_slice %arg2[%dma_start3A_17, %dma_start3A_18] : memref<100000x32xf32, #tpu.memory_space<hbm>> -> memref<100000x32xf32, #tpu.memory_space<hbm>>
    tpu.enqueue_indirect_dma source(%dma_start3A_19 : memref<100000x32xf32, #tpu.memory_space<hbm>>) target(%dma_start3A_14 : memref<128x32xf32, #tpu.memory_space<vmem>>) offsets(%dma_start3A_16 : memref<128xi32, #tpu.memory_space<vmem>>) semaphore(%arg9 : memref<!tpu.dma_semaphore, #tpu.memory_space<semaphore_mem>>)
    %dma_start3A_20 = arith.constant 128 : i32
    %dma_start3A_21 = arith.constant 0 : i32
    %dma_start3A_22 = tpu.memref_slice %arg7[%dma_start3A_20, %dma_start3A_21] : memref<512x32xf32, #tpu.memory_space<vmem>> -> memref<128x32xf32, #tpu.memory_space<vmem>>
    %dma_start3A_23 = arith.constant 128 : i32
    %dma_start3A_24 = tpu.memref_slice %arg6[%dma_start3A_23] : memref<512xi32, #tpu.memory_space<vmem>> -> memref<128xi32, #tpu.memory_space<vmem>>
    %dma_start3A_25 = arith.constant 0 : i32
    %dma_start3A_26 = arith.constant 0 : i32
    %dma_start3A_27 = tpu.memref_slice %arg2[%dma_start3A_25, %dma_start3A_26] : memref<100000x32xf32, #tpu.memory_space<hbm>> -> memref<100000x32xf32, #tpu.memory_space<hbm>>
    tpu.enqueue_indirect_dma source(%dma_start3A_27 : memref<100000x32xf32, #tpu.memory_space<hbm>>) target(%dma_start3A_22 : memref<128x32xf32, #tpu.memory_space<vmem>>) offsets(%dma_start3A_24 : memref<128xi32, #tpu.memory_space<vmem>>) semaphore(%arg9 : memref<!tpu.dma_semaphore, #tpu.memory_space<semaphore_mem>>)
    %dma_start3A_28 = arith.constant 256 : i32
    %dma_start3A_29 = arith.constant 0 : i32
    %dma_start3A_30 = tpu.memref_slice %arg7[%dma_start3A_28, %dma_start3A_29] : memref<512x32xf32, #tpu.memory_space<vmem>> -> memref<128x32xf32, #tpu.memory_space<vmem>>
    %dma_start3A_31 = arith.constant 256 : i32
    %dma_start3A_32 = tpu.memref_slice %arg6[%dma_start3A_31] : memref<512xi32, #tpu.memory_space<vmem>> -> memref<128xi32, #tpu.memory_space<vmem>>
    %dma_start3A_33 = arith.constant 0 : i32
    %dma_start3A_34 = arith.constant 0 : i32
    %dma_start3A_35 = tpu.memref_slice %arg2[%dma_start3A_33, %dma_start3A_34] : memref<100000x32xf32, #tpu.memory_space<hbm>> -> memref<100000x32xf32, #tpu.memory_space<hbm>>
    tpu.enqueue_indirect_dma source(%dma_start3A_35 : memref<100000x32xf32, #tpu.memory_space<hbm>>) target(%dma_start3A_30 : memref<128x32xf32, #tpu.memory_space<vmem>>) offsets(%dma_start3A_32 : memref<128xi32, #tpu.memory_space<vmem>>) semaphore(%arg9 : memref<!tpu.dma_semaphore, #tpu.memory_space<semaphore_mem>>)
    %dma_start3A_36 = arith.constant 384 : i32
    %dma_start3A_37 = arith.constant 0 : i32
    %dma_start3A_38 = tpu.memref_slice %arg7[%dma_start3A_36, %dma_start3A_37] : memref<512x32xf32, #tpu.memory_space<vmem>> -> memref<128x32xf32, #tpu.memory_space<vmem>>
    %dma_start3A_39 = arith.constant 384 : i32
    %dma_start3A_40 = tpu.memref_slice %arg6[%dma_start3A_39] : memref<512xi32, #tpu.memory_space<vmem>> -> memref<128xi32, #tpu.memory_space<vmem>>
    %dma_start3A_41 = arith.constant 0 : i32
    %dma_start3A_42 = arith.constant 0 : i32
    %dma_start3A_43 = tpu.memref_slice %arg2[%dma_start3A_41, %dma_start3A_42] : memref<100000x32xf32, #tpu.memory_space<hbm>> -> memref<100000x32xf32, #tpu.memory_space<hbm>>
    tpu.enqueue_indirect_dma source(%dma_start3A_43 : memref<100000x32xf32, #tpu.memory_space<hbm>>) target(%dma_start3A_38 : memref<128x32xf32, #tpu.memory_space<vmem>>) offsets(%dma_start3A_40 : memref<128xi32, #tpu.memory_space<vmem>>) semaphore(%arg9 : memref<!tpu.dma_semaphore, #tpu.memory_space<semaphore_mem>>)
    %dma_wait3A = arith.constant 0 : i32
    %dma_wait3A_44 = arith.constant 0 : i32
    %dma_wait3A_45 = tpu.memref_slice %arg7[%dma_wait3A, %dma_wait3A_44] : memref<512x32xf32, #tpu.memory_space<vmem>> -> memref<128x32xf32, #tpu.memory_space<vmem>>
    %dma_wait3A_46 = arith.constant 0 : i32
    %dma_wait3A_47 = tpu.memref_slice %arg6[%dma_wait3A_46] : memref<512xi32, #tpu.memory_space<vmem>> -> memref<128xi32, #tpu.memory_space<vmem>>
    %dma_wait3A_48 = arith.constant 0 : i32
    %dma_wait3A_49 = arith.constant 0 : i32
    %dma_wait3A_50 = tpu.memref_slice %arg2[%dma_wait3A_48, %dma_wait3A_49] : memref<100000x32xf32, #tpu.memory_space<hbm>> -> memref<100000x32xf32, #tpu.memory_space<hbm>>
    tpu.wait_indirect_dma semaphore(%arg9 : memref<!tpu.dma_semaphore, #tpu.memory_space<semaphore_mem>>) src(%dma_wait3A_50 : memref<100000x32xf32, #tpu.memory_space<hbm>>) dst(%dma_wait3A_45 : memref<128x32xf32, #tpu.memory_space<vmem>>)
    %dma_wait3A_51 = arith.constant 128 : i32
    %dma_wait3A_52 = arith.constant 0 : i32
    %dma_wait3A_53 = tpu.memref_slice %arg7[%dma_wait3A_51, %dma_wait3A_52] : memref<512x32xf32, #tpu.memory_space<vmem>> -> memref<128x32xf32, #tpu.memory_space<vmem>>
    %dma_wait3A_54 = arith.constant 128 : i32
    %dma_wait3A_55 = tpu.memref_slice %arg6[%dma_wait3A_54] : memref<512xi32, #tpu.memory_space<vmem>> -> memref<128xi32, #tpu.memory_space<vmem>>
    %dma_wait3A_56 = arith.constant 0 : i32
    %dma_wait3A_57 = arith.constant 0 : i32
    %dma_wait3A_58 = tpu.memref_slice %arg2[%dma_wait3A_56, %dma_wait3A_57] : memref<100000x32xf32, #tpu.memory_space<hbm>> -> memref<100000x32xf32, #tpu.memory_space<hbm>>
    tpu.wait_indirect_dma semaphore(%arg9 : memref<!tpu.dma_semaphore, #tpu.memory_space<semaphore_mem>>) src(%dma_wait3A_58 : memref<100000x32xf32, #tpu.memory_space<hbm>>) dst(%dma_wait3A_53 : memref<128x32xf32, #tpu.memory_space<vmem>>)
    %dma_wait3A_59 = arith.constant 256 : i32
    %dma_wait3A_60 = arith.constant 0 : i32
    %dma_wait3A_61 = tpu.memref_slice %arg7[%dma_wait3A_59, %dma_wait3A_60] : memref<512x32xf32, #tpu.memory_space<vmem>> -> memref<128x32xf32, #tpu.memory_space<vmem>>
    %dma_wait3A_62 = arith.constant 256 : i32
    %dma_wait3A_63 = tpu.memref_slice %arg6[%dma_wait3A_62] : memref<512xi32, #tpu.memory_space<vmem>> -> memref<128xi32, #tpu.memory_space<vmem>>
    %dma_wait3A_64 = arith.constant 0 : i32
    %dma_wait3A_65 = arith.constant 0 : i32
    %dma_wait3A_66 = tpu.memref_slice %arg2[%dma_wait3A_64, %dma_wait3A_65] : memref<100000x32xf32, #tpu.memory_space<hbm>> -> memref<100000x32xf32, #tpu.memory_space<hbm>>
    tpu.wait_indirect_dma semaphore(%arg9 : memref<!tpu.dma_semaphore, #tpu.memory_space<semaphore_mem>>) src(%dma_wait3A_66 : memref<100000x32xf32, #tpu.memory_space<hbm>>) dst(%dma_wait3A_61 : memref<128x32xf32, #tpu.memory_space<vmem>>)
    %dma_wait3A_67 = arith.constant 384 : i32
    %dma_wait3A_68 = arith.constant 0 : i32
    %dma_wait3A_69 = tpu.memref_slice %arg7[%dma_wait3A_67, %dma_wait3A_68] : memref<512x32xf32, #tpu.memory_space<vmem>> -> memref<128x32xf32, #tpu.memory_space<vmem>>
    %dma_wait3A_70 = arith.constant 384 : i32
    %dma_wait3A_71 = tpu.memref_slice %arg6[%dma_wait3A_70] : memref<512xi32, #tpu.memory_space<vmem>> -> memref<128xi32, #tpu.memory_space<vmem>>
    %dma_wait3A_72 = arith.constant 0 : i32
    %dma_wait3A_73 = arith.constant 0 : i32
    %dma_wait3A_74 = tpu.memref_slice %arg2[%dma_wait3A_72, %dma_wait3A_73] : memref<100000x32xf32, #tpu.memory_space<hbm>> -> memref<100000x32xf32, #tpu.memory_space<hbm>>
    tpu.wait_indirect_dma semaphore(%arg9 : memref<!tpu.dma_semaphore, #tpu.memory_space<semaphore_mem>>) src(%dma_wait3A_74 : memref<100000x32xf32, #tpu.memory_space<hbm>>) dst(%dma_wait3A_69 : memref<128x32xf32, #tpu.memory_space<vmem>>)
    %scan3A = arith.constant 0 : i32
    %scan3A_75 = arith.constant 512 : i32
    %scan3A_76 = arith.addi %scan3A, %scan3A_75 : i32
    %scan3A_77 = arith.constant 4 : i32
    scf.for %scan3A_89 = %scan3A to %scan3A_76 step %scan3A_77  : i32 {
      %mul3A_90 = arith.constant 1 : i32
      %mul3A_91 = arith.muli %scan3A_89, %mul3A_90 : i32
      %add3A_92 = arith.constant 0 : i32
      %add3A_93 = arith.addi %add3A_92, %mul3A_91 : i32
      %get3A = arith.index_cast %add3A_93 : i32 to index
      %get3A_94 = arith.constant 0 : index
      %get3A_95 = tpu.vector_load %arg7[%get3A, %get3A_94] {strides = array<i32>} : memref<512x32xf32, #tpu.memory_space<vmem>>, vector<16xf32>,
      %swap3A = arith.index_cast %add3A_93 : i32 to index
      %swap3A_96 = arith.constant 0 : index
      %swap3A_97 = tpu.vector_load %arg8[%swap3A, %swap3A_96] {strides = array<i32>} : memref<512x128xf32, #tpu.memory_space<vmem>>, vector<16xf32>,
      tpu.vector_store %arg8[%swap3A, %swap3A_96], %get3A_95 {strides = array<i32>} : memref<512x128xf32, #tpu.memory_space<vmem>>, vector<16xf32>,
      %get3A_98 = arith.index_cast %add3A_93 : i32 to index
      %get3A_99 = arith.constant 16 : index
      %get3A_100 = tpu.vector_load %arg7[%get3A_98, %get3A_99] {strides = array<i32>} : memref<512x32xf32, #tpu.memory_space<vmem>>, vector<16xf32>,
      %swap3A_101 = arith.index_cast %add3A_93 : i32 to index
      %swap3A_102 = arith.constant 16 : index
      %swap3A_103 = tpu.vector_load %arg8[%swap3A_101, %swap3A_102] {strides = array<i32>} : memref<512x128xf32, #tpu.memory_space<vmem>>, vector<16xf32>,
      tpu.vector_store %arg8[%swap3A_101, %swap3A_102], %get3A_100 {strides = array<i32>} : memref<512x128xf32, #tpu.memory_space<vmem>>, vector<16xf32>,
      %scan3A_104 = arith.constant 1 : i32
      %scan3A_105 = arith.addi %scan3A_89, %scan3A_104 : i32
      %mul3A_106 = arith.constant 1 : i32
      %mul3A_107 = arith.muli %scan3A_105, %mul3A_106 : i32
      %add3A_108 = arith.constant 0 : i32
      %add3A_109 = arith.addi %add3A_108, %mul3A_107 : i32
      %get3A_110 = arith.index_cast %add3A_109 : i32 to index
      %get3A_111 = arith.constant 0 : index
      %get3A_112 = tpu.vector_load %arg7[%get3A_110, %get3A_111] {strides = array<i32>} : memref<512x32xf32, #tpu.memory_space<vmem>>, vector<16xf32>,
      %swap3A_113 = arith.index_cast %add3A_109 : i32 to index
      %swap3A_114 = arith.constant 0 : index
      %swap3A_115 = tpu.vector_load %arg8[%swap3A_113, %swap3A_114] {strides = array<i32>} : memref<512x128xf32, #tpu.memory_space<vmem>>, vector<16xf32>,
      tpu.vector_store %arg8[%swap3A_113, %swap3A_114], %get3A_112 {strides = array<i32>} : memref<512x128xf32, #tpu.memory_space<vmem>>, vector<16xf32>,
      %get3A_116 = arith.index_cast %add3A_109 : i32 to index
      %get3A_117 = arith.constant 16 : index
      %get3A_118 = tpu.vector_load %arg7[%get3A_116, %get3A_117] {strides = array<i32>} : memref<512x32xf32, #tpu.memory_space<vmem>>, vector<16xf32>,
      %swap3A_119 = arith.index_cast %add3A_109 : i32 to index
      %swap3A_120 = arith.constant 16 : index
      %swap3A_121 = tpu.vector_load %arg8[%swap3A_119, %swap3A_120] {strides = array<i32>} : memref<512x128xf32, #tpu.memory_space<vmem>>, vector<16xf32>,
      tpu.vector_store %arg8[%swap3A_119, %swap3A_120], %get3A_118 {strides = array<i32>} : memref<512x128xf32, #tpu.memory_space<vmem>>, vector<16xf32>,
      %scan3A_122 = arith.constant 2 : i32
      %scan3A_123 = arith.addi %scan3A_89, %scan3A_122 : i32
      %mul3A_124 = arith.constant 1 : i32
      %mul3A_125 = arith.muli %scan3A_123, %mul3A_124 : i32
      %add3A_126 = arith.constant 0 : i32
      %add3A_127 = arith.addi %add3A_126, %mul3A_125 : i32
      %get3A_128 = arith.index_cast %add3A_127 : i32 to index
      %get3A_129 = arith.constant 0 : index
      %get3A_130 = tpu.vector_load %arg7[%get3A_128, %get3A_129] {strides = array<i32>} : memref<512x32xf32, #tpu.memory_space<vmem>>, vector<16xf32>,
      %swap3A_131 = arith.index_cast %add3A_127 : i32 to index
      %swap3A_132 = arith.constant 0 : index
      %swap3A_133 = tpu.vector_load %arg8[%swap3A_131, %swap3A_132] {strides = array<i32>} : memref<512x128xf32, #tpu.memory_space<vmem>>, vector<16xf32>,
      tpu.vector_store %arg8[%swap3A_131, %swap3A_132], %get3A_130 {strides = array<i32>} : memref<512x128xf32, #tpu.memory_space<vmem>>, vector<16xf32>,
      %get3A_134 = arith.index_cast %add3A_127 : i32 to index
      %get3A_135 = arith.constant 16 : index
      %get3A_136 = tpu.vector_load %arg7[%get3A_134, %get3A_135] {strides = array<i32>} : memref<512x32xf32, #tpu.memory_space<vmem>>, vector<16xf32>,
      %swap3A_137 = arith.index_cast %add3A_127 : i32 to index
      %swap3A_138 = arith.constant 16 : index
      %swap3A_139 = tpu.vector_load %arg8[%swap3A_137, %swap3A_138] {strides = array<i32>} : memref<512x128xf32, #tpu.memory_space<vmem>>, vector<16xf32>,
      tpu.vector_store %arg8[%swap3A_137, %swap3A_138], %get3A_136 {strides = array<i32>} : memref<512x128xf32, #tpu.memory_space<vmem>>, vector<16xf32>,
      %scan3A_140 = arith.constant 3 : i32
      %scan3A_141 = arith.addi %scan3A_89, %scan3A_140 : i32
      %mul3A_142 = arith.constant 1 : i32
      %mul3A_143 = arith.muli %scan3A_141, %mul3A_142 : i32
      %add3A_144 = arith.constant 0 : i32
      %add3A_145 = arith.addi %add3A_144, %mul3A_143 : i32
      %get3A_146 = arith.index_cast %add3A_145 : i32 to index
      %get3A_147 = arith.constant 0 : index
      %get3A_148 = tpu.vector_load %arg7[%get3A_146, %get3A_147] {strides = array<i32>} : memref<512x32xf32, #tpu.memory_space<vmem>>, vector<16xf32>,
      %swap3A_149 = arith.index_cast %add3A_145 : i32 to index
      %swap3A_150 = arith.constant 0 : index
      %swap3A_151 = tpu.vector_load %arg8[%swap3A_149, %swap3A_150] {strides = array<i32>} : memref<512x128xf32, #tpu.memory_space<vmem>>, vector<16xf32>,
      tpu.vector_store %arg8[%swap3A_149, %swap3A_150], %get3A_148 {strides = array<i32>} : memref<512x128xf32, #tpu.memory_space<vmem>>, vector<16xf32>,
      %get3A_152 = arith.index_cast %add3A_145 : i32 to index
      %get3A_153 = arith.constant 16 : index
      %get3A_154 = tpu.vector_load %arg7[%get3A_152, %get3A_153] {strides = array<i32>} : memref<512x32xf32, #tpu.memory_space<vmem>>, vector<16xf32>,
      %swap3A_155 = arith.index_cast %add3A_145 : i32 to index
      %swap3A_156 = arith.constant 16 : index
      %swap3A_157 = tpu.vector_load %arg8[%swap3A_155, %swap3A_156] {strides = array<i32>} : memref<512x128xf32, #tpu.memory_space<vmem>>, vector<16xf32>,
      tpu.vector_store %arg8[%swap3A_155, %swap3A_156], %get3A_154 {strides = array<i32>} : memref<512x128xf32, #tpu.memory_space<vmem>>, vector<16xf32>,
    }
    %scan3A_78 = arith.constant 512 : i32
    %dma_wait3A_79 = arith.constant 0 : i32
    %dma_wait3A_80 = arith.constant 32 : i32
    %dma_wait3A_81 = tpu.memref_slice %arg8[%dma_wait3A_79, %dma_wait3A_80] : memref<512x128xf32, #tpu.memory_space<vmem>> -> memref<512x32xf32, #tpu.memory_space<vmem>>
    %dma_wait3A_82 = arith.constant 0 : i32
    %dma_wait3A_83 = tpu.memref_slice %arg4[%mul3A_2, %dma_wait3A_82] : memref<16384x32xf32, #tpu.memory_space<hbm>> -> memref<512x32xf32, #tpu.memory_space<hbm>>
    %dma_wait3A_84 = arith.constant 0 : i32
    %dma_wait3A_85 = arith.constant 32 : i32
    %dma_wait3A_86 = tpu.memref_slice %arg8[%dma_wait3A_84, %dma_wait3A_85] : memref<512x128xf32, #tpu.memory_space<vmem>> -> memref<512x32xf32, #tpu.memory_space<vmem>>
    %dma_wait3A_87 = arith.constant 0 : i32
    %dma_wait3A_88 = tpu.memref_slice %arg4[%mul3A_2, %dma_wait3A_87] : memref<16384x32xf32, #tpu.memory_space<hbm>> -> memref<512x32xf32, #tpu.memory_space<hbm>>
    tpu.wait_dma2 semaphore(%arg10 : memref<!tpu.dma_semaphore, #tpu.memory_space<semaphore_mem>>) src(%dma_wait3A_88 : memref<512x32xf32, #tpu.memory_space<hbm>>) dst(%dma_wait3A_86 : memref<512x32xf32, #tpu.memory_space<vmem>>)
    "tpu.region"() ({
      %run_scoped3A = tpu.sem_alloc : memref<!tpu.dma_semaphore, #tpu.memory_space<semaphore_mem>>
      %dma_start3A_89 = arith.constant 0 : i32
      %dma_start3A_90 = tpu.memref_slice %arg5[%mul3A_2, %dma_start3A_89] : memref<16384x128xf32, #tpu.memory_space<hbm>> -> memref<512x128xf32, #tpu.memory_space<hbm>>
      %dma_start3A_91 = arith.constant 0 : i32
      %dma_start3A_92 = tpu.memref_slice %arg5[%mul3A_2, %dma_start3A_91] : memref<16384x128xf32, #tpu.memory_space<hbm>> -> memref<512x128xf32, #tpu.memory_space<hbm>>
      tpu.enqueue_dma source(%arg8 : memref<512x128xf32, #tpu.memory_space<vmem>>) target(%dma_start3A_92 : memref<512x128xf32, #tpu.memory_space<hbm>>) target_semaphore(%run_scoped3A : memref<!tpu.dma_semaphore, #tpu.memory_space<semaphore_mem>>)
      %dma_wait3A_93 = arith.constant 0 : i32
      %dma_wait3A_94 = tpu.memref_slice %arg5[%mul3A_2, %dma_wait3A_93] : memref<16384x128xf32, #tpu.memory_space<hbm>> -> memref<512x128xf32, #tpu.memory_space<hbm>>
      %dma_wait3A_95 = arith.constant 0 : i32
      %dma_wait3A_96 = tpu.memref_slice %arg5[%mul3A_2, %dma_wait3A_95] : memref<16384x128xf32, #tpu.memory_space<hbm>> -> memref<512x128xf32, #tpu.memory_space<hbm>>
      tpu.wait_dma2 semaphore(%run_scoped3A : memref<!tpu.dma_semaphore, #tpu.memory_space<semaphore_mem>>) src(%arg8 : memref<512x128xf32, #tpu.memory_space<vmem>>) dst(%dma_wait3A_96 : memref<512x128xf32, #tpu.memory_space<hbm>>)
      tpu.yield
    }) : () -> ()
    return
  }
}

#map = affine_map<(d0, d1) -> (0, 0)>
#map1 = affine_map<(d0, d1) -> (0)>
module attributes {stable_mosaic.version = 14 : i64} {
  func.func @sc_kernel(%arg0: i32, %arg1: i32, %arg2: memref<10000x32xbf16, #tpu.memory_space<hbm>>, %arg3: memref<327680xi32, #tpu.memory_space<hbm>>, %arg4: memref<16384x32xf32, #tpu.memory_space<hbm>>, %arg5: memref<10240xi32, #tpu.memory_space<vmem>>, %arg6: memref<2560x32xbf16, #tpu.memory_space<vmem>>, %arg7: memref<2560x32xbf16, #tpu.memory_space<vmem>>, %arg8: memref<512x32xf32, #tpu.memory_space<vmem>>, %arg9: memref<1x32xbf16, #tpu.memory_space<vmem>>, %arg10: memref<10000x32xbf16, #tpu.memory_space<vmem_shared>>, %arg11: memref<!tpu.dma_semaphore, #tpu.memory_space<semaphore_mem>>, %arg12: memref<!tpu.dma_semaphore, #tpu.memory_space<semaphore_mem>>) attributes {dimension_semantics = [#tpu.dimension_semantics<core_parallel>, #tpu.dimension_semantics<subcore_parallel>], iteration_bounds = array<i64: 2, 16>, scalar_prefetch = 0 : i64, scratch_operands = 8 : i64, tpu.core_type = #tpu.core_type<sc_vector_subcore>, window_params = [{transform_indices = #map}, {transform_indices = #map1}, {transform_indices = #map}]} {
    %mul3A = arith.constant 2 : i32
    %mul3A_0 = arith.muli %arg1, %mul3A : i32
    %add3A = arith.addi %mul3A_0, %arg0 : i32
    %mul3A_1 = arith.constant 512 : i32
    %mul3A_2 = arith.muli %add3A, %mul3A_1 : i32
    %eq3A = arith.constant 0 : i32
    %eq3A_3 = arith.cmpi eq, %arg1, %eq3A : i32
    %convert_element_type3A = arith.extui %eq3A_3 : i1 to i32
    %cond3A = arith.constant 0 : i32
    %cond3A_4 = arith.cmpi ne, %convert_element_type3A, %cond3A : i32
    scf.if %cond3A_4 {
      "tpu.region"() ({
        %run_scoped3A = tpu.sem_alloc : memref<!tpu.dma_semaphore, #tpu.memory_space<semaphore_mem>>
        tpu.enqueue_dma source(%arg2 : memref<10000x32xbf16, #tpu.memory_space<hbm>>) target(%arg10 : memref<10000x32xbf16, #tpu.memory_space<vmem_shared>>) target_semaphore(%run_scoped3A : memref<!tpu.dma_semaphore, #tpu.memory_space<semaphore_mem>>)
        tpu.wait_dma2 semaphore(%run_scoped3A : memref<!tpu.dma_semaphore, #tpu.memory_space<semaphore_mem>>) src(%arg2 : memref<10000x32xbf16, #tpu.memory_space<hbm>>) dst(%arg10 : memref<10000x32xbf16, #tpu.memory_space<vmem_shared>>)
        tpu.yield
      }) : () -> ()
    } else {
    }
    %mul3A_5 = arith.constant 20 : i32
    %mul3A_6 = arith.muli %mul3A_2, %mul3A_5 : i32
    "tpu.region"() ({
      %run_scoped3A = tpu.sem_alloc : memref<!tpu.dma_semaphore, #tpu.memory_space<semaphore_mem>>
      %dma_start3A_174 = tpu.memref_slice %arg3[%mul3A_6] : memref<327680xi32, #tpu.memory_space<hbm>> -> memref<10240xi32, #tpu.memory_space<hbm>>
      %dma_start3A_175 = tpu.memref_slice %arg3[%mul3A_6] : memref<327680xi32, #tpu.memory_space<hbm>> -> memref<10240xi32, #tpu.memory_space<hbm>>
      tpu.enqueue_dma source(%dma_start3A_175 : memref<10240xi32, #tpu.memory_space<hbm>>) target(%arg5 : memref<10240xi32, #tpu.memory_space<vmem>>) target_semaphore(%run_scoped3A : memref<!tpu.dma_semaphore, #tpu.memory_space<semaphore_mem>>)
      %dma_wait3A = tpu.memref_slice %arg3[%mul3A_6] : memref<327680xi32, #tpu.memory_space<hbm>> -> memref<10240xi32, #tpu.memory_space<hbm>>
      %dma_wait3A_176 = tpu.memref_slice %arg3[%mul3A_6] : memref<327680xi32, #tpu.memory_space<hbm>> -> memref<10240xi32, #tpu.memory_space<hbm>>
      tpu.wait_dma2 semaphore(%run_scoped3A : memref<!tpu.dma_semaphore, #tpu.memory_space<semaphore_mem>>) src(%dma_wait3A_176 : memref<10240xi32, #tpu.memory_space<hbm>>) dst(%arg5 : memref<10240xi32, #tpu.memory_space<vmem>>)
      tpu.yield
    }) : () -> ()
    "tpu.region"() ({
      %run_scoped3A = tpu.sem_alloc : memref<!tpu.dma_semaphore, #tpu.memory_space<semaphore_mem>>
      %dma_start3A_174 = arith.constant 0 : i32
      %dma_start3A_175 = arith.constant 0 : i32
      %dma_start3A_176 = tpu.memref_slice %arg2[%dma_start3A_174, %dma_start3A_175] : memref<10000x32xbf16, #tpu.memory_space<hbm>> -> memref<1x32xbf16, #tpu.memory_space<hbm>>
      %dma_start3A_177 = arith.constant 0 : i32
      %dma_start3A_178 = arith.constant 0 : i32
      %dma_start3A_179 = tpu.memref_slice %arg2[%dma_start3A_177, %dma_start3A_178] : memref<10000x32xbf16, #tpu.memory_space<hbm>> -> memref<1x32xbf16, #tpu.memory_space<hbm>>
      tpu.enqueue_dma source(%dma_start3A_179 : memref<1x32xbf16, #tpu.memory_space<hbm>>) target(%arg9 : memref<1x32xbf16, #tpu.memory_space<vmem>>) target_semaphore(%run_scoped3A : memref<!tpu.dma_semaphore, #tpu.memory_space<semaphore_mem>>)
      %dma_wait3A = arith.constant 0 : i32
      %dma_wait3A_180 = arith.constant 0 : i32
      %dma_wait3A_181 = tpu.memref_slice %arg2[%dma_wait3A, %dma_wait3A_180] : memref<10000x32xbf16, #tpu.memory_space<hbm>> -> memref<1x32xbf16, #tpu.memory_space<hbm>>
      %dma_wait3A_182 = arith.constant 0 : i32
      %dma_wait3A_183 = arith.constant 0 : i32
      %dma_wait3A_184 = tpu.memref_slice %arg2[%dma_wait3A_182, %dma_wait3A_183] : memref<10000x32xbf16, #tpu.memory_space<hbm>> -> memref<1x32xbf16, #tpu.memory_space<hbm>>
      tpu.wait_dma2 semaphore(%run_scoped3A : memref<!tpu.dma_semaphore, #tpu.memory_space<semaphore_mem>>) src(%dma_wait3A_184 : memref<1x32xbf16, #tpu.memory_space<hbm>>) dst(%arg9 : memref<1x32xbf16, #tpu.memory_space<vmem>>)
      tpu.yield
    }) : () -> ()
    %iota3A = tpu.iota {dimensions = array<i32: 0>} : vector<16xi32>
    %barrier3A = arith.constant 0 : index
    tpu.barrier barrier_id(%barrier3A)
    %get3A = arith.constant 0 : i32
    %get3A_7 = arith.index_cast %get3A : i32 to index
    %get3A_8 = arith.constant 0 : index
    %get3A_9 = tpu.vector_load %arg9[%get3A_7, %get3A_8] {strides = array<i32>} : memref<1x32xbf16, #tpu.memory_space<vmem>>, vector<32xbf16>,
    %unpack3A = tpu.unpack_subelements %get3A_9, 0 {pack_format = #tpu.pack_format<interleaved>} : vector<32xbf16> -> vector<16xf32>
    %unpack3A_10 = tpu.unpack_subelements %get3A_9, 1 {pack_format = #tpu.pack_format<interleaved>} : vector<32xbf16> -> vector<16xf32>
    %dma_start3A = arith.constant 0 : i32
    %dma_start3A_11 = arith.constant 0 : i32
    %dma_start3A_12 = tpu.memref_slice %arg6[%dma_start3A, %dma_start3A_11] : memref<2560x32xbf16, #tpu.memory_space<vmem>> -> memref<128x32xbf16, #tpu.memory_space<vmem>>
    %dma_start3A_13 = arith.constant 0 : i32
    %dma_start3A_14 = tpu.memref_slice %arg5[%dma_start3A_13] : memref<10240xi32, #tpu.memory_space<vmem>> -> memref<128xi32, #tpu.memory_space<vmem>>
    %dma_start3A_15 = arith.constant 0 : i32
    %dma_start3A_16 = arith.constant 0 : i32
    %dma_start3A_17 = tpu.memref_slice %arg10[%dma_start3A_15, %dma_start3A_16] : memref<10000x32xbf16, #tpu.memory_space<vmem_shared>> -> memref<10000x32xbf16, #tpu.memory_space<vmem_shared>>
    tpu.enqueue_indirect_dma source(%dma_start3A_17 : memref<10000x32xbf16, #tpu.memory_space<vmem_shared>>) target(%dma_start3A_12 : memref<128x32xbf16, #tpu.memory_space<vmem>>) offsets(%dma_start3A_14 : memref<128xi32, #tpu.memory_space<vmem>>) semaphore(%arg11 : memref<!tpu.dma_semaphore, #tpu.memory_space<semaphore_mem>>)
    %dma_start3A_18 = arith.constant 128 : i32
    %dma_start3A_19 = arith.constant 0 : i32
    %dma_start3A_20 = tpu.memref_slice %arg6[%dma_start3A_18, %dma_start3A_19] : memref<2560x32xbf16, #tpu.memory_space<vmem>> -> memref<128x32xbf16, #tpu.memory_space<vmem>>
    %dma_start3A_21 = arith.constant 128 : i32
    %dma_start3A_22 = tpu.memref_slice %arg5[%dma_start3A_21] : memref<10240xi32, #tpu.memory_space<vmem>> -> memref<128xi32, #tpu.memory_space<vmem>>
    %dma_start3A_23 = arith.constant 0 : i32
    %dma_start3A_24 = arith.constant 0 : i32
    %dma_start3A_25 = tpu.memref_slice %arg10[%dma_start3A_23, %dma_start3A_24] : memref<10000x32xbf16, #tpu.memory_space<vmem_shared>> -> memref<10000x32xbf16, #tpu.memory_space<vmem_shared>>
    tpu.enqueue_indirect_dma source(%dma_start3A_25 : memref<10000x32xbf16, #tpu.memory_space<vmem_shared>>) target(%dma_start3A_20 : memref<128x32xbf16, #tpu.memory_space<vmem>>) offsets(%dma_start3A_22 : memref<128xi32, #tpu.memory_space<vmem>>) semaphore(%arg11 : memref<!tpu.dma_semaphore, #tpu.memory_space<semaphore_mem>>)
    %dma_start3A_26 = arith.constant 256 : i32
    %dma_start3A_27 = arith.constant 0 : i32
    %dma_start3A_28 = tpu.memref_slice %arg6[%dma_start3A_26, %dma_start3A_27] : memref<2560x32xbf16, #tpu.memory_space<vmem>> -> memref<128x32xbf16, #tpu.memory_space<vmem>>
    %dma_start3A_29 = arith.constant 256 : i32
    %dma_start3A_30 = tpu.memref_slice %arg5[%dma_start3A_29] : memref<10240xi32, #tpu.memory_space<vmem>> -> memref<128xi32, #tpu.memory_space<vmem>>
    %dma_start3A_31 = arith.constant 0 : i32
    %dma_start3A_32 = arith.constant 0 : i32
    %dma_start3A_33 = tpu.memref_slice %arg10[%dma_start3A_31, %dma_start3A_32] : memref<10000x32xbf16, #tpu.memory_space<vmem_shared>> -> memref<10000x32xbf16, #tpu.memory_space<vmem_shared>>
    tpu.enqueue_indirect_dma source(%dma_start3A_33 : memref<10000x32xbf16, #tpu.memory_space<vmem_shared>>) target(%dma_start3A_28 : memref<128x32xbf16, #tpu.memory_space<vmem>>) offsets(%dma_start3A_30 : memref<128xi32, #tpu.memory_space<vmem>>) semaphore(%arg11 : memref<!tpu.dma_semaphore, #tpu.memory_space<semaphore_mem>>)
    %dma_start3A_34 = arith.constant 384 : i32
    %dma_start3A_35 = arith.constant 0 : i32
    %dma_start3A_36 = tpu.memref_slice %arg6[%dma_start3A_34, %dma_start3A_35] : memref<2560x32xbf16, #tpu.memory_space<vmem>> -> memref<128x32xbf16, #tpu.memory_space<vmem>>
    %dma_start3A_37 = arith.constant 384 : i32
    %dma_start3A_38 = tpu.memref_slice %arg5[%dma_start3A_37] : memref<10240xi32, #tpu.memory_space<vmem>> -> memref<128xi32, #tpu.memory_space<vmem>>
    %dma_start3A_39 = arith.constant 0 : i32
    %dma_start3A_40 = arith.constant 0 : i32
    %dma_start3A_41 = tpu.memref_slice %arg10[%dma_start3A_39, %dma_start3A_40] : memref<10000x32xbf16, #tpu.memory_space<vmem_shared>> -> memref<10000x32xbf16, #tpu.memory_space<vmem_shared>>
    tpu.enqueue_indirect_dma source(%dma_start3A_41 : memref<10000x32xbf16, #tpu.memory_space<vmem_shared>>) target(%dma_start3A_36 : memref<128x32xbf16, #tpu.memory_space<vmem>>) offsets(%dma_start3A_38 : memref<128xi32, #tpu.memory_space<vmem>>) semaphore(%arg11 : memref<!tpu.dma_semaphore, #tpu.memory_space<semaphore_mem>>)
    %dma_start3A_42 = arith.constant 512 : i32
    %dma_start3A_43 = arith.constant 0 : i32
    %dma_start3A_44 = tpu.memref_slice %arg6[%dma_start3A_42, %dma_start3A_43] : memref<2560x32xbf16, #tpu.memory_space<vmem>> -> memref<128x32xbf16, #tpu.memory_space<vmem>>
    %dma_start3A_45 = arith.constant 512 : i32
    %dma_start3A_46 = tpu.memref_slice %arg5[%dma_start3A_45] : memref<10240xi32, #tpu.memory_space<vmem>> -> memref<128xi32, #tpu.memory_space<vmem>>
    %dma_start3A_47 = arith.constant 0 : i32
    %dma_start3A_48 = arith.constant 0 : i32
    %dma_start3A_49 = tpu.memref_slice %arg10[%dma_start3A_47, %dma_start3A_48] : memref<10000x32xbf16, #tpu.memory_space<vmem_shared>> -> memref<10000x32xbf16, #tpu.memory_space<vmem_shared>>
    tpu.enqueue_indirect_dma source(%dma_start3A_49 : memref<10000x32xbf16, #tpu.memory_space<vmem_shared>>) target(%dma_start3A_44 : memref<128x32xbf16, #tpu.memory_space<vmem>>) offsets(%dma_start3A_46 : memref<128xi32, #tpu.memory_space<vmem>>) semaphore(%arg11 : memref<!tpu.dma_semaphore, #tpu.memory_space<semaphore_mem>>)
    %dma_start3A_50 = arith.constant 640 : i32
    %dma_start3A_51 = arith.constant 0 : i32
    %dma_start3A_52 = tpu.memref_slice %arg6[%dma_start3A_50, %dma_start3A_51] : memref<2560x32xbf16, #tpu.memory_space<vmem>> -> memref<128x32xbf16, #tpu.memory_space<vmem>>
    %dma_start3A_53 = arith.constant 640 : i32
    %dma_start3A_54 = tpu.memref_slice %arg5[%dma_start3A_53] : memref<10240xi32, #tpu.memory_space<vmem>> -> memref<128xi32, #tpu.memory_space<vmem>>
    %dma_start3A_55 = arith.constant 0 : i32
    %dma_start3A_56 = arith.constant 0 : i32
    %dma_start3A_57 = tpu.memref_slice %arg10[%dma_start3A_55, %dma_start3A_56] : memref<10000x32xbf16, #tpu.memory_space<vmem_shared>> -> memref<10000x32xbf16, #tpu.memory_space<vmem_shared>>
    tpu.enqueue_indirect_dma source(%dma_start3A_57 : memref<10000x32xbf16, #tpu.memory_space<vmem_shared>>) target(%dma_start3A_52 : memref<128x32xbf16, #tpu.memory_space<vmem>>) offsets(%dma_start3A_54 : memref<128xi32, #tpu.memory_space<vmem>>) semaphore(%arg11 : memref<!tpu.dma_semaphore, #tpu.memory_space<semaphore_mem>>)
    %dma_start3A_58 = arith.constant 768 : i32
    %dma_start3A_59 = arith.constant 0 : i32
    %dma_start3A_60 = tpu.memref_slice %arg6[%dma_start3A_58, %dma_start3A_59] : memref<2560x32xbf16, #tpu.memory_space<vmem>> -> memref<128x32xbf16, #tpu.memory_space<vmem>>
    %dma_start3A_61 = arith.constant 768 : i32
    %dma_start3A_62 = tpu.memref_slice %arg5[%dma_start3A_61] : memref<10240xi32, #tpu.memory_space<vmem>> -> memref<128xi32, #tpu.memory_space<vmem>>
    %dma_start3A_63 = arith.constant 0 : i32
    %dma_start3A_64 = arith.constant 0 : i32
    %dma_start3A_65 = tpu.memref_slice %arg10[%dma_start3A_63, %dma_start3A_64] : memref<10000x32xbf16, #tpu.memory_space<vmem_shared>> -> memref<10000x32xbf16, #tpu.memory_space<vmem_shared>>
    tpu.enqueue_indirect_dma source(%dma_start3A_65 : memref<10000x32xbf16, #tpu.memory_space<vmem_shared>>) target(%dma_start3A_60 : memref<128x32xbf16, #tpu.memory_space<vmem>>) offsets(%dma_start3A_62 : memref<128xi32, #tpu.memory_space<vmem>>) semaphore(%arg11 : memref<!tpu.dma_semaphore, #tpu.memory_space<semaphore_mem>>)
    %dma_start3A_66 = arith.constant 896 : i32
    %dma_start3A_67 = arith.constant 0 : i32
    %dma_start3A_68 = tpu.memref_slice %arg6[%dma_start3A_66, %dma_start3A_67] : memref<2560x32xbf16, #tpu.memory_space<vmem>> -> memref<128x32xbf16, #tpu.memory_space<vmem>>
    %dma_start3A_69 = arith.constant 896 : i32
    %dma_start3A_70 = tpu.memref_slice %arg5[%dma_start3A_69] : memref<10240xi32, #tpu.memory_space<vmem>> -> memref<128xi32, #tpu.memory_space<vmem>>
    %dma_start3A_71 = arith.constant 0 : i32
    %dma_start3A_72 = arith.constant 0 : i32
    %dma_start3A_73 = tpu.memref_slice %arg10[%dma_start3A_71, %dma_start3A_72] : memref<10000x32xbf16, #tpu.memory_space<vmem_shared>> -> memref<10000x32xbf16, #tpu.memory_space<vmem_shared>>
    tpu.enqueue_indirect_dma source(%dma_start3A_73 : memref<10000x32xbf16, #tpu.memory_space<vmem_shared>>) target(%dma_start3A_68 : memref<128x32xbf16, #tpu.memory_space<vmem>>) offsets(%dma_start3A_70 : memref<128xi32, #tpu.memory_space<vmem>>) semaphore(%arg11 : memref<!tpu.dma_semaphore, #tpu.memory_space<semaphore_mem>>)
    %dma_start3A_74 = arith.constant 1024 : i32
    %dma_start3A_75 = arith.constant 0 : i32
    %dma_start3A_76 = tpu.memref_slice %arg6[%dma_start3A_74, %dma_start3A_75] : memref<2560x32xbf16, #tpu.memory_space<vmem>> -> memref<128x32xbf16, #tpu.memory_space<vmem>>
    %dma_start3A_77 = arith.constant 1024 : i32
    %dma_start3A_78 = tpu.memref_slice %arg5[%dma_start3A_77] : memref<10240xi32, #tpu.memory_space<vmem>> -> memref<128xi32, #tpu.memory_space<vmem>>
    %dma_start3A_79 = arith.constant 0 : i32
    %dma_start3A_80 = arith.constant 0 : i32
    %dma_start3A_81 = tpu.memref_slice %arg10[%dma_start3A_79, %dma_start3A_80] : memref<10000x32xbf16, #tpu.memory_space<vmem_shared>> -> memref<10000x32xbf16, #tpu.memory_space<vmem_shared>>
    tpu.enqueue_indirect_dma source(%dma_start3A_81 : memref<10000x32xbf16, #tpu.memory_space<vmem_shared>>) target(%dma_start3A_76 : memref<128x32xbf16, #tpu.memory_space<vmem>>) offsets(%dma_start3A_78 : memref<128xi32, #tpu.memory_space<vmem>>) semaphore(%arg11 : memref<!tpu.dma_semaphore, #tpu.memory_space<semaphore_mem>>)
    %dma_start3A_82 = arith.constant 1152 : i32
    %dma_start3A_83 = arith.constant 0 : i32
    %dma_start3A_84 = tpu.memref_slice %arg6[%dma_start3A_82, %dma_start3A_83] : memref<2560x32xbf16, #tpu.memory_space<vmem>> -> memref<128x32xbf16, #tpu.memory_space<vmem>>
    %dma_start3A_85 = arith.constant 1152 : i32
    %dma_start3A_86 = tpu.memref_slice %arg5[%dma_start3A_85] : memref<10240xi32, #tpu.memory_space<vmem>> -> memref<128xi32, #tpu.memory_space<vmem>>
    %dma_start3A_87 = arith.constant 0 : i32
    %dma_start3A_88 = arith.constant 0 : i32
    %dma_start3A_89 = tpu.memref_slice %arg10[%dma_start3A_87, %dma_start3A_88] : memref<10000x32xbf16, #tpu.memory_space<vmem_shared>> -> memref<10000x32xbf16, #tpu.memory_space<vmem_shared>>
    tpu.enqueue_indirect_dma source(%dma_start3A_89 : memref<10000x32xbf16, #tpu.memory_space<vmem_shared>>) target(%dma_start3A_84 : memref<128x32xbf16, #tpu.memory_space<vmem>>) offsets(%dma_start3A_86 : memref<128xi32, #tpu.memory_space<vmem>>) semaphore(%arg11 : memref<!tpu.dma_semaphore, #tpu.memory_space<semaphore_mem>>)
    %dma_start3A_90 = arith.constant 1280 : i32
    %dma_start3A_91 = arith.constant 0 : i32
    %dma_start3A_92 = tpu.memref_slice %arg6[%dma_start3A_90, %dma_start3A_91] : memref<2560x32xbf16, #tpu.memory_space<vmem>> -> memref<128x32xbf16, #tpu.memory_space<vmem>>
    %dma_start3A_93 = arith.constant 1280 : i32
    %dma_start3A_94 = tpu.memref_slice %arg5[%dma_start3A_93] : memref<10240xi32, #tpu.memory_space<vmem>> -> memref<128xi32, #tpu.memory_space<vmem>>
    %dma_start3A_95 = arith.constant 0 : i32
    %dma_start3A_96 = arith.constant 0 : i32
    %dma_start3A_97 = tpu.memref_slice %arg10[%dma_start3A_95, %dma_start3A_96] : memref<10000x32xbf16, #tpu.memory_space<vmem_shared>> -> memref<10000x32xbf16, #tpu.memory_space<vmem_shared>>
    tpu.enqueue_indirect_dma source(%dma_start3A_97 : memref<10000x32xbf16, #tpu.memory_space<vmem_shared>>) target(%dma_start3A_92 : memref<128x32xbf16, #tpu.memory_space<vmem>>) offsets(%dma_start3A_94 : memref<128xi32, #tpu.memory_space<vmem>>) semaphore(%arg11 : memref<!tpu.dma_semaphore, #tpu.memory_space<semaphore_mem>>)
    %dma_start3A_98 = arith.constant 1408 : i32
    %dma_start3A_99 = arith.constant 0 : i32
    %dma_start3A_100 = tpu.memref_slice %arg6[%dma_start3A_98, %dma_start3A_99] : memref<2560x32xbf16, #tpu.memory_space<vmem>> -> memref<128x32xbf16, #tpu.memory_space<vmem>>
    %dma_start3A_101 = arith.constant 1408 : i32
    %dma_start3A_102 = tpu.memref_slice %arg5[%dma_start3A_101] : memref<10240xi32, #tpu.memory_space<vmem>> -> memref<128xi32, #tpu.memory_space<vmem>>
    %dma_start3A_103 = arith.constant 0 : i32
    %dma_start3A_104 = arith.constant 0 : i32
    %dma_start3A_105 = tpu.memref_slice %arg10[%dma_start3A_103, %dma_start3A_104] : memref<10000x32xbf16, #tpu.memory_space<vmem_shared>> -> memref<10000x32xbf16, #tpu.memory_space<vmem_shared>>
    tpu.enqueue_indirect_dma source(%dma_start3A_105 : memref<10000x32xbf16, #tpu.memory_space<vmem_shared>>) target(%dma_start3A_100 : memref<128x32xbf16, #tpu.memory_space<vmem>>) offsets(%dma_start3A_102 : memref<128xi32, #tpu.memory_space<vmem>>) semaphore(%arg11 : memref<!tpu.dma_semaphore, #tpu.memory_space<semaphore_mem>>)
    %dma_start3A_106 = arith.constant 1536 : i32
    %dma_start3A_107 = arith.constant 0 : i32
    %dma_start3A_108 = tpu.memref_slice %arg6[%dma_start3A_106, %dma_start3A_107] : memref<2560x32xbf16, #tpu.memory_space<vmem>> -> memref<128x32xbf16, #tpu.memory_space<vmem>>
    %dma_start3A_109 = arith.constant 1536 : i32
    %dma_start3A_110 = tpu.memref_slice %arg5[%dma_start3A_109] : memref<10240xi32, #tpu.memory_space<vmem>> -> memref<128xi32, #tpu.memory_space<vmem>>
    %dma_start3A_111 = arith.constant 0 : i32
    %dma_start3A_112 = arith.constant 0 : i32
    %dma_start3A_113 = tpu.memref_slice %arg10[%dma_start3A_111, %dma_start3A_112] : memref<10000x32xbf16, #tpu.memory_space<vmem_shared>> -> memref<10000x32xbf16, #tpu.memory_space<vmem_shared>>
    tpu.enqueue_indirect_dma source(%dma_start3A_113 : memref<10000x32xbf16, #tpu.memory_space<vmem_shared>>) target(%dma_start3A_108 : memref<128x32xbf16, #tpu.memory_space<vmem>>) offsets(%dma_start3A_110 : memref<128xi32, #tpu.memory_space<vmem>>) semaphore(%arg11 : memref<!tpu.dma_semaphore, #tpu.memory_space<semaphore_mem>>)
    %dma_start3A_114 = arith.constant 1664 : i32
    %dma_start3A_115 = arith.constant 0 : i32
    %dma_start3A_116 = tpu.memref_slice %arg6[%dma_start3A_114, %dma_start3A_115] : memref<2560x32xbf16, #tpu.memory_space<vmem>> -> memref<128x32xbf16, #tpu.memory_space<vmem>>
    %dma_start3A_117 = arith.constant 1664 : i32
    %dma_start3A_118 = tpu.memref_slice %arg5[%dma_start3A_117] : memref<10240xi32, #tpu.memory_space<vmem>> -> memref<128xi32, #tpu.memory_space<vmem>>
    %dma_start3A_119 = arith.constant 0 : i32
    %dma_start3A_120 = arith.constant 0 : i32
    %dma_start3A_121 = tpu.memref_slice %arg10[%dma_start3A_119, %dma_start3A_120] : memref<10000x32xbf16, #tpu.memory_space<vmem_shared>> -> memref<10000x32xbf16, #tpu.memory_space<vmem_shared>>
    tpu.enqueue_indirect_dma source(%dma_start3A_121 : memref<10000x32xbf16, #tpu.memory_space<vmem_shared>>) target(%dma_start3A_116 : memref<128x32xbf16, #tpu.memory_space<vmem>>) offsets(%dma_start3A_118 : memref<128xi32, #tpu.memory_space<vmem>>) semaphore(%arg11 : memref<!tpu.dma_semaphore, #tpu.memory_space<semaphore_mem>>)
    %dma_start3A_122 = arith.constant 1792 : i32
    %dma_start3A_123 = arith.constant 0 : i32
    %dma_start3A_124 = tpu.memref_slice %arg6[%dma_start3A_122, %dma_start3A_123] : memref<2560x32xbf16, #tpu.memory_space<vmem>> -> memref<128x32xbf16, #tpu.memory_space<vmem>>
    %dma_start3A_125 = arith.constant 1792 : i32
    %dma_start3A_126 = tpu.memref_slice %arg5[%dma_start3A_125] : memref<10240xi32, #tpu.memory_space<vmem>> -> memref<128xi32, #tpu.memory_space<vmem>>
    %dma_start3A_127 = arith.constant 0 : i32
    %dma_start3A_128 = arith.constant 0 : i32
    %dma_start3A_129 = tpu.memref_slice %arg10[%dma_start3A_127, %dma_start3A_128] : memref<10000x32xbf16, #tpu.memory_space<vmem_shared>> -> memref<10000x32xbf16, #tpu.memory_space<vmem_shared>>
    tpu.enqueue_indirect_dma source(%dma_start3A_129 : memref<10000x32xbf16, #tpu.memory_space<vmem_shared>>) target(%dma_start3A_124 : memref<128x32xbf16, #tpu.memory_space<vmem>>) offsets(%dma_start3A_126 : memref<128xi32, #tpu.memory_space<vmem>>) semaphore(%arg11 : memref<!tpu.dma_semaphore, #tpu.memory_space<semaphore_mem>>)
    %dma_start3A_130 = arith.constant 1920 : i32
    %dma_start3A_131 = arith.constant 0 : i32
    %dma_start3A_132 = tpu.memref_slice %arg6[%dma_start3A_130, %dma_start3A_131] : memref<2560x32xbf16, #tpu.memory_space<vmem>> -> memref<128x32xbf16, #tpu.memory_space<vmem>>
    %dma_start3A_133 = arith.constant 1920 : i32
    %dma_start3A_134 = tpu.memref_slice %arg5[%dma_start3A_133] : memref<10240xi32, #tpu.memory_space<vmem>> -> memref<128xi32, #tpu.memory_space<vmem>>
    %dma_start3A_135 = arith.constant 0 : i32
    %dma_start3A_136 = arith.constant 0 : i32
    %dma_start3A_137 = tpu.memref_slice %arg10[%dma_start3A_135, %dma_start3A_136] : memref<10000x32xbf16, #tpu.memory_space<vmem_shared>> -> memref<10000x32xbf16, #tpu.memory_space<vmem_shared>>
    tpu.enqueue_indirect_dma source(%dma_start3A_137 : memref<10000x32xbf16, #tpu.memory_space<vmem_shared>>) target(%dma_start3A_132 : memref<128x32xbf16, #tpu.memory_space<vmem>>) offsets(%dma_start3A_134 : memref<128xi32, #tpu.memory_space<vmem>>) semaphore(%arg11 : memref<!tpu.dma_semaphore, #tpu.memory_space<semaphore_mem>>)
    %dma_start3A_138 = arith.constant 2048 : i32
    %dma_start3A_139 = arith.constant 0 : i32
    %dma_start3A_140 = tpu.memref_slice %arg6[%dma_start3A_138, %dma_start3A_139] : memref<2560x32xbf16, #tpu.memory_space<vmem>> -> memref<128x32xbf16, #tpu.memory_space<vmem>>
    %dma_start3A_141 = arith.constant 2048 : i32
    %dma_start3A_142 = tpu.memref_slice %arg5[%dma_start3A_141] : memref<10240xi32, #tpu.memory_space<vmem>> -> memref<128xi32, #tpu.memory_space<vmem>>
    %dma_start3A_143 = arith.constant 0 : i32
    %dma_start3A_144 = arith.constant 0 : i32
    %dma_start3A_145 = tpu.memref_slice %arg10[%dma_start3A_143, %dma_start3A_144] : memref<10000x32xbf16, #tpu.memory_space<vmem_shared>> -> memref<10000x32xbf16, #tpu.memory_space<vmem_shared>>
    tpu.enqueue_indirect_dma source(%dma_start3A_145 : memref<10000x32xbf16, #tpu.memory_space<vmem_shared>>) target(%dma_start3A_140 : memref<128x32xbf16, #tpu.memory_space<vmem>>) offsets(%dma_start3A_142 : memref<128xi32, #tpu.memory_space<vmem>>) semaphore(%arg11 : memref<!tpu.dma_semaphore, #tpu.memory_space<semaphore_mem>>)
    %dma_start3A_146 = arith.constant 2176 : i32
    %dma_start3A_147 = arith.constant 0 : i32
    %dma_start3A_148 = tpu.memref_slice %arg6[%dma_start3A_146, %dma_start3A_147] : memref<2560x32xbf16, #tpu.memory_space<vmem>> -> memref<128x32xbf16, #tpu.memory_space<vmem>>
    %dma_start3A_149 = arith.constant 2176 : i32
    %dma_start3A_150 = tpu.memref_slice %arg5[%dma_start3A_149] : memref<10240xi32, #tpu.memory_space<vmem>> -> memref<128xi32, #tpu.memory_space<vmem>>
    %dma_start3A_151 = arith.constant 0 : i32
    %dma_start3A_152 = arith.constant 0 : i32
    %dma_start3A_153 = tpu.memref_slice %arg10[%dma_start3A_151, %dma_start3A_152] : memref<10000x32xbf16, #tpu.memory_space<vmem_shared>> -> memref<10000x32xbf16, #tpu.memory_space<vmem_shared>>
    tpu.enqueue_indirect_dma source(%dma_start3A_153 : memref<10000x32xbf16, #tpu.memory_space<vmem_shared>>) target(%dma_start3A_148 : memref<128x32xbf16, #tpu.memory_space<vmem>>) offsets(%dma_start3A_150 : memref<128xi32, #tpu.memory_space<vmem>>) semaphore(%arg11 : memref<!tpu.dma_semaphore, #tpu.memory_space<semaphore_mem>>)
    %dma_start3A_154 = arith.constant 2304 : i32
    %dma_start3A_155 = arith.constant 0 : i32
    %dma_start3A_156 = tpu.memref_slice %arg6[%dma_start3A_154, %dma_start3A_155] : memref<2560x32xbf16, #tpu.memory_space<vmem>> -> memref<128x32xbf16, #tpu.memory_space<vmem>>
    %dma_start3A_157 = arith.constant 2304 : i32
    %dma_start3A_158 = tpu.memref_slice %arg5[%dma_start3A_157] : memref<10240xi32, #tpu.memory_space<vmem>> -> memref<128xi32, #tpu.memory_space<vmem>>
    %dma_start3A_159 = arith.constant 0 : i32
    %dma_start3A_160 = arith.constant 0 : i32
    %dma_start3A_161 = tpu.memref_slice %arg10[%dma_start3A_159, %dma_start3A_160] : memref<10000x32xbf16, #tpu.memory_space<vmem_shared>> -> memref<10000x32xbf16, #tpu.memory_space<vmem_shared>>
    tpu.enqueue_indirect_dma source(%dma_start3A_161 : memref<10000x32xbf16, #tpu.memory_space<vmem_shared>>) target(%dma_start3A_156 : memref<128x32xbf16, #tpu.memory_space<vmem>>) offsets(%dma_start3A_158 : memref<128xi32, #tpu.memory_space<vmem>>) semaphore(%arg11 : memref<!tpu.dma_semaphore, #tpu.memory_space<semaphore_mem>>)
    %dma_start3A_162 = arith.constant 2432 : i32
    %dma_start3A_163 = arith.constant 0 : i32
    %dma_start3A_164 = tpu.memref_slice %arg6[%dma_start3A_162, %dma_start3A_163] : memref<2560x32xbf16, #tpu.memory_space<vmem>> -> memref<128x32xbf16, #tpu.memory_space<vmem>>
    %dma_start3A_165 = arith.constant 2432 : i32
    %dma_start3A_166 = tpu.memref_slice %arg5[%dma_start3A_165] : memref<10240xi32, #tpu.memory_space<vmem>> -> memref<128xi32, #tpu.memory_space<vmem>>
    %dma_start3A_167 = arith.constant 0 : i32
    %dma_start3A_168 = arith.constant 0 : i32
    %dma_start3A_169 = tpu.memref_slice %arg10[%dma_start3A_167, %dma_start3A_168] : memref<10000x32xbf16, #tpu.memory_space<vmem_shared>> -> memref<10000x32xbf16, #tpu.memory_space<vmem_shared>>
    tpu.enqueue_indirect_dma source(%dma_start3A_169 : memref<10000x32xbf16, #tpu.memory_space<vmem_shared>>) target(%dma_start3A_164 : memref<128x32xbf16, #tpu.memory_space<vmem>>) offsets(%dma_start3A_166 : memref<128xi32, #tpu.memory_space<vmem>>) semaphore(%arg11 : memref<!tpu.dma_semaphore, #tpu.memory_space<semaphore_mem>>)
    %scan3A = arith.constant 0 : i32
    %scan3A_170 = arith.constant 2 : i32
    %scan3A_171 = arith.addi %scan3A, %scan3A_170 : i32
    %scan3A_172 = arith.constant 1 : i32
    scf.for %scan3A_174 = %scan3A to %scan3A_171 step %scan3A_172  : i32 {
      %mul3A_175 = arith.constant 1 : i32
      %mul3A_176 = arith.muli %scan3A_174, %mul3A_175 : i32
      %add3A_177 = arith.constant 0 : i32
      %add3A_178 = arith.addi %add3A_177, %mul3A_176 : i32
      %mul3A_179 = arith.constant 2 : i32
      %mul3A_180 = arith.muli %mul3A_179, %add3A_178 : i32
      %add3A_181 = arith.constant 1 : i32
      %add3A_182 = arith.addi %mul3A_180, %add3A_181 : i32
      %mul3A_183 = arith.constant 2560 : i32
      %mul3A_184 = arith.muli %add3A_182, %mul3A_183 : i32
      %add3A_185 = arith.constant 0 : i32
      %add3A_186 = arith.addi %mul3A_184, %add3A_185 : i32
      %dma_start3A_187 = arith.constant 0 : i32
      %dma_start3A_188 = arith.constant 0 : i32
      %dma_start3A_189 = tpu.memref_slice %arg7[%dma_start3A_187, %dma_start3A_188] : memref<2560x32xbf16, #tpu.memory_space<vmem>> -> memref<128x32xbf16, #tpu.memory_space<vmem>>
      %dma_start3A_190 = tpu.memref_slice %arg5[%add3A_186] : memref<10240xi32, #tpu.memory_space<vmem>> -> memref<128xi32, #tpu.memory_space<vmem>>
      %dma_start3A_191 = arith.constant 0 : i32
      %dma_start3A_192 = arith.constant 0 : i32
      %dma_start3A_193 = tpu.memref_slice %arg10[%dma_start3A_191, %dma_start3A_192] : memref<10000x32xbf16, #tpu.memory_space<vmem_shared>> -> memref<10000x32xbf16, #tpu.memory_space<vmem_shared>>
      tpu.enqueue_indirect_dma source(%dma_start3A_193 : memref<10000x32xbf16, #tpu.memory_space<vmem_shared>>) target(%dma_start3A_189 : memref<128x32xbf16, #tpu.memory_space<vmem>>) offsets(%dma_start3A_190 : memref<128xi32, #tpu.memory_space<vmem>>) semaphore(%arg12 : memref<!tpu.dma_semaphore, #tpu.memory_space<semaphore_mem>>)
      %mul3A_194 = arith.constant 2560 : i32
      %mul3A_195 = arith.muli %add3A_182, %mul3A_194 : i32
      %add3A_196 = arith.constant 128 : i32
      %add3A_197 = arith.addi %mul3A_195, %add3A_196 : i32
      %dma_start3A_198 = arith.constant 128 : i32
      %dma_start3A_199 = arith.constant 0 : i32
      %dma_start3A_200 = tpu.memref_slice %arg7[%dma_start3A_198, %dma_start3A_199] : memref<2560x32xbf16, #tpu.memory_space<vmem>> -> memref<128x32xbf16, #tpu.memory_space<vmem>>
      %dma_start3A_201 = tpu.memref_slice %arg5[%add3A_197] : memref<10240xi32, #tpu.memory_space<vmem>> -> memref<128xi32, #tpu.memory_space<vmem>>
      %dma_start3A_202 = arith.constant 0 : i32
      %dma_start3A_203 = arith.constant 0 : i32
      %dma_start3A_204 = tpu.memref_slice %arg10[%dma_start3A_202, %dma_start3A_203] : memref<10000x32xbf16, #tpu.memory_space<vmem_shared>> -> memref<10000x32xbf16, #tpu.memory_space<vmem_shared>>
      tpu.enqueue_indirect_dma source(%dma_start3A_204 : memref<10000x32xbf16, #tpu.memory_space<vmem_shared>>) target(%dma_start3A_200 : memref<128x32xbf16, #tpu.memory_space<vmem>>) offsets(%dma_start3A_201 : memref<128xi32, #tpu.memory_space<vmem>>) semaphore(%arg12 : memref<!tpu.dma_semaphore, #tpu.memory_space<semaphore_mem>>)
      %mul3A_205 = arith.constant 2560 : i32
      %mul3A_206 = arith.muli %add3A_182, %mul3A_205 : i32
      %add3A_207 = arith.constant 256 : i32
      %add3A_208 = arith.addi %mul3A_206, %add3A_207 : i32
      %dma_start3A_209 = arith.constant 256 : i32
      %dma_start3A_210 = arith.constant 0 : i32
      %dma_start3A_211 = tpu.memref_slice %arg7[%dma_start3A_209, %dma_start3A_210] : memref<2560x32xbf16, #tpu.memory_space<vmem>> -> memref<128x32xbf16, #tpu.memory_space<vmem>>
      %dma_start3A_212 = tpu.memref_slice %arg5[%add3A_208] : memref<10240xi32, #tpu.memory_space<vmem>> -> memref<128xi32, #tpu.memory_space<vmem>>
      %dma_start3A_213 = arith.constant 0 : i32
      %dma_start3A_214 = arith.constant 0 : i32
      %dma_start3A_215 = tpu.memref_slice %arg10[%dma_start3A_213, %dma_start3A_214] : memref<10000x32xbf16, #tpu.memory_space<vmem_shared>> -> memref<10000x32xbf16, #tpu.memory_space<vmem_shared>>
      tpu.enqueue_indirect_dma source(%dma_start3A_215 : memref<10000x32xbf16, #tpu.memory_space<vmem_shared>>) target(%dma_start3A_211 : memref<128x32xbf16, #tpu.memory_space<vmem>>) offsets(%dma_start3A_212 : memref<128xi32, #tpu.memory_space<vmem>>) semaphore(%arg12 : memref<!tpu.dma_semaphore, #tpu.memory_space<semaphore_mem>>)
      %mul3A_216 = arith.constant 2560 : i32
      %mul3A_217 = arith.muli %add3A_182, %mul3A_216 : i32
      %add3A_218 = arith.constant 384 : i32
      %add3A_219 = arith.addi %mul3A_217, %add3A_218 : i32
      %dma_start3A_220 = arith.constant 384 : i32
      %dma_start3A_221 = arith.constant 0 : i32
      %dma_start3A_222 = tpu.memref_slice %arg7[%dma_start3A_220, %dma_start3A_221] : memref<2560x32xbf16, #tpu.memory_space<vmem>> -> memref<128x32xbf16, #tpu.memory_space<vmem>>
      %dma_start3A_223 = tpu.memref_slice %arg5[%add3A_219] : memref<10240xi32, #tpu.memory_space<vmem>> -> memref<128xi32, #tpu.memory_space<vmem>>
      %dma_start3A_224 = arith.constant 0 : i32
      %dma_start3A_225 = arith.constant 0 : i32
      %dma_start3A_226 = tpu.memref_slice %arg10[%dma_start3A_224, %dma_start3A_225] : memref<10000x32xbf16, #tpu.memory_space<vmem_shared>> -> memref<10000x32xbf16, #tpu.memory_space<vmem_shared>>
      tpu.enqueue_indirect_dma source(%dma_start3A_226 : memref<10000x32xbf16, #tpu.memory_space<vmem_shared>>) target(%dma_start3A_222 : memref<128x32xbf16, #tpu.memory_space<vmem>>) offsets(%dma_start3A_223 : memref<128xi32, #tpu.memory_space<vmem>>) semaphore(%arg12 : memref<!tpu.dma_semaphore, #tpu.memory_space<semaphore_mem>>)
      %mul3A_227 = arith.constant 2560 : i32
      %mul3A_228 = arith.muli %add3A_182, %mul3A_227 : i32
      %add3A_229 = arith.constant 512 : i32
      %add3A_230 = arith.addi %mul3A_228, %add3A_229 : i32
      %dma_start3A_231 = arith.constant 512 : i32
      %dma_start3A_232 = arith.constant 0 : i32
      %dma_start3A_233 = tpu.memref_slice %arg7[%dma_start3A_231, %dma_start3A_232] : memref<2560x32xbf16, #tpu.memory_space<vmem>> -> memref<128x32xbf16, #tpu.memory_space<vmem>>
      %dma_start3A_234 = tpu.memref_slice %arg5[%add3A_230] : memref<10240xi32, #tpu.memory_space<vmem>> -> memref<128xi32, #tpu.memory_space<vmem>>
      %dma_start3A_235 = arith.constant 0 : i32
      %dma_start3A_236 = arith.constant 0 : i32
      %dma_start3A_237 = tpu.memref_slice %arg10[%dma_start3A_235, %dma_start3A_236] : memref<10000x32xbf16, #tpu.memory_space<vmem_shared>> -> memref<10000x32xbf16, #tpu.memory_space<vmem_shared>>
      tpu.enqueue_indirect_dma source(%dma_start3A_237 : memref<10000x32xbf16, #tpu.memory_space<vmem_shared>>) target(%dma_start3A_233 : memref<128x32xbf16, #tpu.memory_space<vmem>>) offsets(%dma_start3A_234 : memref<128xi32, #tpu.memory_space<vmem>>) semaphore(%arg12 : memref<!tpu.dma_semaphore, #tpu.memory_space<semaphore_mem>>)
      %mul3A_238 = arith.constant 2560 : i32
      %mul3A_239 = arith.muli %add3A_182, %mul3A_238 : i32
      %add3A_240 = arith.constant 640 : i32
      %add3A_241 = arith.addi %mul3A_239, %add3A_240 : i32
      %dma_start3A_242 = arith.constant 640 : i32
      %dma_start3A_243 = arith.constant 0 : i32
      %dma_start3A_244 = tpu.memref_slice %arg7[%dma_start3A_242, %dma_start3A_243] : memref<2560x32xbf16, #tpu.memory_space<vmem>> -> memref<128x32xbf16, #tpu.memory_space<vmem>>
      %dma_start3A_245 = tpu.memref_slice %arg5[%add3A_241] : memref<10240xi32, #tpu.memory_space<vmem>> -> memref<128xi32, #tpu.memory_space<vmem>>
      %dma_start3A_246 = arith.constant 0 : i32
      %dma_start3A_247 = arith.constant 0 : i32
      %dma_start3A_248 = tpu.memref_slice %arg10[%dma_start3A_246, %dma_start3A_247] : memref<10000x32xbf16, #tpu.memory_space<vmem_shared>> -> memref<10000x32xbf16, #tpu.memory_space<vmem_shared>>
      tpu.enqueue_indirect_dma source(%dma_start3A_248 : memref<10000x32xbf16, #tpu.memory_space<vmem_shared>>) target(%dma_start3A_244 : memref<128x32xbf16, #tpu.memory_space<vmem>>) offsets(%dma_start3A_245 : memref<128xi32, #tpu.memory_space<vmem>>) semaphore(%arg12 : memref<!tpu.dma_semaphore, #tpu.memory_space<semaphore_mem>>)
      %mul3A_249 = arith.constant 2560 : i32
      %mul3A_250 = arith.muli %add3A_182, %mul3A_249 : i32
      %add3A_251 = arith.constant 768 : i32
      %add3A_252 = arith.addi %mul3A_250, %add3A_251 : i32
      %dma_start3A_253 = arith.constant 768 : i32
      %dma_start3A_254 = arith.constant 0 : i32
      %dma_start3A_255 = tpu.memref_slice %arg7[%dma_start3A_253, %dma_start3A_254] : memref<2560x32xbf16, #tpu.memory_space<vmem>> -> memref<128x32xbf16, #tpu.memory_space<vmem>>
      %dma_start3A_256 = tpu.memref_slice %arg5[%add3A_252] : memref<10240xi32, #tpu.memory_space<vmem>> -> memref<128xi32, #tpu.memory_space<vmem>>
      %dma_start3A_257 = arith.constant 0 : i32
      %dma_start3A_258 = arith.constant 0 : i32
      %dma_start3A_259 = tpu.memref_slice %arg10[%dma_start3A_257, %dma_start3A_258] : memref<10000x32xbf16, #tpu.memory_space<vmem_shared>> -> memref<10000x32xbf16, #tpu.memory_space<vmem_shared>>
      tpu.enqueue_indirect_dma source(%dma_start3A_259 : memref<10000x32xbf16, #tpu.memory_space<vmem_shared>>) target(%dma_start3A_255 : memref<128x32xbf16, #tpu.memory_space<vmem>>) offsets(%dma_start3A_256 : memref<128xi32, #tpu.memory_space<vmem>>) semaphore(%arg12 : memref<!tpu.dma_semaphore, #tpu.memory_space<semaphore_mem>>)
      %mul3A_260 = arith.constant 2560 : i32
      %mul3A_261 = arith.muli %add3A_182, %mul3A_260 : i32
      %add3A_262 = arith.constant 896 : i32
      %add3A_263 = arith.addi %mul3A_261, %add3A_262 : i32
      %dma_start3A_264 = arith.constant 896 : i32
      %dma_start3A_265 = arith.constant 0 : i32
      %dma_start3A_266 = tpu.memref_slice %arg7[%dma_start3A_264, %dma_start3A_265] : memref<2560x32xbf16, #tpu.memory_space<vmem>> -> memref<128x32xbf16, #tpu.memory_space<vmem>>
      %dma_start3A_267 = tpu.memref_slice %arg5[%add3A_263] : memref<10240xi32, #tpu.memory_space<vmem>> -> memref<128xi32, #tpu.memory_space<vmem>>
      %dma_start3A_268 = arith.constant 0 : i32
      %dma_start3A_269 = arith.constant 0 : i32
      %dma_start3A_270 = tpu.memref_slice %arg10[%dma_start3A_268, %dma_start3A_269] : memref<10000x32xbf16, #tpu.memory_space<vmem_shared>> -> memref<10000x32xbf16, #tpu.memory_space<vmem_shared>>
      tpu.enqueue_indirect_dma source(%dma_start3A_270 : memref<10000x32xbf16, #tpu.memory_space<vmem_shared>>) target(%dma_start3A_266 : memref<128x32xbf16, #tpu.memory_space<vmem>>) offsets(%dma_start3A_267 : memref<128xi32, #tpu.memory_space<vmem>>) semaphore(%arg12 : memref<!tpu.dma_semaphore, #tpu.memory_space<semaphore_mem>>)
      %mul3A_271 = arith.constant 2560 : i32
      %mul3A_272 = arith.muli %add3A_182, %mul3A_271 : i32
      %add3A_273 = arith.constant 1024 : i32
      %add3A_274 = arith.addi %mul3A_272, %add3A_273 : i32
      %dma_start3A_275 = arith.constant 1024 : i32
      %dma_start3A_276 = arith.constant 0 : i32
      %dma_start3A_277 = tpu.memref_slice %arg7[%dma_start3A_275, %dma_start3A_276] : memref<2560x32xbf16, #tpu.memory_space<vmem>> -> memref<128x32xbf16, #tpu.memory_space<vmem>>
      %dma_start3A_278 = tpu.memref_slice %arg5[%add3A_274] : memref<10240xi32, #tpu.memory_space<vmem>> -> memref<128xi32, #tpu.memory_space<vmem>>
      %dma_start3A_279 = arith.constant 0 : i32
      %dma_start3A_280 = arith.constant 0 : i32
      %dma_start3A_281 = tpu.memref_slice %arg10[%dma_start3A_279, %dma_start3A_280] : memref<10000x32xbf16, #tpu.memory_space<vmem_shared>> -> memref<10000x32xbf16, #tpu.memory_space<vmem_shared>>
      tpu.enqueue_indirect_dma source(%dma_start3A_281 : memref<10000x32xbf16, #tpu.memory_space<vmem_shared>>) target(%dma_start3A_277 : memref<128x32xbf16, #tpu.memory_space<vmem>>) offsets(%dma_start3A_278 : memref<128xi32, #tpu.memory_space<vmem>>) semaphore(%arg12 : memref<!tpu.dma_semaphore, #tpu.memory_space<semaphore_mem>>)
      %mul3A_282 = arith.constant 2560 : i32
      %mul3A_283 = arith.muli %add3A_182, %mul3A_282 : i32
      %add3A_284 = arith.constant 1152 : i32
      %add3A_285 = arith.addi %mul3A_283, %add3A_284 : i32
      %dma_start3A_286 = arith.constant 1152 : i32
      %dma_start3A_287 = arith.constant 0 : i32
      %dma_start3A_288 = tpu.memref_slice %arg7[%dma_start3A_286, %dma_start3A_287] : memref<2560x32xbf16, #tpu.memory_space<vmem>> -> memref<128x32xbf16, #tpu.memory_space<vmem>>
      %dma_start3A_289 = tpu.memref_slice %arg5[%add3A_285] : memref<10240xi32, #tpu.memory_space<vmem>> -> memref<128xi32, #tpu.memory_space<vmem>>
      %dma_start3A_290 = arith.constant 0 : i32
      %dma_start3A_291 = arith.constant 0 : i32
      %dma_start3A_292 = tpu.memref_slice %arg10[%dma_start3A_290, %dma_start3A_291] : memref<10000x32xbf16, #tpu.memory_space<vmem_shared>> -> memref<10000x32xbf16, #tpu.memory_space<vmem_shared>>
      tpu.enqueue_indirect_dma source(%dma_start3A_292 : memref<10000x32xbf16, #tpu.memory_space<vmem_shared>>) target(%dma_start3A_288 : memref<128x32xbf16, #tpu.memory_space<vmem>>) offsets(%dma_start3A_289 : memref<128xi32, #tpu.memory_space<vmem>>) semaphore(%arg12 : memref<!tpu.dma_semaphore, #tpu.memory_space<semaphore_mem>>)
      %mul3A_293 = arith.constant 2560 : i32
      %mul3A_294 = arith.muli %add3A_182, %mul3A_293 : i32
      %add3A_295 = arith.constant 1280 : i32
      %add3A_296 = arith.addi %mul3A_294, %add3A_295 : i32
      %dma_start3A_297 = arith.constant 1280 : i32
      %dma_start3A_298 = arith.constant 0 : i32
      %dma_start3A_299 = tpu.memref_slice %arg7[%dma_start3A_297, %dma_start3A_298] : memref<2560x32xbf16, #tpu.memory_space<vmem>> -> memref<128x32xbf16, #tpu.memory_space<vmem>>
      %dma_start3A_300 = tpu.memref_slice %arg5[%add3A_296] : memref<10240xi32, #tpu.memory_space<vmem>> -> memref<128xi32, #tpu.memory_space<vmem>>
      %dma_start3A_301 = arith.constant 0 : i32
      %dma_start3A_302 = arith.constant 0 : i32
      %dma_start3A_303 = tpu.memref_slice %arg10[%dma_start3A_301, %dma_start3A_302] : memref<10000x32xbf16, #tpu.memory_space<vmem_shared>> -> memref<10000x32xbf16, #tpu.memory_space<vmem_shared>>
      tpu.enqueue_indirect_dma source(%dma_start3A_303 : memref<10000x32xbf16, #tpu.memory_space<vmem_shared>>) target(%dma_start3A_299 : memref<128x32xbf16, #tpu.memory_space<vmem>>) offsets(%dma_start3A_300 : memref<128xi32, #tpu.memory_space<vmem>>) semaphore(%arg12 : memref<!tpu.dma_semaphore, #tpu.memory_space<semaphore_mem>>)
      %mul3A_304 = arith.constant 2560 : i32
      %mul3A_305 = arith.muli %add3A_182, %mul3A_304 : i32
      %add3A_306 = arith.constant 1408 : i32
      %add3A_307 = arith.addi %mul3A_305, %add3A_306 : i32
      %dma_start3A_308 = arith.constant 1408 : i32
      %dma_start3A_309 = arith.constant 0 : i32
      %dma_start3A_310 = tpu.memref_slice %arg7[%dma_start3A_308, %dma_start3A_309] : memref<2560x32xbf16, #tpu.memory_space<vmem>> -> memref<128x32xbf16, #tpu.memory_space<vmem>>
      %dma_start3A_311 = tpu.memref_slice %arg5[%add3A_307] : memref<10240xi32, #tpu.memory_space<vmem>> -> memref<128xi32, #tpu.memory_space<vmem>>
      %dma_start3A_312 = arith.constant 0 : i32
      %dma_start3A_313 = arith.constant 0 : i32
      %dma_start3A_314 = tpu.memref_slice %arg10[%dma_start3A_312, %dma_start3A_313] : memref<10000x32xbf16, #tpu.memory_space<vmem_shared>> -> memref<10000x32xbf16, #tpu.memory_space<vmem_shared>>
      tpu.enqueue_indirect_dma source(%dma_start3A_314 : memref<10000x32xbf16, #tpu.memory_space<vmem_shared>>) target(%dma_start3A_310 : memref<128x32xbf16, #tpu.memory_space<vmem>>) offsets(%dma_start3A_311 : memref<128xi32, #tpu.memory_space<vmem>>) semaphore(%arg12 : memref<!tpu.dma_semaphore, #tpu.memory_space<semaphore_mem>>)
      %mul3A_315 = arith.constant 2560 : i32
      %mul3A_316 = arith.muli %add3A_182, %mul3A_315 : i32
      %add3A_317 = arith.constant 1536 : i32
      %add3A_318 = arith.addi %mul3A_316, %add3A_317 : i32
      %dma_start3A_319 = arith.constant 1536 : i32
      %dma_start3A_320 = arith.constant 0 : i32
      %dma_start3A_321 = tpu.memref_slice %arg7[%dma_start3A_319, %dma_start3A_320] : memref<2560x32xbf16, #tpu.memory_space<vmem>> -> memref<128x32xbf16, #tpu.memory_space<vmem>>
      %dma_start3A_322 = tpu.memref_slice %arg5[%add3A_318] : memref<10240xi32, #tpu.memory_space<vmem>> -> memref<128xi32, #tpu.memory_space<vmem>>
      %dma_start3A_323 = arith.constant 0 : i32
      %dma_start3A_324 = arith.constant 0 : i32
      %dma_start3A_325 = tpu.memref_slice %arg10[%dma_start3A_323, %dma_start3A_324] : memref<10000x32xbf16, #tpu.memory_space<vmem_shared>> -> memref<10000x32xbf16, #tpu.memory_space<vmem_shared>>
      tpu.enqueue_indirect_dma source(%dma_start3A_325 : memref<10000x32xbf16, #tpu.memory_space<vmem_shared>>) target(%dma_start3A_321 : memref<128x32xbf16, #tpu.memory_space<vmem>>) offsets(%dma_start3A_322 : memref<128xi32, #tpu.memory_space<vmem>>) semaphore(%arg12 : memref<!tpu.dma_semaphore, #tpu.memory_space<semaphore_mem>>)
      %mul3A_326 = arith.constant 2560 : i32
      %mul3A_327 = arith.muli %add3A_182, %mul3A_326 : i32
      %add3A_328 = arith.constant 1664 : i32
      %add3A_329 = arith.addi %mul3A_327, %add3A_328 : i32
      %dma_start3A_330 = arith.constant 1664 : i32
      %dma_start3A_331 = arith.constant 0 : i32
      %dma_start3A_332 = tpu.memref_slice %arg7[%dma_start3A_330, %dma_start3A_331] : memref<2560x32xbf16, #tpu.memory_space<vmem>> -> memref<128x32xbf16, #tpu.memory_space<vmem>>
      %dma_start3A_333 = tpu.memref_slice %arg5[%add3A_329] : memref<10240xi32, #tpu.memory_space<vmem>> -> memref<128xi32, #tpu.memory_space<vmem>>
      %dma_start3A_334 = arith.constant 0 : i32
      %dma_start3A_335 = arith.constant 0 : i32
      %dma_start3A_336 = tpu.memref_slice %arg10[%dma_start3A_334, %dma_start3A_335] : memref<10000x32xbf16, #tpu.memory_space<vmem_shared>> -> memref<10000x32xbf16, #tpu.memory_space<vmem_shared>>
      tpu.enqueue_indirect_dma source(%dma_start3A_336 : memref<10000x32xbf16, #tpu.memory_space<vmem_shared>>) target(%dma_start3A_332 : memref<128x32xbf16, #tpu.memory_space<vmem>>) offsets(%dma_start3A_333 : memref<128xi32, #tpu.memory_space<vmem>>) semaphore(%arg12 : memref<!tpu.dma_semaphore, #tpu.memory_space<semaphore_mem>>)
      %mul3A_337 = arith.constant 2560 : i32
      %mul3A_338 = arith.muli %add3A_182, %mul3A_337 : i32
      %add3A_339 = arith.constant 1792 : i32
      %add3A_340 = arith.addi %mul3A_338, %add3A_339 : i32
      %dma_start3A_341 = arith.constant 1792 : i32
      %dma_start3A_342 = arith.constant 0 : i32
      %dma_start3A_343 = tpu.memref_slice %arg7[%dma_start3A_341, %dma_start3A_342] : memref<2560x32xbf16, #tpu.memory_space<vmem>> -> memref<128x32xbf16, #tpu.memory_space<vmem>>
      %dma_start3A_344 = tpu.memref_slice %arg5[%add3A_340] : memref<10240xi32, #tpu.memory_space<vmem>> -> memref<128xi32, #tpu.memory_space<vmem>>
      %dma_start3A_345 = arith.constant 0 : i32
      %dma_start3A_346 = arith.constant 0 : i32
      %dma_start3A_347 = tpu.memref_slice %arg10[%dma_start3A_345, %dma_start3A_346] : memref<10000x32xbf16, #tpu.memory_space<vmem_shared>> -> memref<10000x32xbf16, #tpu.memory_space<vmem_shared>>
      tpu.enqueue_indirect_dma source(%dma_start3A_347 : memref<10000x32xbf16, #tpu.memory_space<vmem_shared>>) target(%dma_start3A_343 : memref<128x32xbf16, #tpu.memory_space<vmem>>) offsets(%dma_start3A_344 : memref<128xi32, #tpu.memory_space<vmem>>) semaphore(%arg12 : memref<!tpu.dma_semaphore, #tpu.memory_space<semaphore_mem>>)
      %mul3A_348 = arith.constant 2560 : i32
      %mul3A_349 = arith.muli %add3A_182, %mul3A_348 : i32
      %add3A_350 = arith.constant 1920 : i32
      %add3A_351 = arith.addi %mul3A_349, %add3A_350 : i32
      %dma_start3A_352 = arith.constant 1920 : i32
      %dma_start3A_353 = arith.constant 0 : i32
      %dma_start3A_354 = tpu.memref_slice %arg7[%dma_start3A_352, %dma_start3A_353] : memref<2560x32xbf16, #tpu.memory_space<vmem>> -> memref<128x32xbf16, #tpu.memory_space<vmem>>
      %dma_start3A_355 = tpu.memref_slice %arg5[%add3A_351] : memref<10240xi32, #tpu.memory_space<vmem>> -> memref<128xi32, #tpu.memory_space<vmem>>
      %dma_start3A_356 = arith.constant 0 : i32
      %dma_start3A_357 = arith.constant 0 : i32
      %dma_start3A_358 = tpu.memref_slice %arg10[%dma_start3A_356, %dma_start3A_357] : memref<10000x32xbf16, #tpu.memory_space<vmem_shared>> -> memref<10000x32xbf16, #tpu.memory_space<vmem_shared>>
      tpu.enqueue_indirect_dma source(%dma_start3A_358 : memref<10000x32xbf16, #tpu.memory_space<vmem_shared>>) target(%dma_start3A_354 : memref<128x32xbf16, #tpu.memory_space<vmem>>) offsets(%dma_start3A_355 : memref<128xi32, #tpu.memory_space<vmem>>) semaphore(%arg12 : memref<!tpu.dma_semaphore, #tpu.memory_space<semaphore_mem>>)
      %mul3A_359 = arith.constant 2560 : i32
      %mul3A_360 = arith.muli %add3A_182, %mul3A_359 : i32
      %add3A_361 = arith.constant 2048 : i32
      %add3A_362 = arith.addi %mul3A_360, %add3A_361 : i32
      %dma_start3A_363 = arith.constant 2048 : i32
      %dma_start3A_364 = arith.constant 0 : i32
      %dma_start3A_365 = tpu.memref_slice %arg7[%dma_start3A_363, %dma_start3A_364] : memref<2560x32xbf16, #tpu.memory_space<vmem>> -> memref<128x32xbf16, #tpu.memory_space<vmem>>
      %dma_start3A_366 = tpu.memref_slice %arg5[%add3A_362] : memref<10240xi32, #tpu.memory_space<vmem>> -> memref<128xi32, #tpu.memory_space<vmem>>
      %dma_start3A_367 = arith.constant 0 : i32
      %dma_start3A_368 = arith.constant 0 : i32
      %dma_start3A_369 = tpu.memref_slice %arg10[%dma_start3A_367, %dma_start3A_368] : memref<10000x32xbf16, #tpu.memory_space<vmem_shared>> -> memref<10000x32xbf16, #tpu.memory_space<vmem_shared>>
      tpu.enqueue_indirect_dma source(%dma_start3A_369 : memref<10000x32xbf16, #tpu.memory_space<vmem_shared>>) target(%dma_start3A_365 : memref<128x32xbf16, #tpu.memory_space<vmem>>) offsets(%dma_start3A_366 : memref<128xi32, #tpu.memory_space<vmem>>) semaphore(%arg12 : memref<!tpu.dma_semaphore, #tpu.memory_space<semaphore_mem>>)
      %mul3A_370 = arith.constant 2560 : i32
      %mul3A_371 = arith.muli %add3A_182, %mul3A_370 : i32
      %add3A_372 = arith.constant 2176 : i32
      %add3A_373 = arith.addi %mul3A_371, %add3A_372 : i32
      %dma_start3A_374 = arith.constant 2176 : i32
      %dma_start3A_375 = arith.constant 0 : i32
      %dma_start3A_376 = tpu.memref_slice %arg7[%dma_start3A_374, %dma_start3A_375] : memref<2560x32xbf16, #tpu.memory_space<vmem>> -> memref<128x32xbf16, #tpu.memory_space<vmem>>
      %dma_start3A_377 = tpu.memref_slice %arg5[%add3A_373] : memref<10240xi32, #tpu.memory_space<vmem>> -> memref<128xi32, #tpu.memory_space<vmem>>
      %dma_start3A_378 = arith.constant 0 : i32
      %dma_start3A_379 = arith.constant 0 : i32
      %dma_start3A_380 = tpu.memref_slice %arg10[%dma_start3A_378, %dma_start3A_379] : memref<10000x32xbf16, #tpu.memory_space<vmem_shared>> -> memref<10000x32xbf16, #tpu.memory_space<vmem_shared>>
      tpu.enqueue_indirect_dma source(%dma_start3A_380 : memref<10000x32xbf16, #tpu.memory_space<vmem_shared>>) target(%dma_start3A_376 : memref<128x32xbf16, #tpu.memory_space<vmem>>) offsets(%dma_start3A_377 : memref<128xi32, #tpu.memory_space<vmem>>) semaphore(%arg12 : memref<!tpu.dma_semaphore, #tpu.memory_space<semaphore_mem>>)
      %mul3A_381 = arith.constant 2560 : i32
      %mul3A_382 = arith.muli %add3A_182, %mul3A_381 : i32
      %add3A_383 = arith.constant 2304 : i32
      %add3A_384 = arith.addi %mul3A_382, %add3A_383 : i32
      %dma_start3A_385 = arith.constant 2304 : i32
      %dma_start3A_386 = arith.constant 0 : i32
      %dma_start3A_387 = tpu.memref_slice %arg7[%dma_start3A_385, %dma_start3A_386] : memref<2560x32xbf16, #tpu.memory_space<vmem>> -> memref<128x32xbf16, #tpu.memory_space<vmem>>
      %dma_start3A_388 = tpu.memref_slice %arg5[%add3A_384] : memref<10240xi32, #tpu.memory_space<vmem>> -> memref<128xi32, #tpu.memory_space<vmem>>
      %dma_start3A_389 = arith.constant 0 : i32
      %dma_start3A_390 = arith.constant 0 : i32
      %dma_start3A_391 = tpu.memref_slice %arg10[%dma_start3A_389, %dma_start3A_390] : memref<10000x32xbf16, #tpu.memory_space<vmem_shared>> -> memref<10000x32xbf16, #tpu.memory_space<vmem_shared>>
      tpu.enqueue_indirect_dma source(%dma_start3A_391 : memref<10000x32xbf16, #tpu.memory_space<vmem_shared>>) target(%dma_start3A_387 : memref<128x32xbf16, #tpu.memory_space<vmem>>) offsets(%dma_start3A_388 : memref<128xi32, #tpu.memory_space<vmem>>) semaphore(%arg12 : memref<!tpu.dma_semaphore, #tpu.memory_space<semaphore_mem>>)
      %mul3A_392 = arith.constant 2560 : i32
      %mul3A_393 = arith.muli %add3A_182, %mul3A_392 : i32
      %add3A_394 = arith.constant 2432 : i32
      %add3A_395 = arith.addi %mul3A_393, %add3A_394 : i32
      %dma_start3A_396 = arith.constant 2432 : i32
      %dma_start3A_397 = arith.constant 0 : i32
      %dma_start3A_398 = tpu.memref_slice %arg7[%dma_start3A_396, %dma_start3A_397] : memref<2560x32xbf16, #tpu.memory_space<vmem>> -> memref<128x32xbf16, #tpu.memory_space<vmem>>
      %dma_start3A_399 = tpu.memref_slice %arg5[%add3A_395] : memref<10240xi32, #tpu.memory_space<vmem>> -> memref<128xi32, #tpu.memory_space<vmem>>
      %dma_start3A_400 = arith.constant 0 : i32
      %dma_start3A_401 = arith.constant 0 : i32
      %dma_start3A_402 = tpu.memref_slice %arg10[%dma_start3A_400, %dma_start3A_401] : memref<10000x32xbf16, #tpu.memory_space<vmem_shared>> -> memref<10000x32xbf16, #tpu.memory_space<vmem_shared>>
      tpu.enqueue_indirect_dma source(%dma_start3A_402 : memref<10000x32xbf16, #tpu.memory_space<vmem_shared>>) target(%dma_start3A_398 : memref<128x32xbf16, #tpu.memory_space<vmem>>) offsets(%dma_start3A_399 : memref<128xi32, #tpu.memory_space<vmem>>) semaphore(%arg12 : memref<!tpu.dma_semaphore, #tpu.memory_space<semaphore_mem>>)
      %dma_wait3A = arith.constant 0 : i32
      %dma_wait3A_403 = arith.constant 0 : i32
      %dma_wait3A_404 = tpu.memref_slice %arg2[%dma_wait3A, %dma_wait3A_403] : memref<10000x32xbf16, #tpu.memory_space<hbm>> -> memref<2560x32xbf16, #tpu.memory_space<hbm>>
      %dma_wait3A_405 = arith.constant 0 : i32
      %dma_wait3A_406 = arith.constant 0 : i32
      %dma_wait3A_407 = tpu.memref_slice %arg2[%dma_wait3A_405, %dma_wait3A_406] : memref<10000x32xbf16, #tpu.memory_space<hbm>> -> memref<2560x32xbf16, #tpu.memory_space<hbm>>
      tpu.wait_dma2 semaphore(%arg11 : memref<!tpu.dma_semaphore, #tpu.memory_space<semaphore_mem>>) src(%dma_wait3A_407 : memref<2560x32xbf16, #tpu.memory_space<hbm>>) dst(%arg6 : memref<2560x32xbf16, #tpu.memory_space<vmem>>)
      %scan3A_408 = arith.constant 0 : i32
      %scan3A_409 = arith.constant 128 : i32
      %scan3A_410 = arith.addi %scan3A_408, %scan3A_409 : i32
      %scan3A_411 = arith.constant 2 : i32
      scf.for %scan3A_430 = %scan3A_408 to %scan3A_410 step %scan3A_411  : i32 {
        %mul3A_431 = arith.constant 1 : i32
        %mul3A_432 = arith.muli %scan3A_430, %mul3A_431 : i32
        %add3A_433 = arith.constant 0 : i32
        %add3A_434 = arith.addi %add3A_433, %mul3A_432 : i32
        %mul3A_435 = arith.constant 20 : i32
        %mul3A_436 = arith.muli %add3A_434, %mul3A_435 : i32
        %mul3A_437 = arith.constant 2560 : i32
        %mul3A_438 = arith.muli %mul3A_180, %mul3A_437 : i32
        %add3A_439 = arith.addi %mul3A_438, %mul3A_436 : i32
        %get3A_440 = arith.index_cast %add3A_439 : i32 to index
        %get3A_441 = tpu.vector_load %arg5[%get3A_440] {strides = array<i32>} : memref<10240xi32, #tpu.memory_space<vmem>>, vector<16xi32>,
        %mul3A_442 = arith.constant 2560 : i32
        %mul3A_443 = arith.muli %mul3A_180, %mul3A_442 : i32
        %add3A_444 = arith.addi %mul3A_443, %mul3A_436 : i32
        %add3A_445 = arith.constant 4 : i32
        %add3A_446 = arith.addi %add3A_444, %add3A_445 : i32
        %get3A_447 = arith.index_cast %add3A_446 : i32 to index
        %get3A_448 = tpu.vector_load %arg5[%get3A_447] {strides = array<i32>} : memref<10240xi32, #tpu.memory_space<vmem>>, vector<16xi32>,
        %eq3A_449 = arith.constant 0 : i32
        %eq3A_450 = vector.broadcast %eq3A_449 : i32 to vector<16xi32>
        %eq3A_451 = arith.cmpi eq, %get3A_441, %eq3A_450 : vector<16xi32>
        %eq3A_452 = arith.constant 0 : i32
        %eq3A_453 = vector.broadcast %eq3A_452 : i32 to vector<16xi32>
        %eq3A_454 = arith.cmpi eq, %get3A_448, %eq3A_453 : vector<16xi32>
        %ge3A = arith.constant 12 : i32
        %ge3A_455 = vector.broadcast %ge3A : i32 to vector<16xi32>
        %ge3A_456 = arith.cmpi sge, %iota3A, %ge3A_455 : vector<16xi32>
        %and3A = arith.andi %eq3A_454, %ge3A_456 : vector<16xi1>
        %all_reduce_population_count3A = tpu.all_reduce %eq3A_451 {dim = 0 : i64, kind = #tpu.reduction_kind<sum>} : vector<16xi1> -> vector<16xi32>
        %all_reduce_population_count3A_457 = tpu.all_reduce %and3A {dim = 0 : i64, kind = #tpu.reduction_kind<sum>} : vector<16xi1> -> vector<16xi32>
        %add3A_458 = arith.addi %all_reduce_population_count3A, %all_reduce_population_count3A_457 : vector<16xi32>
        %convert_element_type3A_459 = arith.sitofp %add3A_458 : vector<16xi32> to vector<16xf32>
        %sub3A = arith.constant 2.000000e+01 : f32
        %sub3A_460 = vector.broadcast %sub3A : f32 to vector<16xf32>
        %sub3A_461 = arith.subf %sub3A_460, %convert_element_type3A_459 : vector<16xf32>
        %max3A = arith.constant 1.000000e+00 : f32
        %max3A_462 = vector.broadcast %max3A : f32 to vector<16xf32>
        %max3A_463 = arith.maximumf %sub3A_461, %max3A_462 : vector<16xf32>
        %div3A = arith.constant 1.000000e+00 : f32
        %div3A_464 = vector.broadcast %div3A : f32 to vector<16xf32>
        %div3A_465 = arith.divf %div3A_464, %max3A_463 : vector<16xf32>
        %get3A_466 = arith.index_cast %mul3A_436 : i32 to index
        %get3A_467 = arith.constant 0 : index
        %get3A_468 = tpu.vector_load %arg6[%get3A_466, %get3A_467] {strides = array<i32>} : memref<2560x32xbf16, #tpu.memory_space<vmem>>, vector<32xbf16>,
        %unpack3A_469 = tpu.unpack_subelements %get3A_468, 0 {pack_format = #tpu.pack_format<interleaved>} : vector<32xbf16> -> vector<16xf32>
        %unpack3A_470 = tpu.unpack_subelements %get3A_468, 1 {pack_format = #tpu.pack_format<interleaved>} : vector<32xbf16> -> vector<16xf32>
        %add3A_471 = arith.constant 1 : i32
        %add3A_472 = arith.addi %mul3A_436, %add3A_471 : i32
        %get3A_473 = arith.index_cast %add3A_472 : i32 to index
        %get3A_474 = arith.constant 0 : index
        %get3A_475 = tpu.vector_load %arg6[%get3A_473, %get3A_474] {strides = array<i32>} : memref<2560x32xbf16, #tpu.memory_space<vmem>>, vector<32xbf16>,
        %unpack3A_476 = tpu.unpack_subelements %get3A_475, 0 {pack_format = #tpu.pack_format<interleaved>} : vector<32xbf16> -> vector<16xf32>
        %unpack3A_477 = tpu.unpack_subelements %get3A_475, 1 {pack_format = #tpu.pack_format<interleaved>} : vector<32xbf16> -> vector<16xf32>
        %add3A_478 = arith.addf %unpack3A_469, %unpack3A_476 : vector<16xf32>
        %add3A_479 = arith.addf %unpack3A_470, %unpack3A_477 : vector<16xf32>
        %add3A_480 = arith.constant 2 : i32
        %add3A_481 = arith.addi %mul3A_436, %add3A_480 : i32
        %get3A_482 = arith.index_cast %add3A_481 : i32 to index
        %get3A_483 = arith.constant 0 : index
        %get3A_484 = tpu.vector_load %arg6[%get3A_482, %get3A_483] {strides = array<i32>} : memref<2560x32xbf16, #tpu.memory_space<vmem>>, vector<32xbf16>,
        %unpack3A_485 = tpu.unpack_subelements %get3A_484, 0 {pack_format = #tpu.pack_format<interleaved>} : vector<32xbf16> -> vector<16xf32>
        %unpack3A_486 = tpu.unpack_subelements %get3A_484, 1 {pack_format = #tpu.pack_format<interleaved>} : vector<32xbf16> -> vector<16xf32>
        %add3A_487 = arith.addf %add3A_478, %unpack3A_485 : vector<16xf32>
        %add3A_488 = arith.addf %add3A_479, %unpack3A_486 : vector<16xf32>
        %add3A_489 = arith.constant 3 : i32
        %add3A_490 = arith.addi %mul3A_436, %add3A_489 : i32
        %get3A_491 = arith.index_cast %add3A_490 : i32 to index
        %get3A_492 = arith.constant 0 : index
        %get3A_493 = tpu.vector_load %arg6[%get3A_491, %get3A_492] {strides = array<i32>} : memref<2560x32xbf16, #tpu.memory_space<vmem>>, vector<32xbf16>,
        %unpack3A_494 = tpu.unpack_subelements %get3A_493, 0 {pack_format = #tpu.pack_format<interleaved>} : vector<32xbf16> -> vector<16xf32>
        %unpack3A_495 = tpu.unpack_subelements %get3A_493, 1 {pack_format = #tpu.pack_format<interleaved>} : vector<32xbf16> -> vector<16xf32>
        %add3A_496 = arith.addf %add3A_487, %unpack3A_494 : vector<16xf32>
        %add3A_497 = arith.addf %add3A_488, %unpack3A_495 : vector<16xf32>
        %add3A_498 = arith.constant 4 : i32
        %add3A_499 = arith.addi %mul3A_436, %add3A_498 : i32
        %get3A_500 = arith.index_cast %add3A_499 : i32 to index
        %get3A_501 = arith.constant 0 : index
        %get3A_502 = tpu.vector_load %arg6[%get3A_500, %get3A_501] {strides = array<i32>} : memref<2560x32xbf16, #tpu.memory_space<vmem>>, vector<32xbf16>,
        %unpack3A_503 = tpu.unpack_subelements %get3A_502, 0 {pack_format = #tpu.pack_format<interleaved>} : vector<32xbf16> -> vector<16xf32>
        %unpack3A_504 = tpu.unpack_subelements %get3A_502, 1 {pack_format = #tpu.pack_format<interleaved>} : vector<32xbf16> -> vector<16xf32>
        %add3A_505 = arith.addf %add3A_496, %unpack3A_503 : vector<16xf32>
        %add3A_506 = arith.addf %add3A_497, %unpack3A_504 : vector<16xf32>
        %add3A_507 = arith.constant 5 : i32
        %add3A_508 = arith.addi %mul3A_436, %add3A_507 : i32
        %get3A_509 = arith.index_cast %add3A_508 : i32 to index
        %get3A_510 = arith.constant 0 : index
        %get3A_511 = tpu.vector_load %arg6[%get3A_509, %get3A_510] {strides = array<i32>} : memref<2560x32xbf16, #tpu.memory_space<vmem>>, vector<32xbf16>,
        %unpack3A_512 = tpu.unpack_subelements %get3A_511, 0 {pack_format = #tpu.pack_format<interleaved>} : vector<32xbf16> -> vector<16xf32>
        %unpack3A_513 = tpu.unpack_subelements %get3A_511, 1 {pack_format = #tpu.pack_format<interleaved>} : vector<32xbf16> -> vector<16xf32>
        %add3A_514 = arith.addf %add3A_505, %unpack3A_512 : vector<16xf32>
        %add3A_515 = arith.addf %add3A_506, %unpack3A_513 : vector<16xf32>
        %add3A_516 = arith.constant 6 : i32
        %add3A_517 = arith.addi %mul3A_436, %add3A_516 : i32
        %get3A_518 = arith.index_cast %add3A_517 : i32 to index
        %get3A_519 = arith.constant 0 : index
        %get3A_520 = tpu.vector_load %arg6[%get3A_518, %get3A_519] {strides = array<i32>} : memref<2560x32xbf16, #tpu.memory_space<vmem>>, vector<32xbf16>,
        %unpack3A_521 = tpu.unpack_subelements %get3A_520, 0 {pack_format = #tpu.pack_format<interleaved>} : vector<32xbf16> -> vector<16xf32>
        %unpack3A_522 = tpu.unpack_subelements %get3A_520, 1 {pack_format = #tpu.pack_format<interleaved>} : vector<32xbf16> -> vector<16xf32>
        %add3A_523 = arith.addf %add3A_514, %unpack3A_521 : vector<16xf32>
        %add3A_524 = arith.addf %add3A_515, %unpack3A_522 : vector<16xf32>
        %add3A_525 = arith.constant 7 : i32
        %add3A_526 = arith.addi %mul3A_436, %add3A_525 : i32
        %get3A_527 = arith.index_cast %add3A_526 : i32 to index
        %get3A_528 = arith.constant 0 : index
        %get3A_529 = tpu.vector_load %arg6[%get3A_527, %get3A_528] {strides = array<i32>} : memref<2560x32xbf16, #tpu.memory_space<vmem>>, vector<32xbf16>,
        %unpack3A_530 = tpu.unpack_subelements %get3A_529, 0 {pack_format = #tpu.pack_format<interleaved>} : vector<32xbf16> -> vector<16xf32>
        %unpack3A_531 = tpu.unpack_subelements %get3A_529, 1 {pack_format = #tpu.pack_format<interleaved>} : vector<32xbf16> -> vector<16xf32>
        %add3A_532 = arith.addf %add3A_523, %unpack3A_530 : vector<16xf32>
        %add3A_533 = arith.addf %add3A_524, %unpack3A_531 : vector<16xf32>
        %add3A_534 = arith.constant 8 : i32
        %add3A_535 = arith.addi %mul3A_436, %add3A_534 : i32
        %get3A_536 = arith.index_cast %add3A_535 : i32 to index
        %get3A_537 = arith.constant 0 : index
        %get3A_538 = tpu.vector_load %arg6[%get3A_536, %get3A_537] {strides = array<i32>} : memref<2560x32xbf16, #tpu.memory_space<vmem>>, vector<32xbf16>,
        %unpack3A_539 = tpu.unpack_subelements %get3A_538, 0 {pack_format = #tpu.pack_format<interleaved>} : vector<32xbf16> -> vector<16xf32>
        %unpack3A_540 = tpu.unpack_subelements %get3A_538, 1 {pack_format = #tpu.pack_format<interleaved>} : vector<32xbf16> -> vector<16xf32>
        %add3A_541 = arith.addf %add3A_532, %unpack3A_539 : vector<16xf32>
        %add3A_542 = arith.addf %add3A_533, %unpack3A_540 : vector<16xf32>
        %add3A_543 = arith.constant 9 : i32
        %add3A_544 = arith.addi %mul3A_436, %add3A_543 : i32
        %get3A_545 = arith.index_cast %add3A_544 : i32 to index
        %get3A_546 = arith.constant 0 : index
        %get3A_547 = tpu.vector_load %arg6[%get3A_545, %get3A_546] {strides = array<i32>} : memref<2560x32xbf16, #tpu.memory_space<vmem>>, vector<32xbf16>,
        %unpack3A_548 = tpu.unpack_subelements %get3A_547, 0 {pack_format = #tpu.pack_format<interleaved>} : vector<32xbf16> -> vector<16xf32>
        %unpack3A_549 = tpu.unpack_subelements %get3A_547, 1 {pack_format = #tpu.pack_format<interleaved>} : vector<32xbf16> -> vector<16xf32>
        %add3A_550 = arith.addf %add3A_541, %unpack3A_548 : vector<16xf32>
        %add3A_551 = arith.addf %add3A_542, %unpack3A_549 : vector<16xf32>
        %add3A_552 = arith.constant 10 : i32
        %add3A_553 = arith.addi %mul3A_436, %add3A_552 : i32
        %get3A_554 = arith.index_cast %add3A_553 : i32 to index
        %get3A_555 = arith.constant 0 : index
        %get3A_556 = tpu.vector_load %arg6[%get3A_554, %get3A_555] {strides = array<i32>} : memref<2560x32xbf16, #tpu.memory_space<vmem>>, vector<32xbf16>,
        %unpack3A_557 = tpu.unpack_subelements %get3A_556, 0 {pack_format = #tpu.pack_format<interleaved>} : vector<32xbf16> -> vector<16xf32>
        %unpack3A_558 = tpu.unpack_subelements %get3A_556, 1 {pack_format = #tpu.pack_format<interleaved>} : vector<32xbf16> -> vector<16xf32>
        %add3A_559 = arith.addf %add3A_550, %unpack3A_557 : vector<16xf32>
        %add3A_560 = arith.addf %add3A_551, %unpack3A_558 : vector<16xf32>
        %add3A_561 = arith.constant 11 : i32
        %add3A_562 = arith.addi %mul3A_436, %add3A_561 : i32
        %get3A_563 = arith.index_cast %add3A_562 : i32 to index
        %get3A_564 = arith.constant 0 : index
        %get3A_565 = tpu.vector_load %arg6[%get3A_563, %get3A_564] {strides = array<i32>} : memref<2560x32xbf16, #tpu.memory_space<vmem>>, vector<32xbf16>,
        %unpack3A_566 = tpu.unpack_subelements %get3A_565, 0 {pack_format = #tpu.pack_format<interleaved>} : vector<32xbf16> -> vector<16xf32>
        %unpack3A_567 = tpu.unpack_subelements %get3A_565, 1 {pack_format = #tpu.pack_format<interleaved>} : vector<32xbf16> -> vector<16xf32>
        %add3A_568 = arith.addf %add3A_559, %unpack3A_566 : vector<16xf32>
        %add3A_569 = arith.addf %add3A_560, %unpack3A_567 : vector<16xf32>
        %add3A_570 = arith.constant 12 : i32
        %add3A_571 = arith.addi %mul3A_436, %add3A_570 : i32
        %get3A_572 = arith.index_cast %add3A_571 : i32 to index
        %get3A_573 = arith.constant 0 : index
        %get3A_574 = tpu.vector_load %arg6[%get3A_572, %get3A_573] {strides = array<i32>} : memref<2560x32xbf16, #tpu.memory_space<vmem>>, vector<32xbf16>,
        %unpack3A_575 = tpu.unpack_subelements %get3A_574, 0 {pack_format = #tpu.pack_format<interleaved>} : vector<32xbf16> -> vector<16xf32>
        %unpack3A_576 = tpu.unpack_subelements %get3A_574, 1 {pack_format = #tpu.pack_format<interleaved>} : vector<32xbf16> -> vector<16xf32>
        %add3A_577 = arith.addf %add3A_568, %unpack3A_575 : vector<16xf32>
        %add3A_578 = arith.addf %add3A_569, %unpack3A_576 : vector<16xf32>
        %add3A_579 = arith.constant 13 : i32
        %add3A_580 = arith.addi %mul3A_436, %add3A_579 : i32
        %get3A_581 = arith.index_cast %add3A_580 : i32 to index
        %get3A_582 = arith.constant 0 : index
        %get3A_583 = tpu.vector_load %arg6[%get3A_581, %get3A_582] {strides = array<i32>} : memref<2560x32xbf16, #tpu.memory_space<vmem>>, vector<32xbf16>,
        %unpack3A_584 = tpu.unpack_subelements %get3A_583, 0 {pack_format = #tpu.pack_format<interleaved>} : vector<32xbf16> -> vector<16xf32>
        %unpack3A_585 = tpu.unpack_subelements %get3A_583, 1 {pack_format = #tpu.pack_format<interleaved>} : vector<32xbf16> -> vector<16xf32>
        %add3A_586 = arith.addf %add3A_577, %unpack3A_584 : vector<16xf32>
        %add3A_587 = arith.addf %add3A_578, %unpack3A_585 : vector<16xf32>
        %add3A_588 = arith.constant 14 : i32
        %add3A_589 = arith.addi %mul3A_436, %add3A_588 : i32
        %get3A_590 = arith.index_cast %add3A_589 : i32 to index
        %get3A_591 = arith.constant 0 : index
        %get3A_592 = tpu.vector_load %arg6[%get3A_590, %get3A_591] {strides = array<i32>} : memref<2560x32xbf16, #tpu.memory_space<vmem>>, vector<32xbf16>,
        %unpack3A_593 = tpu.unpack_subelements %get3A_592, 0 {pack_format = #tpu.pack_format<interleaved>} : vector<32xbf16> -> vector<16xf32>
        %unpack3A_594 = tpu.unpack_subelements %get3A_592, 1 {pack_format = #tpu.pack_format<interleaved>} : vector<32xbf16> -> vector<16xf32>
        %add3A_595 = arith.addf %add3A_586, %unpack3A_593 : vector<16xf32>
        %add3A_596 = arith.addf %add3A_587, %unpack3A_594 : vector<16xf32>
        %add3A_597 = arith.constant 15 : i32
        %add3A_598 = arith.addi %mul3A_436, %add3A_597 : i32
        %get3A_599 = arith.index_cast %add3A_598 : i32 to index
        %get3A_600 = arith.constant 0 : index
        %get3A_601 = tpu.vector_load %arg6[%get3A_599, %get3A_600] {strides = array<i32>} : memref<2560x32xbf16, #tpu.memory_space<vmem>>, vector<32xbf16>,
        %unpack3A_602 = tpu.unpack_subelements %get3A_601, 0 {pack_format = #tpu.pack_format<interleaved>} : vector<32xbf16> -> vector<16xf32>
        %unpack3A_603 = tpu.unpack_subelements %get3A_601, 1 {pack_format = #tpu.pack_format<interleaved>} : vector<32xbf16> -> vector<16xf32>
        %add3A_604 = arith.addf %add3A_595, %unpack3A_602 : vector<16xf32>
        %add3A_605 = arith.addf %add3A_596, %unpack3A_603 : vector<16xf32>
        %add3A_606 = arith.constant 16 : i32
        %add3A_607 = arith.addi %mul3A_436, %add3A_606 : i32
        %get3A_608 = arith.index_cast %add3A_607 : i32 to index
        %get3A_609 = arith.constant 0 : index
        %get3A_610 = tpu.vector_load %arg6[%get3A_608, %get3A_609] {strides = array<i32>} : memref<2560x32xbf16, #tpu.memory_space<vmem>>, vector<32xbf16>,
        %unpack3A_611 = tpu.unpack_subelements %get3A_610, 0 {pack_format = #tpu.pack_format<interleaved>} : vector<32xbf16> -> vector<16xf32>
        %unpack3A_612 = tpu.unpack_subelements %get3A_610, 1 {pack_format = #tpu.pack_format<interleaved>} : vector<32xbf16> -> vector<16xf32>
        %add3A_613 = arith.addf %add3A_604, %unpack3A_611 : vector<16xf32>
        %add3A_614 = arith.addf %add3A_605, %unpack3A_612 : vector<16xf32>
        %add3A_615 = arith.constant 17 : i32
        %add3A_616 = arith.addi %mul3A_436, %add3A_615 : i32
        %get3A_617 = arith.index_cast %add3A_616 : i32 to index
        %get3A_618 = arith.constant 0 : index
        %get3A_619 = tpu.vector_load %arg6[%get3A_617, %get3A_618] {strides = array<i32>} : memref<2560x32xbf16, #tpu.memory_space<vmem>>, vector<32xbf16>,
        %unpack3A_620 = tpu.unpack_subelements %get3A_619, 0 {pack_format = #tpu.pack_format<interleaved>} : vector<32xbf16> -> vector<16xf32>
        %unpack3A_621 = tpu.unpack_subelements %get3A_619, 1 {pack_format = #tpu.pack_format<interleaved>} : vector<32xbf16> -> vector<16xf32>
        %add3A_622 = arith.addf %add3A_613, %unpack3A_620 : vector<16xf32>
        %add3A_623 = arith.addf %add3A_614, %unpack3A_621 : vector<16xf32>
        %add3A_624 = arith.constant 18 : i32
        %add3A_625 = arith.addi %mul3A_436, %add3A_624 : i32
        %get3A_626 = arith.index_cast %add3A_625 : i32 to index
        %get3A_627 = arith.constant 0 : index
        %get3A_628 = tpu.vector_load %arg6[%get3A_626, %get3A_627] {strides = array<i32>} : memref<2560x32xbf16, #tpu.memory_space<vmem>>, vector<32xbf16>,
        %unpack3A_629 = tpu.unpack_subelements %get3A_628, 0 {pack_format = #tpu.pack_format<interleaved>} : vector<32xbf16> -> vector<16xf32>
        %unpack3A_630 = tpu.unpack_subelements %get3A_628, 1 {pack_format = #tpu.pack_format<interleaved>} : vector<32xbf16> -> vector<16xf32>
        %add3A_631 = arith.addf %add3A_622, %unpack3A_629 : vector<16xf32>
        %add3A_632 = arith.addf %add3A_623, %unpack3A_630 : vector<16xf32>
        %add3A_633 = arith.constant 19 : i32
        %add3A_634 = arith.addi %mul3A_436, %add3A_633 : i32
        %get3A_635 = arith.index_cast %add3A_634 : i32 to index
        %get3A_636 = arith.constant 0 : index
        %get3A_637 = tpu.vector_load %arg6[%get3A_635, %get3A_636] {strides = array<i32>} : memref<2560x32xbf16, #tpu.memory_space<vmem>>, vector<32xbf16>,
        %unpack3A_638 = tpu.unpack_subelements %get3A_637, 0 {pack_format = #tpu.pack_format<interleaved>} : vector<32xbf16> -> vector<16xf32>
        %unpack3A_639 = tpu.unpack_subelements %get3A_637, 1 {pack_format = #tpu.pack_format<interleaved>} : vector<32xbf16> -> vector<16xf32>
        %add3A_640 = arith.addf %add3A_631, %unpack3A_638 : vector<16xf32>
        %add3A_641 = arith.addf %add3A_632, %unpack3A_639 : vector<16xf32>
        %mul3A_642 = arith.mulf %convert_element_type3A_459, %unpack3A : vector<16xf32>
        %sub3A_643 = arith.subf %add3A_640, %mul3A_642 : vector<16xf32>
        %mul3A_644 = arith.mulf %sub3A_643, %div3A_465 : vector<16xf32>
        %mul3A_645 = arith.constant 128 : i32
        %mul3A_646 = arith.muli %mul3A_180, %mul3A_645 : i32
        %add3A_647 = arith.addi %mul3A_646, %add3A_434 : i32
        %swap3A = arith.index_cast %add3A_647 : i32 to index
        %swap3A_648 = arith.constant 0 : index
        %swap3A_649 = tpu.vector_load %arg8[%swap3A, %swap3A_648] {strides = array<i32>} : memref<512x32xf32, #tpu.memory_space<vmem>>, vector<16xf32>,
        tpu.vector_store %arg8[%swap3A, %swap3A_648], %mul3A_644 {strides = array<i32>} : memref<512x32xf32, #tpu.memory_space<vmem>>, vector<16xf32>,
        %mul3A_650 = arith.mulf %convert_element_type3A_459, %unpack3A_10 : vector<16xf32>
        %sub3A_651 = arith.subf %add3A_641, %mul3A_650 : vector<16xf32>
        %mul3A_652 = arith.mulf %sub3A_651, %div3A_465 : vector<16xf32>
        %mul3A_653 = arith.constant 128 : i32
        %mul3A_654 = arith.muli %mul3A_180, %mul3A_653 : i32
        %add3A_655 = arith.addi %mul3A_654, %add3A_434 : i32
        %swap3A_656 = arith.index_cast %add3A_655 : i32 to index
        %swap3A_657 = arith.constant 16 : index
        %swap3A_658 = tpu.vector_load %arg8[%swap3A_656, %swap3A_657] {strides = array<i32>} : memref<512x32xf32, #tpu.memory_space<vmem>>, vector<16xf32>,
        tpu.vector_store %arg8[%swap3A_656, %swap3A_657], %mul3A_652 {strides = array<i32>} : memref<512x32xf32, #tpu.memory_space<vmem>>, vector<16xf32>,
        %scan3A_659 = arith.constant 1 : i32
        %scan3A_660 = arith.addi %scan3A_430, %scan3A_659 : i32
        %mul3A_661 = arith.constant 1 : i32
        %mul3A_662 = arith.muli %scan3A_660, %mul3A_661 : i32
        %add3A_663 = arith.constant 0 : i32
        %add3A_664 = arith.addi %add3A_663, %mul3A_662 : i32
        %mul3A_665 = arith.constant 20 : i32
        %mul3A_666 = arith.muli %add3A_664, %mul3A_665 : i32
        %mul3A_667 = arith.constant 2560 : i32
        %mul3A_668 = arith.muli %mul3A_180, %mul3A_667 : i32
        %add3A_669 = arith.addi %mul3A_668, %mul3A_666 : i32
        %get3A_670 = arith.index_cast %add3A_669 : i32 to index
        %get3A_671 = tpu.vector_load %arg5[%get3A_670] {strides = array<i32>} : memref<10240xi32, #tpu.memory_space<vmem>>, vector<16xi32>,
        %mul3A_672 = arith.constant 2560 : i32
        %mul3A_673 = arith.muli %mul3A_180, %mul3A_672 : i32
        %add3A_674 = arith.addi %mul3A_673, %mul3A_666 : i32
        %add3A_675 = arith.constant 4 : i32
        %add3A_676 = arith.addi %add3A_674, %add3A_675 : i32
        %get3A_677 = arith.index_cast %add3A_676 : i32 to index
        %get3A_678 = tpu.vector_load %arg5[%get3A_677] {strides = array<i32>} : memref<10240xi32, #tpu.memory_space<vmem>>, vector<16xi32>,
        %eq3A_679 = arith.constant 0 : i32
        %eq3A_680 = vector.broadcast %eq3A_679 : i32 to vector<16xi32>
        %eq3A_681 = arith.cmpi eq, %get3A_671, %eq3A_680 : vector<16xi32>
        %eq3A_682 = arith.constant 0 : i32
        %eq3A_683 = vector.broadcast %eq3A_682 : i32 to vector<16xi32>
        %eq3A_684 = arith.cmpi eq, %get3A_678, %eq3A_683 : vector<16xi32>
        %ge3A_685 = arith.constant 12 : i32
        %ge3A_686 = vector.broadcast %ge3A_685 : i32 to vector<16xi32>
        %ge3A_687 = arith.cmpi sge, %iota3A, %ge3A_686 : vector<16xi32>
        %and3A_688 = arith.andi %eq3A_684, %ge3A_687 : vector<16xi1>
        %all_reduce_population_count3A_689 = tpu.all_reduce %eq3A_681 {dim = 0 : i64, kind = #tpu.reduction_kind<sum>} : vector<16xi1> -> vector<16xi32>
        %all_reduce_population_count3A_690 = tpu.all_reduce %and3A_688 {dim = 0 : i64, kind = #tpu.reduction_kind<sum>} : vector<16xi1> -> vector<16xi32>
        %add3A_691 = arith.addi %all_reduce_population_count3A_689, %all_reduce_population_count3A_690 : vector<16xi32>
        %convert_element_type3A_692 = arith.sitofp %add3A_691 : vector<16xi32> to vector<16xf32>
        %sub3A_693 = arith.constant 2.000000e+01 : f32
        %sub3A_694 = vector.broadcast %sub3A_693 : f32 to vector<16xf32>
        %sub3A_695 = arith.subf %sub3A_694, %convert_element_type3A_692 : vector<16xf32>
        %max3A_696 = arith.constant 1.000000e+00 : f32
        %max3A_697 = vector.broadcast %max3A_696 : f32 to vector<16xf32>
        %max3A_698 = arith.maximumf %sub3A_695, %max3A_697 : vector<16xf32>
        %div3A_699 = arith.constant 1.000000e+00 : f32
        %div3A_700 = vector.broadcast %div3A_699 : f32 to vector<16xf32>
        %div3A_701 = arith.divf %div3A_700, %max3A_698 : vector<16xf32>
        %get3A_702 = arith.index_cast %mul3A_666 : i32 to index
        %get3A_703 = arith.constant 0 : index
        %get3A_704 = tpu.vector_load %arg6[%get3A_702, %get3A_703] {strides = array<i32>} : memref<2560x32xbf16, #tpu.memory_space<vmem>>, vector<32xbf16>,
        %unpack3A_705 = tpu.unpack_subelements %get3A_704, 0 {pack_format = #tpu.pack_format<interleaved>} : vector<32xbf16> -> vector<16xf32>
        %unpack3A_706 = tpu.unpack_subelements %get3A_704, 1 {pack_format = #tpu.pack_format<interleaved>} : vector<32xbf16> -> vector<16xf32>
        %add3A_707 = arith.constant 1 : i32
        %add3A_708 = arith.addi %mul3A_666, %add3A_707 : i32
        %get3A_709 = arith.index_cast %add3A_708 : i32 to index
        %get3A_710 = arith.constant 0 : index
        %get3A_711 = tpu.vector_load %arg6[%get3A_709, %get3A_710] {strides = array<i32>} : memref<2560x32xbf16, #tpu.memory_space<vmem>>, vector<32xbf16>,
        %unpack3A_712 = tpu.unpack_subelements %get3A_711, 0 {pack_format = #tpu.pack_format<interleaved>} : vector<32xbf16> -> vector<16xf32>
        %unpack3A_713 = tpu.unpack_subelements %get3A_711, 1 {pack_format = #tpu.pack_format<interleaved>} : vector<32xbf16> -> vector<16xf32>
        %add3A_714 = arith.addf %unpack3A_705, %unpack3A_712 : vector<16xf32>
        %add3A_715 = arith.addf %unpack3A_706, %unpack3A_713 : vector<16xf32>
        %add3A_716 = arith.constant 2 : i32
        %add3A_717 = arith.addi %mul3A_666, %add3A_716 : i32
        %get3A_718 = arith.index_cast %add3A_717 : i32 to index
        %get3A_719 = arith.constant 0 : index
        %get3A_720 = tpu.vector_load %arg6[%get3A_718, %get3A_719] {strides = array<i32>} : memref<2560x32xbf16, #tpu.memory_space<vmem>>, vector<32xbf16>,
        %unpack3A_721 = tpu.unpack_subelements %get3A_720, 0 {pack_format = #tpu.pack_format<interleaved>} : vector<32xbf16> -> vector<16xf32>
        %unpack3A_722 = tpu.unpack_subelements %get3A_720, 1 {pack_format = #tpu.pack_format<interleaved>} : vector<32xbf16> -> vector<16xf32>
        %add3A_723 = arith.addf %add3A_714, %unpack3A_721 : vector<16xf32>
        %add3A_724 = arith.addf %add3A_715, %unpack3A_722 : vector<16xf32>
        %add3A_725 = arith.constant 3 : i32
        %add3A_726 = arith.addi %mul3A_666, %add3A_725 : i32
        %get3A_727 = arith.index_cast %add3A_726 : i32 to index
        %get3A_728 = arith.constant 0 : index
        %get3A_729 = tpu.vector_load %arg6[%get3A_727, %get3A_728] {strides = array<i32>} : memref<2560x32xbf16, #tpu.memory_space<vmem>>, vector<32xbf16>,
        %unpack3A_730 = tpu.unpack_subelements %get3A_729, 0 {pack_format = #tpu.pack_format<interleaved>} : vector<32xbf16> -> vector<16xf32>
        %unpack3A_731 = tpu.unpack_subelements %get3A_729, 1 {pack_format = #tpu.pack_format<interleaved>} : vector<32xbf16> -> vector<16xf32>
        %add3A_732 = arith.addf %add3A_723, %unpack3A_730 : vector<16xf32>
        %add3A_733 = arith.addf %add3A_724, %unpack3A_731 : vector<16xf32>
        %add3A_734 = arith.constant 4 : i32
        %add3A_735 = arith.addi %mul3A_666, %add3A_734 : i32
        %get3A_736 = arith.index_cast %add3A_735 : i32 to index
        %get3A_737 = arith.constant 0 : index
        %get3A_738 = tpu.vector_load %arg6[%get3A_736, %get3A_737] {strides = array<i32>} : memref<2560x32xbf16, #tpu.memory_space<vmem>>, vector<32xbf16>,
        %unpack3A_739 = tpu.unpack_subelements %get3A_738, 0 {pack_format = #tpu.pack_format<interleaved>} : vector<32xbf16> -> vector<16xf32>
        %unpack3A_740 = tpu.unpack_subelements %get3A_738, 1 {pack_format = #tpu.pack_format<interleaved>} : vector<32xbf16> -> vector<16xf32>
        %add3A_741 = arith.addf %add3A_732, %unpack3A_739 : vector<16xf32>
        %add3A_742 = arith.addf %add3A_733, %unpack3A_740 : vector<16xf32>
        %add3A_743 = arith.constant 5 : i32
        %add3A_744 = arith.addi %mul3A_666, %add3A_743 : i32
        %get3A_745 = arith.index_cast %add3A_744 : i32 to index
        %get3A_746 = arith.constant 0 : index
        %get3A_747 = tpu.vector_load %arg6[%get3A_745, %get3A_746] {strides = array<i32>} : memref<2560x32xbf16, #tpu.memory_space<vmem>>, vector<32xbf16>,
        %unpack3A_748 = tpu.unpack_subelements %get3A_747, 0 {pack_format = #tpu.pack_format<interleaved>} : vector<32xbf16> -> vector<16xf32>
        %unpack3A_749 = tpu.unpack_subelements %get3A_747, 1 {pack_format = #tpu.pack_format<interleaved>} : vector<32xbf16> -> vector<16xf32>
        %add3A_750 = arith.addf %add3A_741, %unpack3A_748 : vector<16xf32>
        %add3A_751 = arith.addf %add3A_742, %unpack3A_749 : vector<16xf32>
        %add3A_752 = arith.constant 6 : i32
        %add3A_753 = arith.addi %mul3A_666, %add3A_752 : i32
        %get3A_754 = arith.index_cast %add3A_753 : i32 to index
        %get3A_755 = arith.constant 0 : index
        %get3A_756 = tpu.vector_load %arg6[%get3A_754, %get3A_755] {strides = array<i32>} : memref<2560x32xbf16, #tpu.memory_space<vmem>>, vector<32xbf16>,
        %unpack3A_757 = tpu.unpack_subelements %get3A_756, 0 {pack_format = #tpu.pack_format<interleaved>} : vector<32xbf16> -> vector<16xf32>
        %unpack3A_758 = tpu.unpack_subelements %get3A_756, 1 {pack_format = #tpu.pack_format<interleaved>} : vector<32xbf16> -> vector<16xf32>
        %add3A_759 = arith.addf %add3A_750, %unpack3A_757 : vector<16xf32>
        %add3A_760 = arith.addf %add3A_751, %unpack3A_758 : vector<16xf32>
        %add3A_761 = arith.constant 7 : i32
        %add3A_762 = arith.addi %mul3A_666, %add3A_761 : i32
        %get3A_763 = arith.index_cast %add3A_762 : i32 to index
        %get3A_764 = arith.constant 0 : index
        %get3A_765 = tpu.vector_load %arg6[%get3A_763, %get3A_764] {strides = array<i32>} : memref<2560x32xbf16, #tpu.memory_space<vmem>>, vector<32xbf16>,
        %unpack3A_766 = tpu.unpack_subelements %get3A_765, 0 {pack_format = #tpu.pack_format<interleaved>} : vector<32xbf16> -> vector<16xf32>
        %unpack3A_767 = tpu.unpack_subelements %get3A_765, 1 {pack_format = #tpu.pack_format<interleaved>} : vector<32xbf16> -> vector<16xf32>
        %add3A_768 = arith.addf %add3A_759, %unpack3A_766 : vector<16xf32>
        %add3A_769 = arith.addf %add3A_760, %unpack3A_767 : vector<16xf32>
        %add3A_770 = arith.constant 8 : i32
        %add3A_771 = arith.addi %mul3A_666, %add3A_770 : i32
        %get3A_772 = arith.index_cast %add3A_771 : i32 to index
        %get3A_773 = arith.constant 0 : index
        %get3A_774 = tpu.vector_load %arg6[%get3A_772, %get3A_773] {strides = array<i32>} : memref<2560x32xbf16, #tpu.memory_space<vmem>>, vector<32xbf16>,
        %unpack3A_775 = tpu.unpack_subelements %get3A_774, 0 {pack_format = #tpu.pack_format<interleaved>} : vector<32xbf16> -> vector<16xf32>
        %unpack3A_776 = tpu.unpack_subelements %get3A_774, 1 {pack_format = #tpu.pack_format<interleaved>} : vector<32xbf16> -> vector<16xf32>
        %add3A_777 = arith.addf %add3A_768, %unpack3A_775 : vector<16xf32>
        %add3A_778 = arith.addf %add3A_769, %unpack3A_776 : vector<16xf32>
        %add3A_779 = arith.constant 9 : i32
        %add3A_780 = arith.addi %mul3A_666, %add3A_779 : i32
        %get3A_781 = arith.index_cast %add3A_780 : i32 to index
        %get3A_782 = arith.constant 0 : index
        %get3A_783 = tpu.vector_load %arg6[%get3A_781, %get3A_782] {strides = array<i32>} : memref<2560x32xbf16, #tpu.memory_space<vmem>>, vector<32xbf16>,
        %unpack3A_784 = tpu.unpack_subelements %get3A_783, 0 {pack_format = #tpu.pack_format<interleaved>} : vector<32xbf16> -> vector<16xf32>
        %unpack3A_785 = tpu.unpack_subelements %get3A_783, 1 {pack_format = #tpu.pack_format<interleaved>} : vector<32xbf16> -> vector<16xf32>
        %add3A_786 = arith.addf %add3A_777, %unpack3A_784 : vector<16xf32>
        %add3A_787 = arith.addf %add3A_778, %unpack3A_785 : vector<16xf32>
        %add3A_788 = arith.constant 10 : i32
        %add3A_789 = arith.addi %mul3A_666, %add3A_788 : i32
        %get3A_790 = arith.index_cast %add3A_789 : i32 to index
        %get3A_791 = arith.constant 0 : index
        %get3A_792 = tpu.vector_load %arg6[%get3A_790, %get3A_791] {strides = array<i32>} : memref<2560x32xbf16, #tpu.memory_space<vmem>>, vector<32xbf16>,
        %unpack3A_793 = tpu.unpack_subelements %get3A_792, 0 {pack_format = #tpu.pack_format<interleaved>} : vector<32xbf16> -> vector<16xf32>
        %unpack3A_794 = tpu.unpack_subelements %get3A_792, 1 {pack_format = #tpu.pack_format<interleaved>} : vector<32xbf16> -> vector<16xf32>
        %add3A_795 = arith.addf %add3A_786, %unpack3A_793 : vector<16xf32>
        %add3A_796 = arith.addf %add3A_787, %unpack3A_794 : vector<16xf32>
        %add3A_797 = arith.constant 11 : i32
        %add3A_798 = arith.addi %mul3A_666, %add3A_797 : i32
        %get3A_799 = arith.index_cast %add3A_798 : i32 to index
        %get3A_800 = arith.constant 0 : index
        %get3A_801 = tpu.vector_load %arg6[%get3A_799, %get3A_800] {strides = array<i32>} : memref<2560x32xbf16, #tpu.memory_space<vmem>>, vector<32xbf16>,
        %unpack3A_802 = tpu.unpack_subelements %get3A_801, 0 {pack_format = #tpu.pack_format<interleaved>} : vector<32xbf16> -> vector<16xf32>
        %unpack3A_803 = tpu.unpack_subelements %get3A_801, 1 {pack_format = #tpu.pack_format<interleaved>} : vector<32xbf16> -> vector<16xf32>
        %add3A_804 = arith.addf %add3A_795, %unpack3A_802 : vector<16xf32>
        %add3A_805 = arith.addf %add3A_796, %unpack3A_803 : vector<16xf32>
        %add3A_806 = arith.constant 12 : i32
        %add3A_807 = arith.addi %mul3A_666, %add3A_806 : i32
        %get3A_808 = arith.index_cast %add3A_807 : i32 to index
        %get3A_809 = arith.constant 0 : index
        %get3A_810 = tpu.vector_load %arg6[%get3A_808, %get3A_809] {strides = array<i32>} : memref<2560x32xbf16, #tpu.memory_space<vmem>>, vector<32xbf16>,
        %unpack3A_811 = tpu.unpack_subelements %get3A_810, 0 {pack_format = #tpu.pack_format<interleaved>} : vector<32xbf16> -> vector<16xf32>
        %unpack3A_812 = tpu.unpack_subelements %get3A_810, 1 {pack_format = #tpu.pack_format<interleaved>} : vector<32xbf16> -> vector<16xf32>
        %add3A_813 = arith.addf %add3A_804, %unpack3A_811 : vector<16xf32>
        %add3A_814 = arith.addf %add3A_805, %unpack3A_812 : vector<16xf32>
        %add3A_815 = arith.constant 13 : i32
        %add3A_816 = arith.addi %mul3A_666, %add3A_815 : i32
        %get3A_817 = arith.index_cast %add3A_816 : i32 to index
        %get3A_818 = arith.constant 0 : index
        %get3A_819 = tpu.vector_load %arg6[%get3A_817, %get3A_818] {strides = array<i32>} : memref<2560x32xbf16, #tpu.memory_space<vmem>>, vector<32xbf16>,
        %unpack3A_820 = tpu.unpack_subelements %get3A_819, 0 {pack_format = #tpu.pack_format<interleaved>} : vector<32xbf16> -> vector<16xf32>
        %unpack3A_821 = tpu.unpack_subelements %get3A_819, 1 {pack_format = #tpu.pack_format<interleaved>} : vector<32xbf16> -> vector<16xf32>
        %add3A_822 = arith.addf %add3A_813, %unpack3A_820 : vector<16xf32>
        %add3A_823 = arith.addf %add3A_814, %unpack3A_821 : vector<16xf32>
        %add3A_824 = arith.constant 14 : i32
        %add3A_825 = arith.addi %mul3A_666, %add3A_824 : i32
        %get3A_826 = arith.index_cast %add3A_825 : i32 to index
        %get3A_827 = arith.constant 0 : index
        %get3A_828 = tpu.vector_load %arg6[%get3A_826, %get3A_827] {strides = array<i32>} : memref<2560x32xbf16, #tpu.memory_space<vmem>>, vector<32xbf16>,
        %unpack3A_829 = tpu.unpack_subelements %get3A_828, 0 {pack_format = #tpu.pack_format<interleaved>} : vector<32xbf16> -> vector<16xf32>
        %unpack3A_830 = tpu.unpack_subelements %get3A_828, 1 {pack_format = #tpu.pack_format<interleaved>} : vector<32xbf16> -> vector<16xf32>
        %add3A_831 = arith.addf %add3A_822, %unpack3A_829 : vector<16xf32>
        %add3A_832 = arith.addf %add3A_823, %unpack3A_830 : vector<16xf32>
        %add3A_833 = arith.constant 15 : i32
        %add3A_834 = arith.addi %mul3A_666, %add3A_833 : i32
        %get3A_835 = arith.index_cast %add3A_834 : i32 to index
        %get3A_836 = arith.constant 0 : index
        %get3A_837 = tpu.vector_load %arg6[%get3A_835, %get3A_836] {strides = array<i32>} : memref<2560x32xbf16, #tpu.memory_space<vmem>>, vector<32xbf16>,
        %unpack3A_838 = tpu.unpack_subelements %get3A_837, 0 {pack_format = #tpu.pack_format<interleaved>} : vector<32xbf16> -> vector<16xf32>
        %unpack3A_839 = tpu.unpack_subelements %get3A_837, 1 {pack_format = #tpu.pack_format<interleaved>} : vector<32xbf16> -> vector<16xf32>
        %add3A_840 = arith.addf %add3A_831, %unpack3A_838 : vector<16xf32>
        %add3A_841 = arith.addf %add3A_832, %unpack3A_839 : vector<16xf32>
        %add3A_842 = arith.constant 16 : i32
        %add3A_843 = arith.addi %mul3A_666, %add3A_842 : i32
        %get3A_844 = arith.index_cast %add3A_843 : i32 to index
        %get3A_845 = arith.constant 0 : index
        %get3A_846 = tpu.vector_load %arg6[%get3A_844, %get3A_845] {strides = array<i32>} : memref<2560x32xbf16, #tpu.memory_space<vmem>>, vector<32xbf16>,
        %unpack3A_847 = tpu.unpack_subelements %get3A_846, 0 {pack_format = #tpu.pack_format<interleaved>} : vector<32xbf16> -> vector<16xf32>
        %unpack3A_848 = tpu.unpack_subelements %get3A_846, 1 {pack_format = #tpu.pack_format<interleaved>} : vector<32xbf16> -> vector<16xf32>
        %add3A_849 = arith.addf %add3A_840, %unpack3A_847 : vector<16xf32>
        %add3A_850 = arith.addf %add3A_841, %unpack3A_848 : vector<16xf32>
        %add3A_851 = arith.constant 17 : i32
        %add3A_852 = arith.addi %mul3A_666, %add3A_851 : i32
        %get3A_853 = arith.index_cast %add3A_852 : i32 to index
        %get3A_854 = arith.constant 0 : index
        %get3A_855 = tpu.vector_load %arg6[%get3A_853, %get3A_854] {strides = array<i32>} : memref<2560x32xbf16, #tpu.memory_space<vmem>>, vector<32xbf16>,
        %unpack3A_856 = tpu.unpack_subelements %get3A_855, 0 {pack_format = #tpu.pack_format<interleaved>} : vector<32xbf16> -> vector<16xf32>
        %unpack3A_857 = tpu.unpack_subelements %get3A_855, 1 {pack_format = #tpu.pack_format<interleaved>} : vector<32xbf16> -> vector<16xf32>
        %add3A_858 = arith.addf %add3A_849, %unpack3A_856 : vector<16xf32>
        %add3A_859 = arith.addf %add3A_850, %unpack3A_857 : vector<16xf32>
        %add3A_860 = arith.constant 18 : i32
        %add3A_861 = arith.addi %mul3A_666, %add3A_860 : i32
        %get3A_862 = arith.index_cast %add3A_861 : i32 to index
        %get3A_863 = arith.constant 0 : index
        %get3A_864 = tpu.vector_load %arg6[%get3A_862, %get3A_863] {strides = array<i32>} : memref<2560x32xbf16, #tpu.memory_space<vmem>>, vector<32xbf16>,
        %unpack3A_865 = tpu.unpack_subelements %get3A_864, 0 {pack_format = #tpu.pack_format<interleaved>} : vector<32xbf16> -> vector<16xf32>
        %unpack3A_866 = tpu.unpack_subelements %get3A_864, 1 {pack_format = #tpu.pack_format<interleaved>} : vector<32xbf16> -> vector<16xf32>
        %add3A_867 = arith.addf %add3A_858, %unpack3A_865 : vector<16xf32>
        %add3A_868 = arith.addf %add3A_859, %unpack3A_866 : vector<16xf32>
        %add3A_869 = arith.constant 19 : i32
        %add3A_870 = arith.addi %mul3A_666, %add3A_869 : i32
        %get3A_871 = arith.index_cast %add3A_870 : i32 to index
        %get3A_872 = arith.constant 0 : index
        %get3A_873 = tpu.vector_load %arg6[%get3A_871, %get3A_872] {strides = array<i32>} : memref<2560x32xbf16, #tpu.memory_space<vmem>>, vector<32xbf16>,
        %unpack3A_874 = tpu.unpack_subelements %get3A_873, 0 {pack_format = #tpu.pack_format<interleaved>} : vector<32xbf16> -> vector<16xf32>
        %unpack3A_875 = tpu.unpack_subelements %get3A_873, 1 {pack_format = #tpu.pack_format<interleaved>} : vector<32xbf16> -> vector<16xf32>
        %add3A_876 = arith.addf %add3A_867, %unpack3A_874 : vector<16xf32>
        %add3A_877 = arith.addf %add3A_868, %unpack3A_875 : vector<16xf32>
        %mul3A_878 = arith.mulf %convert_element_type3A_692, %unpack3A : vector<16xf32>
        %sub3A_879 = arith.subf %add3A_876, %mul3A_878 : vector<16xf32>
        %mul3A_880 = arith.mulf %sub3A_879, %div3A_701 : vector<16xf32>
        %mul3A_881 = arith.constant 128 : i32
        %mul3A_882 = arith.muli %mul3A_180, %mul3A_881 : i32
        %add3A_883 = arith.addi %mul3A_882, %add3A_664 : i32
        %swap3A_884 = arith.index_cast %add3A_883 : i32 to index
        %swap3A_885 = arith.constant 0 : index
        %swap3A_886 = tpu.vector_load %arg8[%swap3A_884, %swap3A_885] {strides = array<i32>} : memref<512x32xf32, #tpu.memory_space<vmem>>, vector<16xf32>,
        tpu.vector_store %arg8[%swap3A_884, %swap3A_885], %mul3A_880 {strides = array<i32>} : memref<512x32xf32, #tpu.memory_space<vmem>>, vector<16xf32>,
        %mul3A_887 = arith.mulf %convert_element_type3A_692, %unpack3A_10 : vector<16xf32>
        %sub3A_888 = arith.subf %add3A_877, %mul3A_887 : vector<16xf32>
        %mul3A_889 = arith.mulf %sub3A_888, %div3A_701 : vector<16xf32>
        %mul3A_890 = arith.constant 128 : i32
        %mul3A_891 = arith.muli %mul3A_180, %mul3A_890 : i32
        %add3A_892 = arith.addi %mul3A_891, %add3A_664 : i32
        %swap3A_893 = arith.index_cast %add3A_892 : i32 to index
        %swap3A_894 = arith.constant 16 : index
        %swap3A_895 = tpu.vector_load %arg8[%swap3A_893, %swap3A_894] {strides = array<i32>} : memref<512x32xf32, #tpu.memory_space<vmem>>, vector<16xf32>,
        tpu.vector_store %arg8[%swap3A_893, %swap3A_894], %mul3A_889 {strides = array<i32>} : memref<512x32xf32, #tpu.memory_space<vmem>>, vector<16xf32>,
      }
      %scan3A_412 = arith.constant 128 : i32
      %lt3A = arith.constant 1 : i32
      %lt3A_413 = arith.cmpi slt, %add3A_178, %lt3A : i32
      %convert_element_type3A_414 = arith.extui %lt3A_413 : i1 to i32
      %cond3A_415 = arith.constant 0 : i32
      %cond3A_416 = arith.cmpi ne, %convert_element_type3A_414, %cond3A_415 : i32
      scf.if %cond3A_416 {
        %add3A_430 = arith.constant 2 : i32
        %add3A_431 = arith.addi %mul3A_180, %add3A_430 : i32
        %mul3A_432 = arith.constant 2560 : i32
        %mul3A_433 = arith.muli %add3A_431, %mul3A_432 : i32
        %add3A_434 = arith.constant 0 : i32
        %add3A_435 = arith.addi %mul3A_433, %add3A_434 : i32
        %dma_start3A_436 = arith.constant 0 : i32
        %dma_start3A_437 = arith.constant 0 : i32
        %dma_start3A_438 = tpu.memref_slice %arg6[%dma_start3A_436, %dma_start3A_437] : memref<2560x32xbf16, #tpu.memory_space<vmem>> -> memref<128x32xbf16, #tpu.memory_space<vmem>>
        %dma_start3A_439 = tpu.memref_slice %arg5[%add3A_435] : memref<10240xi32, #tpu.memory_space<vmem>> -> memref<128xi32, #tpu.memory_space<vmem>>
        %dma_start3A_440 = arith.constant 0 : i32
        %dma_start3A_441 = arith.constant 0 : i32
        %dma_start3A_442 = tpu.memref_slice %arg10[%dma_start3A_440, %dma_start3A_441] : memref<10000x32xbf16, #tpu.memory_space<vmem_shared>> -> memref<10000x32xbf16, #tpu.memory_space<vmem_shared>>
        tpu.enqueue_indirect_dma source(%dma_start3A_442 : memref<10000x32xbf16, #tpu.memory_space<vmem_shared>>) target(%dma_start3A_438 : memref<128x32xbf16, #tpu.memory_space<vmem>>) offsets(%dma_start3A_439 : memref<128xi32, #tpu.memory_space<vmem>>) semaphore(%arg11 : memref<!tpu.dma_semaphore, #tpu.memory_space<semaphore_mem>>)
        %mul3A_443 = arith.constant 2560 : i32
        %mul3A_444 = arith.muli %add3A_431, %mul3A_443 : i32
        %add3A_445 = arith.constant 128 : i32
        %add3A_446 = arith.addi %mul3A_444, %add3A_445 : i32
        %dma_start3A_447 = arith.constant 128 : i32
        %dma_start3A_448 = arith.constant 0 : i32
        %dma_start3A_449 = tpu.memref_slice %arg6[%dma_start3A_447, %dma_start3A_448] : memref<2560x32xbf16, #tpu.memory_space<vmem>> -> memref<128x32xbf16, #tpu.memory_space<vmem>>
        %dma_start3A_450 = tpu.memref_slice %arg5[%add3A_446] : memref<10240xi32, #tpu.memory_space<vmem>> -> memref<128xi32, #tpu.memory_space<vmem>>
        %dma_start3A_451 = arith.constant 0 : i32
        %dma_start3A_452 = arith.constant 0 : i32
        %dma_start3A_453 = tpu.memref_slice %arg10[%dma_start3A_451, %dma_start3A_452] : memref<10000x32xbf16, #tpu.memory_space<vmem_shared>> -> memref<10000x32xbf16, #tpu.memory_space<vmem_shared>>
        tpu.enqueue_indirect_dma source(%dma_start3A_453 : memref<10000x32xbf16, #tpu.memory_space<vmem_shared>>) target(%dma_start3A_449 : memref<128x32xbf16, #tpu.memory_space<vmem>>) offsets(%dma_start3A_450 : memref<128xi32, #tpu.memory_space<vmem>>) semaphore(%arg11 : memref<!tpu.dma_semaphore, #tpu.memory_space<semaphore_mem>>)
        %mul3A_454 = arith.constant 2560 : i32
        %mul3A_455 = arith.muli %add3A_431, %mul3A_454 : i32
        %add3A_456 = arith.constant 256 : i32
        %add3A_457 = arith.addi %mul3A_455, %add3A_456 : i32
        %dma_start3A_458 = arith.constant 256 : i32
        %dma_start3A_459 = arith.constant 0 : i32
        %dma_start3A_460 = tpu.memref_slice %arg6[%dma_start3A_458, %dma_start3A_459] : memref<2560x32xbf16, #tpu.memory_space<vmem>> -> memref<128x32xbf16, #tpu.memory_space<vmem>>
        %dma_start3A_461 = tpu.memref_slice %arg5[%add3A_457] : memref<10240xi32, #tpu.memory_space<vmem>> -> memref<128xi32, #tpu.memory_space<vmem>>
        %dma_start3A_462 = arith.constant 0 : i32
        %dma_start3A_463 = arith.constant 0 : i32
        %dma_start3A_464 = tpu.memref_slice %arg10[%dma_start3A_462, %dma_start3A_463] : memref<10000x32xbf16, #tpu.memory_space<vmem_shared>> -> memref<10000x32xbf16, #tpu.memory_space<vmem_shared>>
        tpu.enqueue_indirect_dma source(%dma_start3A_464 : memref<10000x32xbf16, #tpu.memory_space<vmem_shared>>) target(%dma_start3A_460 : memref<128x32xbf16, #tpu.memory_space<vmem>>) offsets(%dma_start3A_461 : memref<128xi32, #tpu.memory_space<vmem>>) semaphore(%arg11 : memref<!tpu.dma_semaphore, #tpu.memory_space<semaphore_mem>>)
        %mul3A_465 = arith.constant 2560 : i32
        %mul3A_466 = arith.muli %add3A_431, %mul3A_465 : i32
        %add3A_467 = arith.constant 384 : i32
        %add3A_468 = arith.addi %mul3A_466, %add3A_467 : i32
        %dma_start3A_469 = arith.constant 384 : i32
        %dma_start3A_470 = arith.constant 0 : i32
        %dma_start3A_471 = tpu.memref_slice %arg6[%dma_start3A_469, %dma_start3A_470] : memref<2560x32xbf16, #tpu.memory_space<vmem>> -> memref<128x32xbf16, #tpu.memory_space<vmem>>
        %dma_start3A_472 = tpu.memref_slice %arg5[%add3A_468] : memref<10240xi32, #tpu.memory_space<vmem>> -> memref<128xi32, #tpu.memory_space<vmem>>
        %dma_start3A_473 = arith.constant 0 : i32
        %dma_start3A_474 = arith.constant 0 : i32
        %dma_start3A_475 = tpu.memref_slice %arg10[%dma_start3A_473, %dma_start3A_474] : memref<10000x32xbf16, #tpu.memory_space<vmem_shared>> -> memref<10000x32xbf16, #tpu.memory_space<vmem_shared>>
        tpu.enqueue_indirect_dma source(%dma_start3A_475 : memref<10000x32xbf16, #tpu.memory_space<vmem_shared>>) target(%dma_start3A_471 : memref<128x32xbf16, #tpu.memory_space<vmem>>) offsets(%dma_start3A_472 : memref<128xi32, #tpu.memory_space<vmem>>) semaphore(%arg11 : memref<!tpu.dma_semaphore, #tpu.memory_space<semaphore_mem>>)
        %mul3A_476 = arith.constant 2560 : i32
        %mul3A_477 = arith.muli %add3A_431, %mul3A_476 : i32
        %add3A_478 = arith.constant 512 : i32
        %add3A_479 = arith.addi %mul3A_477, %add3A_478 : i32
        %dma_start3A_480 = arith.constant 512 : i32
        %dma_start3A_481 = arith.constant 0 : i32
        %dma_start3A_482 = tpu.memref_slice %arg6[%dma_start3A_480, %dma_start3A_481] : memref<2560x32xbf16, #tpu.memory_space<vmem>> -> memref<128x32xbf16, #tpu.memory_space<vmem>>
        %dma_start3A_483 = tpu.memref_slice %arg5[%add3A_479] : memref<10240xi32, #tpu.memory_space<vmem>> -> memref<128xi32, #tpu.memory_space<vmem>>
        %dma_start3A_484 = arith.constant 0 : i32
        %dma_start3A_485 = arith.constant 0 : i32
        %dma_start3A_486 = tpu.memref_slice %arg10[%dma_start3A_484, %dma_start3A_485] : memref<10000x32xbf16, #tpu.memory_space<vmem_shared>> -> memref<10000x32xbf16, #tpu.memory_space<vmem_shared>>
        tpu.enqueue_indirect_dma source(%dma_start3A_486 : memref<10000x32xbf16, #tpu.memory_space<vmem_shared>>) target(%dma_start3A_482 : memref<128x32xbf16, #tpu.memory_space<vmem>>) offsets(%dma_start3A_483 : memref<128xi32, #tpu.memory_space<vmem>>) semaphore(%arg11 : memref<!tpu.dma_semaphore, #tpu.memory_space<semaphore_mem>>)
        %mul3A_487 = arith.constant 2560 : i32
        %mul3A_488 = arith.muli %add3A_431, %mul3A_487 : i32
        %add3A_489 = arith.constant 640 : i32
        %add3A_490 = arith.addi %mul3A_488, %add3A_489 : i32
        %dma_start3A_491 = arith.constant 640 : i32
        %dma_start3A_492 = arith.constant 0 : i32
        %dma_start3A_493 = tpu.memref_slice %arg6[%dma_start3A_491, %dma_start3A_492] : memref<2560x32xbf16, #tpu.memory_space<vmem>> -> memref<128x32xbf16, #tpu.memory_space<vmem>>
        %dma_start3A_494 = tpu.memref_slice %arg5[%add3A_490] : memref<10240xi32, #tpu.memory_space<vmem>> -> memref<128xi32, #tpu.memory_space<vmem>>
        %dma_start3A_495 = arith.constant 0 : i32
        %dma_start3A_496 = arith.constant 0 : i32
        %dma_start3A_497 = tpu.memref_slice %arg10[%dma_start3A_495, %dma_start3A_496] : memref<10000x32xbf16, #tpu.memory_space<vmem_shared>> -> memref<10000x32xbf16, #tpu.memory_space<vmem_shared>>
        tpu.enqueue_indirect_dma source(%dma_start3A_497 : memref<10000x32xbf16, #tpu.memory_space<vmem_shared>>) target(%dma_start3A_493 : memref<128x32xbf16, #tpu.memory_space<vmem>>) offsets(%dma_start3A_494 : memref<128xi32, #tpu.memory_space<vmem>>) semaphore(%arg11 : memref<!tpu.dma_semaphore, #tpu.memory_space<semaphore_mem>>)
        %mul3A_498 = arith.constant 2560 : i32
        %mul3A_499 = arith.muli %add3A_431, %mul3A_498 : i32
        %add3A_500 = arith.constant 768 : i32
        %add3A_501 = arith.addi %mul3A_499, %add3A_500 : i32
        %dma_start3A_502 = arith.constant 768 : i32
        %dma_start3A_503 = arith.constant 0 : i32
        %dma_start3A_504 = tpu.memref_slice %arg6[%dma_start3A_502, %dma_start3A_503] : memref<2560x32xbf16, #tpu.memory_space<vmem>> -> memref<128x32xbf16, #tpu.memory_space<vmem>>
        %dma_start3A_505 = tpu.memref_slice %arg5[%add3A_501] : memref<10240xi32, #tpu.memory_space<vmem>> -> memref<128xi32, #tpu.memory_space<vmem>>
        %dma_start3A_506 = arith.constant 0 : i32
        %dma_start3A_507 = arith.constant 0 : i32
        %dma_start3A_508 = tpu.memref_slice %arg10[%dma_start3A_506, %dma_start3A_507] : memref<10000x32xbf16, #tpu.memory_space<vmem_shared>> -> memref<10000x32xbf16, #tpu.memory_space<vmem_shared>>
        tpu.enqueue_indirect_dma source(%dma_start3A_508 : memref<10000x32xbf16, #tpu.memory_space<vmem_shared>>) target(%dma_start3A_504 : memref<128x32xbf16, #tpu.memory_space<vmem>>) offsets(%dma_start3A_505 : memref<128xi32, #tpu.memory_space<vmem>>) semaphore(%arg11 : memref<!tpu.dma_semaphore, #tpu.memory_space<semaphore_mem>>)
        %mul3A_509 = arith.constant 2560 : i32
        %mul3A_510 = arith.muli %add3A_431, %mul3A_509 : i32
        %add3A_511 = arith.constant 896 : i32
        %add3A_512 = arith.addi %mul3A_510, %add3A_511 : i32
        %dma_start3A_513 = arith.constant 896 : i32
        %dma_start3A_514 = arith.constant 0 : i32
        %dma_start3A_515 = tpu.memref_slice %arg6[%dma_start3A_513, %dma_start3A_514] : memref<2560x32xbf16, #tpu.memory_space<vmem>> -> memref<128x32xbf16, #tpu.memory_space<vmem>>
        %dma_start3A_516 = tpu.memref_slice %arg5[%add3A_512] : memref<10240xi32, #tpu.memory_space<vmem>> -> memref<128xi32, #tpu.memory_space<vmem>>
        %dma_start3A_517 = arith.constant 0 : i32
        %dma_start3A_518 = arith.constant 0 : i32
        %dma_start3A_519 = tpu.memref_slice %arg10[%dma_start3A_517, %dma_start3A_518] : memref<10000x32xbf16, #tpu.memory_space<vmem_shared>> -> memref<10000x32xbf16, #tpu.memory_space<vmem_shared>>
        tpu.enqueue_indirect_dma source(%dma_start3A_519 : memref<10000x32xbf16, #tpu.memory_space<vmem_shared>>) target(%dma_start3A_515 : memref<128x32xbf16, #tpu.memory_space<vmem>>) offsets(%dma_start3A_516 : memref<128xi32, #tpu.memory_space<vmem>>) semaphore(%arg11 : memref<!tpu.dma_semaphore, #tpu.memory_space<semaphore_mem>>)
        %mul3A_520 = arith.constant 2560 : i32
        %mul3A_521 = arith.muli %add3A_431, %mul3A_520 : i32
        %add3A_522 = arith.constant 1024 : i32
        %add3A_523 = arith.addi %mul3A_521, %add3A_522 : i32
        %dma_start3A_524 = arith.constant 1024 : i32
        %dma_start3A_525 = arith.constant 0 : i32
        %dma_start3A_526 = tpu.memref_slice %arg6[%dma_start3A_524, %dma_start3A_525] : memref<2560x32xbf16, #tpu.memory_space<vmem>> -> memref<128x32xbf16, #tpu.memory_space<vmem>>
        %dma_start3A_527 = tpu.memref_slice %arg5[%add3A_523] : memref<10240xi32, #tpu.memory_space<vmem>> -> memref<128xi32, #tpu.memory_space<vmem>>
        %dma_start3A_528 = arith.constant 0 : i32
        %dma_start3A_529 = arith.constant 0 : i32
        %dma_start3A_530 = tpu.memref_slice %arg10[%dma_start3A_528, %dma_start3A_529] : memref<10000x32xbf16, #tpu.memory_space<vmem_shared>> -> memref<10000x32xbf16, #tpu.memory_space<vmem_shared>>
        tpu.enqueue_indirect_dma source(%dma_start3A_530 : memref<10000x32xbf16, #tpu.memory_space<vmem_shared>>) target(%dma_start3A_526 : memref<128x32xbf16, #tpu.memory_space<vmem>>) offsets(%dma_start3A_527 : memref<128xi32, #tpu.memory_space<vmem>>) semaphore(%arg11 : memref<!tpu.dma_semaphore, #tpu.memory_space<semaphore_mem>>)
        %mul3A_531 = arith.constant 2560 : i32
        %mul3A_532 = arith.muli %add3A_431, %mul3A_531 : i32
        %add3A_533 = arith.constant 1152 : i32
        %add3A_534 = arith.addi %mul3A_532, %add3A_533 : i32
        %dma_start3A_535 = arith.constant 1152 : i32
        %dma_start3A_536 = arith.constant 0 : i32
        %dma_start3A_537 = tpu.memref_slice %arg6[%dma_start3A_535, %dma_start3A_536] : memref<2560x32xbf16, #tpu.memory_space<vmem>> -> memref<128x32xbf16, #tpu.memory_space<vmem>>
        %dma_start3A_538 = tpu.memref_slice %arg5[%add3A_534] : memref<10240xi32, #tpu.memory_space<vmem>> -> memref<128xi32, #tpu.memory_space<vmem>>
        %dma_start3A_539 = arith.constant 0 : i32
        %dma_start3A_540 = arith.constant 0 : i32
        %dma_start3A_541 = tpu.memref_slice %arg10[%dma_start3A_539, %dma_start3A_540] : memref<10000x32xbf16, #tpu.memory_space<vmem_shared>> -> memref<10000x32xbf16, #tpu.memory_space<vmem_shared>>
        tpu.enqueue_indirect_dma source(%dma_start3A_541 : memref<10000x32xbf16, #tpu.memory_space<vmem_shared>>) target(%dma_start3A_537 : memref<128x32xbf16, #tpu.memory_space<vmem>>) offsets(%dma_start3A_538 : memref<128xi32, #tpu.memory_space<vmem>>) semaphore(%arg11 : memref<!tpu.dma_semaphore, #tpu.memory_space<semaphore_mem>>)
        %mul3A_542 = arith.constant 2560 : i32
        %mul3A_543 = arith.muli %add3A_431, %mul3A_542 : i32
        %add3A_544 = arith.constant 1280 : i32
        %add3A_545 = arith.addi %mul3A_543, %add3A_544 : i32
        %dma_start3A_546 = arith.constant 1280 : i32
        %dma_start3A_547 = arith.constant 0 : i32
        %dma_start3A_548 = tpu.memref_slice %arg6[%dma_start3A_546, %dma_start3A_547] : memref<2560x32xbf16, #tpu.memory_space<vmem>> -> memref<128x32xbf16, #tpu.memory_space<vmem>>
        %dma_start3A_549 = tpu.memref_slice %arg5[%add3A_545] : memref<10240xi32, #tpu.memory_space<vmem>> -> memref<128xi32, #tpu.memory_space<vmem>>
        %dma_start3A_550 = arith.constant 0 : i32
        %dma_start3A_551 = arith.constant 0 : i32
        %dma_start3A_552 = tpu.memref_slice %arg10[%dma_start3A_550, %dma_start3A_551] : memref<10000x32xbf16, #tpu.memory_space<vmem_shared>> -> memref<10000x32xbf16, #tpu.memory_space<vmem_shared>>
        tpu.enqueue_indirect_dma source(%dma_start3A_552 : memref<10000x32xbf16, #tpu.memory_space<vmem_shared>>) target(%dma_start3A_548 : memref<128x32xbf16, #tpu.memory_space<vmem>>) offsets(%dma_start3A_549 : memref<128xi32, #tpu.memory_space<vmem>>) semaphore(%arg11 : memref<!tpu.dma_semaphore, #tpu.memory_space<semaphore_mem>>)
        %mul3A_553 = arith.constant 2560 : i32
        %mul3A_554 = arith.muli %add3A_431, %mul3A_553 : i32
        %add3A_555 = arith.constant 1408 : i32
        %add3A_556 = arith.addi %mul3A_554, %add3A_555 : i32
        %dma_start3A_557 = arith.constant 1408 : i32
        %dma_start3A_558 = arith.constant 0 : i32
        %dma_start3A_559 = tpu.memref_slice %arg6[%dma_start3A_557, %dma_start3A_558] : memref<2560x32xbf16, #tpu.memory_space<vmem>> -> memref<128x32xbf16, #tpu.memory_space<vmem>>
        %dma_start3A_560 = tpu.memref_slice %arg5[%add3A_556] : memref<10240xi32, #tpu.memory_space<vmem>> -> memref<128xi32, #tpu.memory_space<vmem>>
        %dma_start3A_561 = arith.constant 0 : i32
        %dma_start3A_562 = arith.constant 0 : i32
        %dma_start3A_563 = tpu.memref_slice %arg10[%dma_start3A_561, %dma_start3A_562] : memref<10000x32xbf16, #tpu.memory_space<vmem_shared>> -> memref<10000x32xbf16, #tpu.memory_space<vmem_shared>>
        tpu.enqueue_indirect_dma source(%dma_start3A_563 : memref<10000x32xbf16, #tpu.memory_space<vmem_shared>>) target(%dma_start3A_559 : memref<128x32xbf16, #tpu.memory_space<vmem>>) offsets(%dma_start3A_560 : memref<128xi32, #tpu.memory_space<vmem>>) semaphore(%arg11 : memref<!tpu.dma_semaphore, #tpu.memory_space<semaphore_mem>>)
        %mul3A_564 = arith.constant 2560 : i32
        %mul3A_565 = arith.muli %add3A_431, %mul3A_564 : i32
        %add3A_566 = arith.constant 1536 : i32
        %add3A_567 = arith.addi %mul3A_565, %add3A_566 : i32
        %dma_start3A_568 = arith.constant 1536 : i32
        %dma_start3A_569 = arith.constant 0 : i32
        %dma_start3A_570 = tpu.memref_slice %arg6[%dma_start3A_568, %dma_start3A_569] : memref<2560x32xbf16, #tpu.memory_space<vmem>> -> memref<128x32xbf16, #tpu.memory_space<vmem>>
        %dma_start3A_571 = tpu.memref_slice %arg5[%add3A_567] : memref<10240xi32, #tpu.memory_space<vmem>> -> memref<128xi32, #tpu.memory_space<vmem>>
        %dma_start3A_572 = arith.constant 0 : i32
        %dma_start3A_573 = arith.constant 0 : i32
        %dma_start3A_574 = tpu.memref_slice %arg10[%dma_start3A_572, %dma_start3A_573] : memref<10000x32xbf16, #tpu.memory_space<vmem_shared>> -> memref<10000x32xbf16, #tpu.memory_space<vmem_shared>>
        tpu.enqueue_indirect_dma source(%dma_start3A_574 : memref<10000x32xbf16, #tpu.memory_space<vmem_shared>>) target(%dma_start3A_570 : memref<128x32xbf16, #tpu.memory_space<vmem>>) offsets(%dma_start3A_571 : memref<128xi32, #tpu.memory_space<vmem>>) semaphore(%arg11 : memref<!tpu.dma_semaphore, #tpu.memory_space<semaphore_mem>>)
        %mul3A_575 = arith.constant 2560 : i32
        %mul3A_576 = arith.muli %add3A_431, %mul3A_575 : i32
        %add3A_577 = arith.constant 1664 : i32
        %add3A_578 = arith.addi %mul3A_576, %add3A_577 : i32
        %dma_start3A_579 = arith.constant 1664 : i32
        %dma_start3A_580 = arith.constant 0 : i32
        %dma_start3A_581 = tpu.memref_slice %arg6[%dma_start3A_579, %dma_start3A_580] : memref<2560x32xbf16, #tpu.memory_space<vmem>> -> memref<128x32xbf16, #tpu.memory_space<vmem>>
        %dma_start3A_582 = tpu.memref_slice %arg5[%add3A_578] : memref<10240xi32, #tpu.memory_space<vmem>> -> memref<128xi32, #tpu.memory_space<vmem>>
        %dma_start3A_583 = arith.constant 0 : i32
        %dma_start3A_584 = arith.constant 0 : i32
        %dma_start3A_585 = tpu.memref_slice %arg10[%dma_start3A_583, %dma_start3A_584] : memref<10000x32xbf16, #tpu.memory_space<vmem_shared>> -> memref<10000x32xbf16, #tpu.memory_space<vmem_shared>>
        tpu.enqueue_indirect_dma source(%dma_start3A_585 : memref<10000x32xbf16, #tpu.memory_space<vmem_shared>>) target(%dma_start3A_581 : memref<128x32xbf16, #tpu.memory_space<vmem>>) offsets(%dma_start3A_582 : memref<128xi32, #tpu.memory_space<vmem>>) semaphore(%arg11 : memref<!tpu.dma_semaphore, #tpu.memory_space<semaphore_mem>>)
        %mul3A_586 = arith.constant 2560 : i32
        %mul3A_587 = arith.muli %add3A_431, %mul3A_586 : i32
        %add3A_588 = arith.constant 1792 : i32
        %add3A_589 = arith.addi %mul3A_587, %add3A_588 : i32
        %dma_start3A_590 = arith.constant 1792 : i32
        %dma_start3A_591 = arith.constant 0 : i32
        %dma_start3A_592 = tpu.memref_slice %arg6[%dma_start3A_590, %dma_start3A_591] : memref<2560x32xbf16, #tpu.memory_space<vmem>> -> memref<128x32xbf16, #tpu.memory_space<vmem>>
        %dma_start3A_593 = tpu.memref_slice %arg5[%add3A_589] : memref<10240xi32, #tpu.memory_space<vmem>> -> memref<128xi32, #tpu.memory_space<vmem>>
        %dma_start3A_594 = arith.constant 0 : i32
        %dma_start3A_595 = arith.constant 0 : i32
        %dma_start3A_596 = tpu.memref_slice %arg10[%dma_start3A_594, %dma_start3A_595] : memref<10000x32xbf16, #tpu.memory_space<vmem_shared>> -> memref<10000x32xbf16, #tpu.memory_space<vmem_shared>>
        tpu.enqueue_indirect_dma source(%dma_start3A_596 : memref<10000x32xbf16, #tpu.memory_space<vmem_shared>>) target(%dma_start3A_592 : memref<128x32xbf16, #tpu.memory_space<vmem>>) offsets(%dma_start3A_593 : memref<128xi32, #tpu.memory_space<vmem>>) semaphore(%arg11 : memref<!tpu.dma_semaphore, #tpu.memory_space<semaphore_mem>>)
        %mul3A_597 = arith.constant 2560 : i32
        %mul3A_598 = arith.muli %add3A_431, %mul3A_597 : i32
        %add3A_599 = arith.constant 1920 : i32
        %add3A_600 = arith.addi %mul3A_598, %add3A_599 : i32
        %dma_start3A_601 = arith.constant 1920 : i32
        %dma_start3A_602 = arith.constant 0 : i32
        %dma_start3A_603 = tpu.memref_slice %arg6[%dma_start3A_601, %dma_start3A_602] : memref<2560x32xbf16, #tpu.memory_space<vmem>> -> memref<128x32xbf16, #tpu.memory_space<vmem>>
        %dma_start3A_604 = tpu.memref_slice %arg5[%add3A_600] : memref<10240xi32, #tpu.memory_space<vmem>> -> memref<128xi32, #tpu.memory_space<vmem>>
        %dma_start3A_605 = arith.constant 0 : i32
        %dma_start3A_606 = arith.constant 0 : i32
        %dma_start3A_607 = tpu.memref_slice %arg10[%dma_start3A_605, %dma_start3A_606] : memref<10000x32xbf16, #tpu.memory_space<vmem_shared>> -> memref<10000x32xbf16, #tpu.memory_space<vmem_shared>>
        tpu.enqueue_indirect_dma source(%dma_start3A_607 : memref<10000x32xbf16, #tpu.memory_space<vmem_shared>>) target(%dma_start3A_603 : memref<128x32xbf16, #tpu.memory_space<vmem>>) offsets(%dma_start3A_604 : memref<128xi32, #tpu.memory_space<vmem>>) semaphore(%arg11 : memref<!tpu.dma_semaphore, #tpu.memory_space<semaphore_mem>>)
        %mul3A_608 = arith.constant 2560 : i32
        %mul3A_609 = arith.muli %add3A_431, %mul3A_608 : i32
        %add3A_610 = arith.constant 2048 : i32
        %add3A_611 = arith.addi %mul3A_609, %add3A_610 : i32
        %dma_start3A_612 = arith.constant 2048 : i32
        %dma_start3A_613 = arith.constant 0 : i32
        %dma_start3A_614 = tpu.memref_slice %arg6[%dma_start3A_612, %dma_start3A_613] : memref<2560x32xbf16, #tpu.memory_space<vmem>> -> memref<128x32xbf16, #tpu.memory_space<vmem>>
        %dma_start3A_615 = tpu.memref_slice %arg5[%add3A_611] : memref<10240xi32, #tpu.memory_space<vmem>> -> memref<128xi32, #tpu.memory_space<vmem>>
        %dma_start3A_616 = arith.constant 0 : i32
        %dma_start3A_617 = arith.constant 0 : i32
        %dma_start3A_618 = tpu.memref_slice %arg10[%dma_start3A_616, %dma_start3A_617] : memref<10000x32xbf16, #tpu.memory_space<vmem_shared>> -> memref<10000x32xbf16, #tpu.memory_space<vmem_shared>>
        tpu.enqueue_indirect_dma source(%dma_start3A_618 : memref<10000x32xbf16, #tpu.memory_space<vmem_shared>>) target(%dma_start3A_614 : memref<128x32xbf16, #tpu.memory_space<vmem>>) offsets(%dma_start3A_615 : memref<128xi32, #tpu.memory_space<vmem>>) semaphore(%arg11 : memref<!tpu.dma_semaphore, #tpu.memory_space<semaphore_mem>>)
        %mul3A_619 = arith.constant 2560 : i32
        %mul3A_620 = arith.muli %add3A_431, %mul3A_619 : i32
        %add3A_621 = arith.constant 2176 : i32
        %add3A_622 = arith.addi %mul3A_620, %add3A_621 : i32
        %dma_start3A_623 = arith.constant 2176 : i32
        %dma_start3A_624 = arith.constant 0 : i32
        %dma_start3A_625 = tpu.memref_slice %arg6[%dma_start3A_623, %dma_start3A_624] : memref<2560x32xbf16, #tpu.memory_space<vmem>> -> memref<128x32xbf16, #tpu.memory_space<vmem>>
        %dma_start3A_626 = tpu.memref_slice %arg5[%add3A_622] : memref<10240xi32, #tpu.memory_space<vmem>> -> memref<128xi32, #tpu.memory_space<vmem>>
        %dma_start3A_627 = arith.constant 0 : i32
        %dma_start3A_628 = arith.constant 0 : i32
        %dma_start3A_629 = tpu.memref_slice %arg10[%dma_start3A_627, %dma_start3A_628] : memref<10000x32xbf16, #tpu.memory_space<vmem_shared>> -> memref<10000x32xbf16, #tpu.memory_space<vmem_shared>>
        tpu.enqueue_indirect_dma source(%dma_start3A_629 : memref<10000x32xbf16, #tpu.memory_space<vmem_shared>>) target(%dma_start3A_625 : memref<128x32xbf16, #tpu.memory_space<vmem>>) offsets(%dma_start3A_626 : memref<128xi32, #tpu.memory_space<vmem>>) semaphore(%arg11 : memref<!tpu.dma_semaphore, #tpu.memory_space<semaphore_mem>>)
        %mul3A_630 = arith.constant 2560 : i32
        %mul3A_631 = arith.muli %add3A_431, %mul3A_630 : i32
        %add3A_632 = arith.constant 2304 : i32
        %add3A_633 = arith.addi %mul3A_631, %add3A_632 : i32
        %dma_start3A_634 = arith.constant 2304 : i32
        %dma_start3A_635 = arith.constant 0 : i32
        %dma_start3A_636 = tpu.memref_slice %arg6[%dma_start3A_634, %dma_start3A_635] : memref<2560x32xbf16, #tpu.memory_space<vmem>> -> memref<128x32xbf16, #tpu.memory_space<vmem>>
        %dma_start3A_637 = tpu.memref_slice %arg5[%add3A_633] : memref<10240xi32, #tpu.memory_space<vmem>> -> memref<128xi32, #tpu.memory_space<vmem>>
        %dma_start3A_638 = arith.constant 0 : i32
        %dma_start3A_639 = arith.constant 0 : i32
        %dma_start3A_640 = tpu.memref_slice %arg10[%dma_start3A_638, %dma_start3A_639] : memref<10000x32xbf16, #tpu.memory_space<vmem_shared>> -> memref<10000x32xbf16, #tpu.memory_space<vmem_shared>>
        tpu.enqueue_indirect_dma source(%dma_start3A_640 : memref<10000x32xbf16, #tpu.memory_space<vmem_shared>>) target(%dma_start3A_636 : memref<128x32xbf16, #tpu.memory_space<vmem>>) offsets(%dma_start3A_637 : memref<128xi32, #tpu.memory_space<vmem>>) semaphore(%arg11 : memref<!tpu.dma_semaphore, #tpu.memory_space<semaphore_mem>>)
        %mul3A_641 = arith.constant 2560 : i32
        %mul3A_642 = arith.muli %add3A_431, %mul3A_641 : i32
        %add3A_643 = arith.constant 2432 : i32
        %add3A_644 = arith.addi %mul3A_642, %add3A_643 : i32
        %dma_start3A_645 = arith.constant 2432 : i32
        %dma_start3A_646 = arith.constant 0 : i32
        %dma_start3A_647 = tpu.memref_slice %arg6[%dma_start3A_645, %dma_start3A_646] : memref<2560x32xbf16, #tpu.memory_space<vmem>> -> memref<128x32xbf16, #tpu.memory_space<vmem>>
        %dma_start3A_648 = tpu.memref_slice %arg5[%add3A_644] : memref<10240xi32, #tpu.memory_space<vmem>> -> memref<128xi32, #tpu.memory_space<vmem>>
        %dma_start3A_649 = arith.constant 0 : i32
        %dma_start3A_650 = arith.constant 0 : i32
        %dma_start3A_651 = tpu.memref_slice %arg10[%dma_start3A_649, %dma_start3A_650] : memref<10000x32xbf16, #tpu.memory_space<vmem_shared>> -> memref<10000x32xbf16, #tpu.memory_space<vmem_shared>>
        tpu.enqueue_indirect_dma source(%dma_start3A_651 : memref<10000x32xbf16, #tpu.memory_space<vmem_shared>>) target(%dma_start3A_647 : memref<128x32xbf16, #tpu.memory_space<vmem>>) offsets(%dma_start3A_648 : memref<128xi32, #tpu.memory_space<vmem>>) semaphore(%arg11 : memref<!tpu.dma_semaphore, #tpu.memory_space<semaphore_mem>>)
      } else {
      }
      %dma_wait3A_417 = arith.constant 0 : i32
      %dma_wait3A_418 = arith.constant 0 : i32
      %dma_wait3A_419 = tpu.memref_slice %arg2[%dma_wait3A_417, %dma_wait3A_418] : memref<10000x32xbf16, #tpu.memory_space<hbm>> -> memref<2560x32xbf16, #tpu.memory_space<hbm>>
      %dma_wait3A_420 = arith.constant 0 : i32
      %dma_wait3A_421 = arith.constant 0 : i32
      %dma_wait3A_422 = tpu.memref_slice %arg2[%dma_wait3A_420, %dma_wait3A_421] : memref<10000x32xbf16, #tpu.memory_space<hbm>> -> memref<2560x32xbf16, #tpu.memory_space<hbm>>
      tpu.wait_dma2 semaphore(%arg12 : memref<!tpu.dma_semaphore, #tpu.memory_space<semaphore_mem>>) src(%dma_wait3A_422 : memref<2560x32xbf16, #tpu.memory_space<hbm>>) dst(%arg7 : memref<2560x32xbf16, #tpu.memory_space<vmem>>)
      %add3A_423 = arith.constant 1 : i32
      %add3A_424 = arith.addi %mul3A_180, %add3A_423 : i32
      %scan3A_425 = arith.constant 0 : i32
      %scan3A_426 = arith.constant 128 : i32
      %scan3A_427 = arith.addi %scan3A_425, %scan3A_426 : i32
      %scan3A_428 = arith.constant 2 : i32
      scf.for %scan3A_430 = %scan3A_425 to %scan3A_427 step %scan3A_428  : i32 {
        %mul3A_431 = arith.constant 1 : i32
        %mul3A_432 = arith.muli %scan3A_430, %mul3A_431 : i32
        %add3A_433 = arith.constant 0 : i32
        %add3A_434 = arith.addi %add3A_433, %mul3A_432 : i32
        %mul3A_435 = arith.constant 20 : i32
        %mul3A_436 = arith.muli %add3A_434, %mul3A_435 : i32
        %mul3A_437 = arith.constant 2560 : i32
        %mul3A_438 = arith.muli %add3A_424, %mul3A_437 : i32
        %add3A_439 = arith.addi %mul3A_438, %mul3A_436 : i32
        %get3A_440 = arith.index_cast %add3A_439 : i32 to index
        %get3A_441 = tpu.vector_load %arg5[%get3A_440] {strides = array<i32>} : memref<10240xi32, #tpu.memory_space<vmem>>, vector<16xi32>,
        %mul3A_442 = arith.constant 2560 : i32
        %mul3A_443 = arith.muli %add3A_424, %mul3A_442 : i32
        %add3A_444 = arith.addi %mul3A_443, %mul3A_436 : i32
        %add3A_445 = arith.constant 4 : i32
        %add3A_446 = arith.addi %add3A_444, %add3A_445 : i32
        %get3A_447 = arith.index_cast %add3A_446 : i32 to index
        %get3A_448 = tpu.vector_load %arg5[%get3A_447] {strides = array<i32>} : memref<10240xi32, #tpu.memory_space<vmem>>, vector<16xi32>,
        %eq3A_449 = arith.constant 0 : i32
        %eq3A_450 = vector.broadcast %eq3A_449 : i32 to vector<16xi32>
        %eq3A_451 = arith.cmpi eq, %get3A_441, %eq3A_450 : vector<16xi32>
        %eq3A_452 = arith.constant 0 : i32
        %eq3A_453 = vector.broadcast %eq3A_452 : i32 to vector<16xi32>
        %eq3A_454 = arith.cmpi eq, %get3A_448, %eq3A_453 : vector<16xi32>
        %ge3A = arith.constant 12 : i32
        %ge3A_455 = vector.broadcast %ge3A : i32 to vector<16xi32>
        %ge3A_456 = arith.cmpi sge, %iota3A, %ge3A_455 : vector<16xi32>
        %and3A = arith.andi %eq3A_454, %ge3A_456 : vector<16xi1>
        %all_reduce_population_count3A = tpu.all_reduce %eq3A_451 {dim = 0 : i64, kind = #tpu.reduction_kind<sum>} : vector<16xi1> -> vector<16xi32>
        %all_reduce_population_count3A_457 = tpu.all_reduce %and3A {dim = 0 : i64, kind = #tpu.reduction_kind<sum>} : vector<16xi1> -> vector<16xi32>
        %add3A_458 = arith.addi %all_reduce_population_count3A, %all_reduce_population_count3A_457 : vector<16xi32>
        %convert_element_type3A_459 = arith.sitofp %add3A_458 : vector<16xi32> to vector<16xf32>
        %sub3A = arith.constant 2.000000e+01 : f32
        %sub3A_460 = vector.broadcast %sub3A : f32 to vector<16xf32>
        %sub3A_461 = arith.subf %sub3A_460, %convert_element_type3A_459 : vector<16xf32>
        %max3A = arith.constant 1.000000e+00 : f32
        %max3A_462 = vector.broadcast %max3A : f32 to vector<16xf32>
        %max3A_463 = arith.maximumf %sub3A_461, %max3A_462 : vector<16xf32>
        %div3A = arith.constant 1.000000e+00 : f32
        %div3A_464 = vector.broadcast %div3A : f32 to vector<16xf32>
        %div3A_465 = arith.divf %div3A_464, %max3A_463 : vector<16xf32>
        %get3A_466 = arith.index_cast %mul3A_436 : i32 to index
        %get3A_467 = arith.constant 0 : index
        %get3A_468 = tpu.vector_load %arg7[%get3A_466, %get3A_467] {strides = array<i32>} : memref<2560x32xbf16, #tpu.memory_space<vmem>>, vector<32xbf16>,
        %unpack3A_469 = tpu.unpack_subelements %get3A_468, 0 {pack_format = #tpu.pack_format<interleaved>} : vector<32xbf16> -> vector<16xf32>
        %unpack3A_470 = tpu.unpack_subelements %get3A_468, 1 {pack_format = #tpu.pack_format<interleaved>} : vector<32xbf16> -> vector<16xf32>
        %add3A_471 = arith.constant 1 : i32
        %add3A_472 = arith.addi %mul3A_436, %add3A_471 : i32
        %get3A_473 = arith.index_cast %add3A_472 : i32 to index
        %get3A_474 = arith.constant 0 : index
        %get3A_475 = tpu.vector_load %arg7[%get3A_473, %get3A_474] {strides = array<i32>} : memref<2560x32xbf16, #tpu.memory_space<vmem>>, vector<32xbf16>,
        %unpack3A_476 = tpu.unpack_subelements %get3A_475, 0 {pack_format = #tpu.pack_format<interleaved>} : vector<32xbf16> -> vector<16xf32>
        %unpack3A_477 = tpu.unpack_subelements %get3A_475, 1 {pack_format = #tpu.pack_format<interleaved>} : vector<32xbf16> -> vector<16xf32>
        %add3A_478 = arith.addf %unpack3A_469, %unpack3A_476 : vector<16xf32>
        %add3A_479 = arith.addf %unpack3A_470, %unpack3A_477 : vector<16xf32>
        %add3A_480 = arith.constant 2 : i32
        %add3A_481 = arith.addi %mul3A_436, %add3A_480 : i32
        %get3A_482 = arith.index_cast %add3A_481 : i32 to index
        %get3A_483 = arith.constant 0 : index
        %get3A_484 = tpu.vector_load %arg7[%get3A_482, %get3A_483] {strides = array<i32>} : memref<2560x32xbf16, #tpu.memory_space<vmem>>, vector<32xbf16>,
        %unpack3A_485 = tpu.unpack_subelements %get3A_484, 0 {pack_format = #tpu.pack_format<interleaved>} : vector<32xbf16> -> vector<16xf32>
        %unpack3A_486 = tpu.unpack_subelements %get3A_484, 1 {pack_format = #tpu.pack_format<interleaved>} : vector<32xbf16> -> vector<16xf32>
        %add3A_487 = arith.addf %add3A_478, %unpack3A_485 : vector<16xf32>
        %add3A_488 = arith.addf %add3A_479, %unpack3A_486 : vector<16xf32>
        %add3A_489 = arith.constant 3 : i32
        %add3A_490 = arith.addi %mul3A_436, %add3A_489 : i32
        %get3A_491 = arith.index_cast %add3A_490 : i32 to index
        %get3A_492 = arith.constant 0 : index
        %get3A_493 = tpu.vector_load %arg7[%get3A_491, %get3A_492] {strides = array<i32>} : memref<2560x32xbf16, #tpu.memory_space<vmem>>, vector<32xbf16>,
        %unpack3A_494 = tpu.unpack_subelements %get3A_493, 0 {pack_format = #tpu.pack_format<interleaved>} : vector<32xbf16> -> vector<16xf32>
        %unpack3A_495 = tpu.unpack_subelements %get3A_493, 1 {pack_format = #tpu.pack_format<interleaved>} : vector<32xbf16> -> vector<16xf32>
        %add3A_496 = arith.addf %add3A_487, %unpack3A_494 : vector<16xf32>
        %add3A_497 = arith.addf %add3A_488, %unpack3A_495 : vector<16xf32>
        %add3A_498 = arith.constant 4 : i32
        %add3A_499 = arith.addi %mul3A_436, %add3A_498 : i32
        %get3A_500 = arith.index_cast %add3A_499 : i32 to index
        %get3A_501 = arith.constant 0 : index
        %get3A_502 = tpu.vector_load %arg7[%get3A_500, %get3A_501] {strides = array<i32>} : memref<2560x32xbf16, #tpu.memory_space<vmem>>, vector<32xbf16>,
        %unpack3A_503 = tpu.unpack_subelements %get3A_502, 0 {pack_format = #tpu.pack_format<interleaved>} : vector<32xbf16> -> vector<16xf32>
        %unpack3A_504 = tpu.unpack_subelements %get3A_502, 1 {pack_format = #tpu.pack_format<interleaved>} : vector<32xbf16> -> vector<16xf32>
        %add3A_505 = arith.addf %add3A_496, %unpack3A_503 : vector<16xf32>
        %add3A_506 = arith.addf %add3A_497, %unpack3A_504 : vector<16xf32>
        %add3A_507 = arith.constant 5 : i32
        %add3A_508 = arith.addi %mul3A_436, %add3A_507 : i32
        %get3A_509 = arith.index_cast %add3A_508 : i32 to index
        %get3A_510 = arith.constant 0 : index
        %get3A_511 = tpu.vector_load %arg7[%get3A_509, %get3A_510] {strides = array<i32>} : memref<2560x32xbf16, #tpu.memory_space<vmem>>, vector<32xbf16>,
        %unpack3A_512 = tpu.unpack_subelements %get3A_511, 0 {pack_format = #tpu.pack_format<interleaved>} : vector<32xbf16> -> vector<16xf32>
        %unpack3A_513 = tpu.unpack_subelements %get3A_511, 1 {pack_format = #tpu.pack_format<interleaved>} : vector<32xbf16> -> vector<16xf32>
        %add3A_514 = arith.addf %add3A_505, %unpack3A_512 : vector<16xf32>
        %add3A_515 = arith.addf %add3A_506, %unpack3A_513 : vector<16xf32>
        %add3A_516 = arith.constant 6 : i32
        %add3A_517 = arith.addi %mul3A_436, %add3A_516 : i32
        %get3A_518 = arith.index_cast %add3A_517 : i32 to index
        %get3A_519 = arith.constant 0 : index
        %get3A_520 = tpu.vector_load %arg7[%get3A_518, %get3A_519] {strides = array<i32>} : memref<2560x32xbf16, #tpu.memory_space<vmem>>, vector<32xbf16>,
        %unpack3A_521 = tpu.unpack_subelements %get3A_520, 0 {pack_format = #tpu.pack_format<interleaved>} : vector<32xbf16> -> vector<16xf32>
        %unpack3A_522 = tpu.unpack_subelements %get3A_520, 1 {pack_format = #tpu.pack_format<interleaved>} : vector<32xbf16> -> vector<16xf32>
        %add3A_523 = arith.addf %add3A_514, %unpack3A_521 : vector<16xf32>
        %add3A_524 = arith.addf %add3A_515, %unpack3A_522 : vector<16xf32>
        %add3A_525 = arith.constant 7 : i32
        %add3A_526 = arith.addi %mul3A_436, %add3A_525 : i32
        %get3A_527 = arith.index_cast %add3A_526 : i32 to index
        %get3A_528 = arith.constant 0 : index
        %get3A_529 = tpu.vector_load %arg7[%get3A_527, %get3A_528] {strides = array<i32>} : memref<2560x32xbf16, #tpu.memory_space<vmem>>, vector<32xbf16>,
        %unpack3A_530 = tpu.unpack_subelements %get3A_529, 0 {pack_format = #tpu.pack_format<interleaved>} : vector<32xbf16> -> vector<16xf32>
        %unpack3A_531 = tpu.unpack_subelements %get3A_529, 1 {pack_format = #tpu.pack_format<interleaved>} : vector<32xbf16> -> vector<16xf32>
        %add3A_532 = arith.addf %add3A_523, %unpack3A_530 : vector<16xf32>
        %add3A_533 = arith.addf %add3A_524, %unpack3A_531 : vector<16xf32>
        %add3A_534 = arith.constant 8 : i32
        %add3A_535 = arith.addi %mul3A_436, %add3A_534 : i32
        %get3A_536 = arith.index_cast %add3A_535 : i32 to index
        %get3A_537 = arith.constant 0 : index
        %get3A_538 = tpu.vector_load %arg7[%get3A_536, %get3A_537] {strides = array<i32>} : memref<2560x32xbf16, #tpu.memory_space<vmem>>, vector<32xbf16>,
        %unpack3A_539 = tpu.unpack_subelements %get3A_538, 0 {pack_format = #tpu.pack_format<interleaved>} : vector<32xbf16> -> vector<16xf32>
        %unpack3A_540 = tpu.unpack_subelements %get3A_538, 1 {pack_format = #tpu.pack_format<interleaved>} : vector<32xbf16> -> vector<16xf32>
        %add3A_541 = arith.addf %add3A_532, %unpack3A_539 : vector<16xf32>
        %add3A_542 = arith.addf %add3A_533, %unpack3A_540 : vector<16xf32>
        %add3A_543 = arith.constant 9 : i32
        %add3A_544 = arith.addi %mul3A_436, %add3A_543 : i32
        %get3A_545 = arith.index_cast %add3A_544 : i32 to index
        %get3A_546 = arith.constant 0 : index
        %get3A_547 = tpu.vector_load %arg7[%get3A_545, %get3A_546] {strides = array<i32>} : memref<2560x32xbf16, #tpu.memory_space<vmem>>, vector<32xbf16>,
        %unpack3A_548 = tpu.unpack_subelements %get3A_547, 0 {pack_format = #tpu.pack_format<interleaved>} : vector<32xbf16> -> vector<16xf32>
        %unpack3A_549 = tpu.unpack_subelements %get3A_547, 1 {pack_format = #tpu.pack_format<interleaved>} : vector<32xbf16> -> vector<16xf32>
        %add3A_550 = arith.addf %add3A_541, %unpack3A_548 : vector<16xf32>
        %add3A_551 = arith.addf %add3A_542, %unpack3A_549 : vector<16xf32>
        %add3A_552 = arith.constant 10 : i32
        %add3A_553 = arith.addi %mul3A_436, %add3A_552 : i32
        %get3A_554 = arith.index_cast %add3A_553 : i32 to index
        %get3A_555 = arith.constant 0 : index
        %get3A_556 = tpu.vector_load %arg7[%get3A_554, %get3A_555] {strides = array<i32>} : memref<2560x32xbf16, #tpu.memory_space<vmem>>, vector<32xbf16>,
        %unpack3A_557 = tpu.unpack_subelements %get3A_556, 0 {pack_format = #tpu.pack_format<interleaved>} : vector<32xbf16> -> vector<16xf32>
        %unpack3A_558 = tpu.unpack_subelements %get3A_556, 1 {pack_format = #tpu.pack_format<interleaved>} : vector<32xbf16> -> vector<16xf32>
        %add3A_559 = arith.addf %add3A_550, %unpack3A_557 : vector<16xf32>
        %add3A_560 = arith.addf %add3A_551, %unpack3A_558 : vector<16xf32>
        %add3A_561 = arith.constant 11 : i32
        %add3A_562 = arith.addi %mul3A_436, %add3A_561 : i32
        %get3A_563 = arith.index_cast %add3A_562 : i32 to index
        %get3A_564 = arith.constant 0 : index
        %get3A_565 = tpu.vector_load %arg7[%get3A_563, %get3A_564] {strides = array<i32>} : memref<2560x32xbf16, #tpu.memory_space<vmem>>, vector<32xbf16>,
        %unpack3A_566 = tpu.unpack_subelements %get3A_565, 0 {pack_format = #tpu.pack_format<interleaved>} : vector<32xbf16> -> vector<16xf32>
        %unpack3A_567 = tpu.unpack_subelements %get3A_565, 1 {pack_format = #tpu.pack_format<interleaved>} : vector<32xbf16> -> vector<16xf32>
        %add3A_568 = arith.addf %add3A_559, %unpack3A_566 : vector<16xf32>
        %add3A_569 = arith.addf %add3A_560, %unpack3A_567 : vector<16xf32>
        %add3A_570 = arith.constant 12 : i32
        %add3A_571 = arith.addi %mul3A_436, %add3A_570 : i32
        %get3A_572 = arith.index_cast %add3A_571 : i32 to index
        %get3A_573 = arith.constant 0 : index
        %get3A_574 = tpu.vector_load %arg7[%get3A_572, %get3A_573] {strides = array<i32>} : memref<2560x32xbf16, #tpu.memory_space<vmem>>, vector<32xbf16>,
        %unpack3A_575 = tpu.unpack_subelements %get3A_574, 0 {pack_format = #tpu.pack_format<interleaved>} : vector<32xbf16> -> vector<16xf32>
        %unpack3A_576 = tpu.unpack_subelements %get3A_574, 1 {pack_format = #tpu.pack_format<interleaved>} : vector<32xbf16> -> vector<16xf32>
        %add3A_577 = arith.addf %add3A_568, %unpack3A_575 : vector<16xf32>
        %add3A_578 = arith.addf %add3A_569, %unpack3A_576 : vector<16xf32>
        %add3A_579 = arith.constant 13 : i32
        %add3A_580 = arith.addi %mul3A_436, %add3A_579 : i32
        %get3A_581 = arith.index_cast %add3A_580 : i32 to index
        %get3A_582 = arith.constant 0 : index
        %get3A_583 = tpu.vector_load %arg7[%get3A_581, %get3A_582] {strides = array<i32>} : memref<2560x32xbf16, #tpu.memory_space<vmem>>, vector<32xbf16>,
        %unpack3A_584 = tpu.unpack_subelements %get3A_583, 0 {pack_format = #tpu.pack_format<interleaved>} : vector<32xbf16> -> vector<16xf32>
        %unpack3A_585 = tpu.unpack_subelements %get3A_583, 1 {pack_format = #tpu.pack_format<interleaved>} : vector<32xbf16> -> vector<16xf32>
        %add3A_586 = arith.addf %add3A_577, %unpack3A_584 : vector<16xf32>
        %add3A_587 = arith.addf %add3A_578, %unpack3A_585 : vector<16xf32>
        %add3A_588 = arith.constant 14 : i32
        %add3A_589 = arith.addi %mul3A_436, %add3A_588 : i32
        %get3A_590 = arith.index_cast %add3A_589 : i32 to index
        %get3A_591 = arith.constant 0 : index
        %get3A_592 = tpu.vector_load %arg7[%get3A_590, %get3A_591] {strides = array<i32>} : memref<2560x32xbf16, #tpu.memory_space<vmem>>, vector<32xbf16>,
        %unpack3A_593 = tpu.unpack_subelements %get3A_592, 0 {pack_format = #tpu.pack_format<interleaved>} : vector<32xbf16> -> vector<16xf32>
        %unpack3A_594 = tpu.unpack_subelements %get3A_592, 1 {pack_format = #tpu.pack_format<interleaved>} : vector<32xbf16> -> vector<16xf32>
        %add3A_595 = arith.addf %add3A_586, %unpack3A_593 : vector<16xf32>
        %add3A_596 = arith.addf %add3A_587, %unpack3A_594 : vector<16xf32>
        %add3A_597 = arith.constant 15 : i32
        %add3A_598 = arith.addi %mul3A_436, %add3A_597 : i32
        %get3A_599 = arith.index_cast %add3A_598 : i32 to index
        %get3A_600 = arith.constant 0 : index
        %get3A_601 = tpu.vector_load %arg7[%get3A_599, %get3A_600] {strides = array<i32>} : memref<2560x32xbf16, #tpu.memory_space<vmem>>, vector<32xbf16>,
        %unpack3A_602 = tpu.unpack_subelements %get3A_601, 0 {pack_format = #tpu.pack_format<interleaved>} : vector<32xbf16> -> vector<16xf32>
        %unpack3A_603 = tpu.unpack_subelements %get3A_601, 1 {pack_format = #tpu.pack_format<interleaved>} : vector<32xbf16> -> vector<16xf32>
        %add3A_604 = arith.addf %add3A_595, %unpack3A_602 : vector<16xf32>
        %add3A_605 = arith.addf %add3A_596, %unpack3A_603 : vector<16xf32>
        %add3A_606 = arith.constant 16 : i32
        %add3A_607 = arith.addi %mul3A_436, %add3A_606 : i32
        %get3A_608 = arith.index_cast %add3A_607 : i32 to index
        %get3A_609 = arith.constant 0 : index
        %get3A_610 = tpu.vector_load %arg7[%get3A_608, %get3A_609] {strides = array<i32>} : memref<2560x32xbf16, #tpu.memory_space<vmem>>, vector<32xbf16>,
        %unpack3A_611 = tpu.unpack_subelements %get3A_610, 0 {pack_format = #tpu.pack_format<interleaved>} : vector<32xbf16> -> vector<16xf32>
        %unpack3A_612 = tpu.unpack_subelements %get3A_610, 1 {pack_format = #tpu.pack_format<interleaved>} : vector<32xbf16> -> vector<16xf32>
        %add3A_613 = arith.addf %add3A_604, %unpack3A_611 : vector<16xf32>
        %add3A_614 = arith.addf %add3A_605, %unpack3A_612 : vector<16xf32>
        %add3A_615 = arith.constant 17 : i32
        %add3A_616 = arith.addi %mul3A_436, %add3A_615 : i32
        %get3A_617 = arith.index_cast %add3A_616 : i32 to index
        %get3A_618 = arith.constant 0 : index
        %get3A_619 = tpu.vector_load %arg7[%get3A_617, %get3A_618] {strides = array<i32>} : memref<2560x32xbf16, #tpu.memory_space<vmem>>, vector<32xbf16>,
        %unpack3A_620 = tpu.unpack_subelements %get3A_619, 0 {pack_format = #tpu.pack_format<interleaved>} : vector<32xbf16> -> vector<16xf32>
        %unpack3A_621 = tpu.unpack_subelements %get3A_619, 1 {pack_format = #tpu.pack_format<interleaved>} : vector<32xbf16> -> vector<16xf32>
        %add3A_622 = arith.addf %add3A_613, %unpack3A_620 : vector<16xf32>
        %add3A_623 = arith.addf %add3A_614, %unpack3A_621 : vector<16xf32>
        %add3A_624 = arith.constant 18 : i32
        %add3A_625 = arith.addi %mul3A_436, %add3A_624 : i32
        %get3A_626 = arith.index_cast %add3A_625 : i32 to index
        %get3A_627 = arith.constant 0 : index
        %get3A_628 = tpu.vector_load %arg7[%get3A_626, %get3A_627] {strides = array<i32>} : memref<2560x32xbf16, #tpu.memory_space<vmem>>, vector<32xbf16>,
        %unpack3A_629 = tpu.unpack_subelements %get3A_628, 0 {pack_format = #tpu.pack_format<interleaved>} : vector<32xbf16> -> vector<16xf32>
        %unpack3A_630 = tpu.unpack_subelements %get3A_628, 1 {pack_format = #tpu.pack_format<interleaved>} : vector<32xbf16> -> vector<16xf32>
        %add3A_631 = arith.addf %add3A_622, %unpack3A_629 : vector<16xf32>
        %add3A_632 = arith.addf %add3A_623, %unpack3A_630 : vector<16xf32>
        %add3A_633 = arith.constant 19 : i32
        %add3A_634 = arith.addi %mul3A_436, %add3A_633 : i32
        %get3A_635 = arith.index_cast %add3A_634 : i32 to index
        %get3A_636 = arith.constant 0 : index
        %get3A_637 = tpu.vector_load %arg7[%get3A_635, %get3A_636] {strides = array<i32>} : memref<2560x32xbf16, #tpu.memory_space<vmem>>, vector<32xbf16>,
        %unpack3A_638 = tpu.unpack_subelements %get3A_637, 0 {pack_format = #tpu.pack_format<interleaved>} : vector<32xbf16> -> vector<16xf32>
        %unpack3A_639 = tpu.unpack_subelements %get3A_637, 1 {pack_format = #tpu.pack_format<interleaved>} : vector<32xbf16> -> vector<16xf32>
        %add3A_640 = arith.addf %add3A_631, %unpack3A_638 : vector<16xf32>
        %add3A_641 = arith.addf %add3A_632, %unpack3A_639 : vector<16xf32>
        %mul3A_642 = arith.mulf %convert_element_type3A_459, %unpack3A : vector<16xf32>
        %sub3A_643 = arith.subf %add3A_640, %mul3A_642 : vector<16xf32>
        %mul3A_644 = arith.mulf %sub3A_643, %div3A_465 : vector<16xf32>
        %mul3A_645 = arith.constant 128 : i32
        %mul3A_646 = arith.muli %add3A_424, %mul3A_645 : i32
        %add3A_647 = arith.addi %mul3A_646, %add3A_434 : i32
        %swap3A = arith.index_cast %add3A_647 : i32 to index
        %swap3A_648 = arith.constant 0 : index
        %swap3A_649 = tpu.vector_load %arg8[%swap3A, %swap3A_648] {strides = array<i32>} : memref<512x32xf32, #tpu.memory_space<vmem>>, vector<16xf32>,
        tpu.vector_store %arg8[%swap3A, %swap3A_648], %mul3A_644 {strides = array<i32>} : memref<512x32xf32, #tpu.memory_space<vmem>>, vector<16xf32>,
        %mul3A_650 = arith.mulf %convert_element_type3A_459, %unpack3A_10 : vector<16xf32>
        %sub3A_651 = arith.subf %add3A_641, %mul3A_650 : vector<16xf32>
        %mul3A_652 = arith.mulf %sub3A_651, %div3A_465 : vector<16xf32>
        %mul3A_653 = arith.constant 128 : i32
        %mul3A_654 = arith.muli %add3A_424, %mul3A_653 : i32
        %add3A_655 = arith.addi %mul3A_654, %add3A_434 : i32
        %swap3A_656 = arith.index_cast %add3A_655 : i32 to index
        %swap3A_657 = arith.constant 16 : index
        %swap3A_658 = tpu.vector_load %arg8[%swap3A_656, %swap3A_657] {strides = array<i32>} : memref<512x32xf32, #tpu.memory_space<vmem>>, vector<16xf32>,
        tpu.vector_store %arg8[%swap3A_656, %swap3A_657], %mul3A_652 {strides = array<i32>} : memref<512x32xf32, #tpu.memory_space<vmem>>, vector<16xf32>,
        %scan3A_659 = arith.constant 1 : i32
        %scan3A_660 = arith.addi %scan3A_430, %scan3A_659 : i32
        %mul3A_661 = arith.constant 1 : i32
        %mul3A_662 = arith.muli %scan3A_660, %mul3A_661 : i32
        %add3A_663 = arith.constant 0 : i32
        %add3A_664 = arith.addi %add3A_663, %mul3A_662 : i32
        %mul3A_665 = arith.constant 20 : i32
        %mul3A_666 = arith.muli %add3A_664, %mul3A_665 : i32
        %mul3A_667 = arith.constant 2560 : i32
        %mul3A_668 = arith.muli %add3A_424, %mul3A_667 : i32
        %add3A_669 = arith.addi %mul3A_668, %mul3A_666 : i32
        %get3A_670 = arith.index_cast %add3A_669 : i32 to index
        %get3A_671 = tpu.vector_load %arg5[%get3A_670] {strides = array<i32>} : memref<10240xi32, #tpu.memory_space<vmem>>, vector<16xi32>,
        %mul3A_672 = arith.constant 2560 : i32
        %mul3A_673 = arith.muli %add3A_424, %mul3A_672 : i32
        %add3A_674 = arith.addi %mul3A_673, %mul3A_666 : i32
        %add3A_675 = arith.constant 4 : i32
        %add3A_676 = arith.addi %add3A_674, %add3A_675 : i32
        %get3A_677 = arith.index_cast %add3A_676 : i32 to index
        %get3A_678 = tpu.vector_load %arg5[%get3A_677] {strides = array<i32>} : memref<10240xi32, #tpu.memory_space<vmem>>, vector<16xi32>,
        %eq3A_679 = arith.constant 0 : i32
        %eq3A_680 = vector.broadcast %eq3A_679 : i32 to vector<16xi32>
        %eq3A_681 = arith.cmpi eq, %get3A_671, %eq3A_680 : vector<16xi32>
        %eq3A_682 = arith.constant 0 : i32
        %eq3A_683 = vector.broadcast %eq3A_682 : i32 to vector<16xi32>
        %eq3A_684 = arith.cmpi eq, %get3A_678, %eq3A_683 : vector<16xi32>
        %ge3A_685 = arith.constant 12 : i32
        %ge3A_686 = vector.broadcast %ge3A_685 : i32 to vector<16xi32>
        %ge3A_687 = arith.cmpi sge, %iota3A, %ge3A_686 : vector<16xi32>
        %and3A_688 = arith.andi %eq3A_684, %ge3A_687 : vector<16xi1>
        %all_reduce_population_count3A_689 = tpu.all_reduce %eq3A_681 {dim = 0 : i64, kind = #tpu.reduction_kind<sum>} : vector<16xi1> -> vector<16xi32>
        %all_reduce_population_count3A_690 = tpu.all_reduce %and3A_688 {dim = 0 : i64, kind = #tpu.reduction_kind<sum>} : vector<16xi1> -> vector<16xi32>
        %add3A_691 = arith.addi %all_reduce_population_count3A_689, %all_reduce_population_count3A_690 : vector<16xi32>
        %convert_element_type3A_692 = arith.sitofp %add3A_691 : vector<16xi32> to vector<16xf32>
        %sub3A_693 = arith.constant 2.000000e+01 : f32
        %sub3A_694 = vector.broadcast %sub3A_693 : f32 to vector<16xf32>
        %sub3A_695 = arith.subf %sub3A_694, %convert_element_type3A_692 : vector<16xf32>
        %max3A_696 = arith.constant 1.000000e+00 : f32
        %max3A_697 = vector.broadcast %max3A_696 : f32 to vector<16xf32>
        %max3A_698 = arith.maximumf %sub3A_695, %max3A_697 : vector<16xf32>
        %div3A_699 = arith.constant 1.000000e+00 : f32
        %div3A_700 = vector.broadcast %div3A_699 : f32 to vector<16xf32>
        %div3A_701 = arith.divf %div3A_700, %max3A_698 : vector<16xf32>
        %get3A_702 = arith.index_cast %mul3A_666 : i32 to index
        %get3A_703 = arith.constant 0 : index
        %get3A_704 = tpu.vector_load %arg7[%get3A_702, %get3A_703] {strides = array<i32>} : memref<2560x32xbf16, #tpu.memory_space<vmem>>, vector<32xbf16>,
        %unpack3A_705 = tpu.unpack_subelements %get3A_704, 0 {pack_format = #tpu.pack_format<interleaved>} : vector<32xbf16> -> vector<16xf32>
        %unpack3A_706 = tpu.unpack_subelements %get3A_704, 1 {pack_format = #tpu.pack_format<interleaved>} : vector<32xbf16> -> vector<16xf32>
        %add3A_707 = arith.constant 1 : i32
        %add3A_708 = arith.addi %mul3A_666, %add3A_707 : i32
        %get3A_709 = arith.index_cast %add3A_708 : i32 to index
        %get3A_710 = arith.constant 0 : index
        %get3A_711 = tpu.vector_load %arg7[%get3A_709, %get3A_710] {strides = array<i32>} : memref<2560x32xbf16, #tpu.memory_space<vmem>>, vector<32xbf16>,
        %unpack3A_712 = tpu.unpack_subelements %get3A_711, 0 {pack_format = #tpu.pack_format<interleaved>} : vector<32xbf16> -> vector<16xf32>
        %unpack3A_713 = tpu.unpack_subelements %get3A_711, 1 {pack_format = #tpu.pack_format<interleaved>} : vector<32xbf16> -> vector<16xf32>
        %add3A_714 = arith.addf %unpack3A_705, %unpack3A_712 : vector<16xf32>
        %add3A_715 = arith.addf %unpack3A_706, %unpack3A_713 : vector<16xf32>
        %add3A_716 = arith.constant 2 : i32
        %add3A_717 = arith.addi %mul3A_666, %add3A_716 : i32
        %get3A_718 = arith.index_cast %add3A_717 : i32 to index
        %get3A_719 = arith.constant 0 : index
        %get3A_720 = tpu.vector_load %arg7[%get3A_718, %get3A_719] {strides = array<i32>} : memref<2560x32xbf16, #tpu.memory_space<vmem>>, vector<32xbf16>,
        %unpack3A_721 = tpu.unpack_subelements %get3A_720, 0 {pack_format = #tpu.pack_format<interleaved>} : vector<32xbf16> -> vector<16xf32>
        %unpack3A_722 = tpu.unpack_subelements %get3A_720, 1 {pack_format = #tpu.pack_format<interleaved>} : vector<32xbf16> -> vector<16xf32>
        %add3A_723 = arith.addf %add3A_714, %unpack3A_721 : vector<16xf32>
        %add3A_724 = arith.addf %add3A_715, %unpack3A_722 : vector<16xf32>
        %add3A_725 = arith.constant 3 : i32
        %add3A_726 = arith.addi %mul3A_666, %add3A_725 : i32
        %get3A_727 = arith.index_cast %add3A_726 : i32 to index
        %get3A_728 = arith.constant 0 : index
        %get3A_729 = tpu.vector_load %arg7[%get3A_727, %get3A_728] {strides = array<i32>} : memref<2560x32xbf16, #tpu.memory_space<vmem>>, vector<32xbf16>,
        %unpack3A_730 = tpu.unpack_subelements %get3A_729, 0 {pack_format = #tpu.pack_format<interleaved>} : vector<32xbf16> -> vector<16xf32>
        %unpack3A_731 = tpu.unpack_subelements %get3A_729, 1 {pack_format = #tpu.pack_format<interleaved>} : vector<32xbf16> -> vector<16xf32>
        %add3A_732 = arith.addf %add3A_723, %unpack3A_730 : vector<16xf32>
        %add3A_733 = arith.addf %add3A_724, %unpack3A_731 : vector<16xf32>
        %add3A_734 = arith.constant 4 : i32
        %add3A_735 = arith.addi %mul3A_666, %add3A_734 : i32
        %get3A_736 = arith.index_cast %add3A_735 : i32 to index
        %get3A_737 = arith.constant 0 : index
        %get3A_738 = tpu.vector_load %arg7[%get3A_736, %get3A_737] {strides = array<i32>} : memref<2560x32xbf16, #tpu.memory_space<vmem>>, vector<32xbf16>,
        %unpack3A_739 = tpu.unpack_subelements %get3A_738, 0 {pack_format = #tpu.pack_format<interleaved>} : vector<32xbf16> -> vector<16xf32>
        %unpack3A_740 = tpu.unpack_subelements %get3A_738, 1 {pack_format = #tpu.pack_format<interleaved>} : vector<32xbf16> -> vector<16xf32>
        %add3A_741 = arith.addf %add3A_732, %unpack3A_739 : vector<16xf32>
        %add3A_742 = arith.addf %add3A_733, %unpack3A_740 : vector<16xf32>
        %add3A_743 = arith.constant 5 : i32
        %add3A_744 = arith.addi %mul3A_666, %add3A_743 : i32
        %get3A_745 = arith.index_cast %add3A_744 : i32 to index
        %get3A_746 = arith.constant 0 : index
        %get3A_747 = tpu.vector_load %arg7[%get3A_745, %get3A_746] {strides = array<i32>} : memref<2560x32xbf16, #tpu.memory_space<vmem>>, vector<32xbf16>,
        %unpack3A_748 = tpu.unpack_subelements %get3A_747, 0 {pack_format = #tpu.pack_format<interleaved>} : vector<32xbf16> -> vector<16xf32>
        %unpack3A_749 = tpu.unpack_subelements %get3A_747, 1 {pack_format = #tpu.pack_format<interleaved>} : vector<32xbf16> -> vector<16xf32>
        %add3A_750 = arith.addf %add3A_741, %unpack3A_748 : vector<16xf32>
        %add3A_751 = arith.addf %add3A_742, %unpack3A_749 : vector<16xf32>
        %add3A_752 = arith.constant 6 : i32
        %add3A_753 = arith.addi %mul3A_666, %add3A_752 : i32
        %get3A_754 = arith.index_cast %add3A_753 : i32 to index
        %get3A_755 = arith.constant 0 : index
        %get3A_756 = tpu.vector_load %arg7[%get3A_754, %get3A_755] {strides = array<i32>} : memref<2560x32xbf16, #tpu.memory_space<vmem>>, vector<32xbf16>,
        %unpack3A_757 = tpu.unpack_subelements %get3A_756, 0 {pack_format = #tpu.pack_format<interleaved>} : vector<32xbf16> -> vector<16xf32>
        %unpack3A_758 = tpu.unpack_subelements %get3A_756, 1 {pack_format = #tpu.pack_format<interleaved>} : vector<32xbf16> -> vector<16xf32>
        %add3A_759 = arith.addf %add3A_750, %unpack3A_757 : vector<16xf32>
        %add3A_760 = arith.addf %add3A_751, %unpack3A_758 : vector<16xf32>
        %add3A_761 = arith.constant 7 : i32
        %add3A_762 = arith.addi %mul3A_666, %add3A_761 : i32
        %get3A_763 = arith.index_cast %add3A_762 : i32 to index
        %get3A_764 = arith.constant 0 : index
        %get3A_765 = tpu.vector_load %arg7[%get3A_763, %get3A_764] {strides = array<i32>} : memref<2560x32xbf16, #tpu.memory_space<vmem>>, vector<32xbf16>,
        %unpack3A_766 = tpu.unpack_subelements %get3A_765, 0 {pack_format = #tpu.pack_format<interleaved>} : vector<32xbf16> -> vector<16xf32>
        %unpack3A_767 = tpu.unpack_subelements %get3A_765, 1 {pack_format = #tpu.pack_format<interleaved>} : vector<32xbf16> -> vector<16xf32>
        %add3A_768 = arith.addf %add3A_759, %unpack3A_766 : vector<16xf32>
        %add3A_769 = arith.addf %add3A_760, %unpack3A_767 : vector<16xf32>
        %add3A_770 = arith.constant 8 : i32
        %add3A_771 = arith.addi %mul3A_666, %add3A_770 : i32
        %get3A_772 = arith.index_cast %add3A_771 : i32 to index
        %get3A_773 = arith.constant 0 : index
        %get3A_774 = tpu.vector_load %arg7[%get3A_772, %get3A_773] {strides = array<i32>} : memref<2560x32xbf16, #tpu.memory_space<vmem>>, vector<32xbf16>,
        %unpack3A_775 = tpu.unpack_subelements %get3A_774, 0 {pack_format = #tpu.pack_format<interleaved>} : vector<32xbf16> -> vector<16xf32>
        %unpack3A_776 = tpu.unpack_subelements %get3A_774, 1 {pack_format = #tpu.pack_format<interleaved>} : vector<32xbf16> -> vector<16xf32>
        %add3A_777 = arith.addf %add3A_768, %unpack3A_775 : vector<16xf32>
        %add3A_778 = arith.addf %add3A_769, %unpack3A_776 : vector<16xf32>
        %add3A_779 = arith.constant 9 : i32
        %add3A_780 = arith.addi %mul3A_666, %add3A_779 : i32
        %get3A_781 = arith.index_cast %add3A_780 : i32 to index
        %get3A_782 = arith.constant 0 : index
        %get3A_783 = tpu.vector_load %arg7[%get3A_781, %get3A_782] {strides = array<i32>} : memref<2560x32xbf16, #tpu.memory_space<vmem>>, vector<32xbf16>,
        %unpack3A_784 = tpu.unpack_subelements %get3A_783, 0 {pack_format = #tpu.pack_format<interleaved>} : vector<32xbf16> -> vector<16xf32>
        %unpack3A_785 = tpu.unpack_subelements %get3A_783, 1 {pack_format = #tpu.pack_format<interleaved>} : vector<32xbf16> -> vector<16xf32>
        %add3A_786 = arith.addf %add3A_777, %unpack3A_784 : vector<16xf32>
        %add3A_787 = arith.addf %add3A_778, %unpack3A_785 : vector<16xf32>
        %add3A_788 = arith.constant 10 : i32
        %add3A_789 = arith.addi %mul3A_666, %add3A_788 : i32
        %get3A_790 = arith.index_cast %add3A_789 : i32 to index
        %get3A_791 = arith.constant 0 : index
        %get3A_792 = tpu.vector_load %arg7[%get3A_790, %get3A_791] {strides = array<i32>} : memref<2560x32xbf16, #tpu.memory_space<vmem>>, vector<32xbf16>,
        %unpack3A_793 = tpu.unpack_subelements %get3A_792, 0 {pack_format = #tpu.pack_format<interleaved>} : vector<32xbf16> -> vector<16xf32>
        %unpack3A_794 = tpu.unpack_subelements %get3A_792, 1 {pack_format = #tpu.pack_format<interleaved>} : vector<32xbf16> -> vector<16xf32>
        %add3A_795 = arith.addf %add3A_786, %unpack3A_793 : vector<16xf32>
        %add3A_796 = arith.addf %add3A_787, %unpack3A_794 : vector<16xf32>
        %add3A_797 = arith.constant 11 : i32
        %add3A_798 = arith.addi %mul3A_666, %add3A_797 : i32
        %get3A_799 = arith.index_cast %add3A_798 : i32 to index
        %get3A_800 = arith.constant 0 : index
        %get3A_801 = tpu.vector_load %arg7[%get3A_799, %get3A_800] {strides = array<i32>} : memref<2560x32xbf16, #tpu.memory_space<vmem>>, vector<32xbf16>,
        %unpack3A_802 = tpu.unpack_subelements %get3A_801, 0 {pack_format = #tpu.pack_format<interleaved>} : vector<32xbf16> -> vector<16xf32>
        %unpack3A_803 = tpu.unpack_subelements %get3A_801, 1 {pack_format = #tpu.pack_format<interleaved>} : vector<32xbf16> -> vector<16xf32>
        %add3A_804 = arith.addf %add3A_795, %unpack3A_802 : vector<16xf32>
        %add3A_805 = arith.addf %add3A_796, %unpack3A_803 : vector<16xf32>
        %add3A_806 = arith.constant 12 : i32
        %add3A_807 = arith.addi %mul3A_666, %add3A_806 : i32
        %get3A_808 = arith.index_cast %add3A_807 : i32 to index
        %get3A_809 = arith.constant 0 : index
        %get3A_810 = tpu.vector_load %arg7[%get3A_808, %get3A_809] {strides = array<i32>} : memref<2560x32xbf16, #tpu.memory_space<vmem>>, vector<32xbf16>,
        %unpack3A_811 = tpu.unpack_subelements %get3A_810, 0 {pack_format = #tpu.pack_format<interleaved>} : vector<32xbf16> -> vector<16xf32>
        %unpack3A_812 = tpu.unpack_subelements %get3A_810, 1 {pack_format = #tpu.pack_format<interleaved>} : vector<32xbf16> -> vector<16xf32>
        %add3A_813 = arith.addf %add3A_804, %unpack3A_811 : vector<16xf32>
        %add3A_814 = arith.addf %add3A_805, %unpack3A_812 : vector<16xf32>
        %add3A_815 = arith.constant 13 : i32
        %add3A_816 = arith.addi %mul3A_666, %add3A_815 : i32
        %get3A_817 = arith.index_cast %add3A_816 : i32 to index
        %get3A_818 = arith.constant 0 : index
        %get3A_819 = tpu.vector_load %arg7[%get3A_817, %get3A_818] {strides = array<i32>} : memref<2560x32xbf16, #tpu.memory_space<vmem>>, vector<32xbf16>,
        %unpack3A_820 = tpu.unpack_subelements %get3A_819, 0 {pack_format = #tpu.pack_format<interleaved>} : vector<32xbf16> -> vector<16xf32>
        %unpack3A_821 = tpu.unpack_subelements %get3A_819, 1 {pack_format = #tpu.pack_format<interleaved>} : vector<32xbf16> -> vector<16xf32>
        %add3A_822 = arith.addf %add3A_813, %unpack3A_820 : vector<16xf32>
        %add3A_823 = arith.addf %add3A_814, %unpack3A_821 : vector<16xf32>
        %add3A_824 = arith.constant 14 : i32
        %add3A_825 = arith.addi %mul3A_666, %add3A_824 : i32
        %get3A_826 = arith.index_cast %add3A_825 : i32 to index
        %get3A_827 = arith.constant 0 : index
        %get3A_828 = tpu.vector_load %arg7[%get3A_826, %get3A_827] {strides = array<i32>} : memref<2560x32xbf16, #tpu.memory_space<vmem>>, vector<32xbf16>,
        %unpack3A_829 = tpu.unpack_subelements %get3A_828, 0 {pack_format = #tpu.pack_format<interleaved>} : vector<32xbf16> -> vector<16xf32>
        %unpack3A_830 = tpu.unpack_subelements %get3A_828, 1 {pack_format = #tpu.pack_format<interleaved>} : vector<32xbf16> -> vector<16xf32>
        %add3A_831 = arith.addf %add3A_822, %unpack3A_829 : vector<16xf32>
        %add3A_832 = arith.addf %add3A_823, %unpack3A_830 : vector<16xf32>
        %add3A_833 = arith.constant 15 : i32
        %add3A_834 = arith.addi %mul3A_666, %add3A_833 : i32
        %get3A_835 = arith.index_cast %add3A_834 : i32 to index
        %get3A_836 = arith.constant 0 : index
        %get3A_837 = tpu.vector_load %arg7[%get3A_835, %get3A_836] {strides = array<i32>} : memref<2560x32xbf16, #tpu.memory_space<vmem>>, vector<32xbf16>,
        %unpack3A_838 = tpu.unpack_subelements %get3A_837, 0 {pack_format = #tpu.pack_format<interleaved>} : vector<32xbf16> -> vector<16xf32>
        %unpack3A_839 = tpu.unpack_subelements %get3A_837, 1 {pack_format = #tpu.pack_format<interleaved>} : vector<32xbf16> -> vector<16xf32>
        %add3A_840 = arith.addf %add3A_831, %unpack3A_838 : vector<16xf32>
        %add3A_841 = arith.addf %add3A_832, %unpack3A_839 : vector<16xf32>
        %add3A_842 = arith.constant 16 : i32
        %add3A_843 = arith.addi %mul3A_666, %add3A_842 : i32
        %get3A_844 = arith.index_cast %add3A_843 : i32 to index
        %get3A_845 = arith.constant 0 : index
        %get3A_846 = tpu.vector_load %arg7[%get3A_844, %get3A_845] {strides = array<i32>} : memref<2560x32xbf16, #tpu.memory_space<vmem>>, vector<32xbf16>,
        %unpack3A_847 = tpu.unpack_subelements %get3A_846, 0 {pack_format = #tpu.pack_format<interleaved>} : vector<32xbf16> -> vector<16xf32>
        %unpack3A_848 = tpu.unpack_subelements %get3A_846, 1 {pack_format = #tpu.pack_format<interleaved>} : vector<32xbf16> -> vector<16xf32>
        %add3A_849 = arith.addf %add3A_840, %unpack3A_847 : vector<16xf32>
        %add3A_850 = arith.addf %add3A_841, %unpack3A_848 : vector<16xf32>
        %add3A_851 = arith.constant 17 : i32
        %add3A_852 = arith.addi %mul3A_666, %add3A_851 : i32
        %get3A_853 = arith.index_cast %add3A_852 : i32 to index
        %get3A_854 = arith.constant 0 : index
        %get3A_855 = tpu.vector_load %arg7[%get3A_853, %get3A_854] {strides = array<i32>} : memref<2560x32xbf16, #tpu.memory_space<vmem>>, vector<32xbf16>,
        %unpack3A_856 = tpu.unpack_subelements %get3A_855, 0 {pack_format = #tpu.pack_format<interleaved>} : vector<32xbf16> -> vector<16xf32>
        %unpack3A_857 = tpu.unpack_subelements %get3A_855, 1 {pack_format = #tpu.pack_format<interleaved>} : vector<32xbf16> -> vector<16xf32>
        %add3A_858 = arith.addf %add3A_849, %unpack3A_856 : vector<16xf32>
        %add3A_859 = arith.addf %add3A_850, %unpack3A_857 : vector<16xf32>
        %add3A_860 = arith.constant 18 : i32
        %add3A_861 = arith.addi %mul3A_666, %add3A_860 : i32
        %get3A_862 = arith.index_cast %add3A_861 : i32 to index
        %get3A_863 = arith.constant 0 : index
        %get3A_864 = tpu.vector_load %arg7[%get3A_862, %get3A_863] {strides = array<i32>} : memref<2560x32xbf16, #tpu.memory_space<vmem>>, vector<32xbf16>,
        %unpack3A_865 = tpu.unpack_subelements %get3A_864, 0 {pack_format = #tpu.pack_format<interleaved>} : vector<32xbf16> -> vector<16xf32>
        %unpack3A_866 = tpu.unpack_subelements %get3A_864, 1 {pack_format = #tpu.pack_format<interleaved>} : vector<32xbf16> -> vector<16xf32>
        %add3A_867 = arith.addf %add3A_858, %unpack3A_865 : vector<16xf32>
        %add3A_868 = arith.addf %add3A_859, %unpack3A_866 : vector<16xf32>
        %add3A_869 = arith.constant 19 : i32
        %add3A_870 = arith.addi %mul3A_666, %add3A_869 : i32
        %get3A_871 = arith.index_cast %add3A_870 : i32 to index
        %get3A_872 = arith.constant 0 : index
        %get3A_873 = tpu.vector_load %arg7[%get3A_871, %get3A_872] {strides = array<i32>} : memref<2560x32xbf16, #tpu.memory_space<vmem>>, vector<32xbf16>,
        %unpack3A_874 = tpu.unpack_subelements %get3A_873, 0 {pack_format = #tpu.pack_format<interleaved>} : vector<32xbf16> -> vector<16xf32>
        %unpack3A_875 = tpu.unpack_subelements %get3A_873, 1 {pack_format = #tpu.pack_format<interleaved>} : vector<32xbf16> -> vector<16xf32>
        %add3A_876 = arith.addf %add3A_867, %unpack3A_874 : vector<16xf32>
        %add3A_877 = arith.addf %add3A_868, %unpack3A_875 : vector<16xf32>
        %mul3A_878 = arith.mulf %convert_element_type3A_692, %unpack3A : vector<16xf32>
        %sub3A_879 = arith.subf %add3A_876, %mul3A_878 : vector<16xf32>
        %mul3A_880 = arith.mulf %sub3A_879, %div3A_701 : vector<16xf32>
        %mul3A_881 = arith.constant 128 : i32
        %mul3A_882 = arith.muli %add3A_424, %mul3A_881 : i32
        %add3A_883 = arith.addi %mul3A_882, %add3A_664 : i32
        %swap3A_884 = arith.index_cast %add3A_883 : i32 to index
        %swap3A_885 = arith.constant 0 : index
        %swap3A_886 = tpu.vector_load %arg8[%swap3A_884, %swap3A_885] {strides = array<i32>} : memref<512x32xf32, #tpu.memory_space<vmem>>, vector<16xf32>,
        tpu.vector_store %arg8[%swap3A_884, %swap3A_885], %mul3A_880 {strides = array<i32>} : memref<512x32xf32, #tpu.memory_space<vmem>>, vector<16xf32>,
        %mul3A_887 = arith.mulf %convert_element_type3A_692, %unpack3A_10 : vector<16xf32>
        %sub3A_888 = arith.subf %add3A_877, %mul3A_887 : vector<16xf32>
        %mul3A_889 = arith.mulf %sub3A_888, %div3A_701 : vector<16xf32>
        %mul3A_890 = arith.constant 128 : i32
        %mul3A_891 = arith.muli %add3A_424, %mul3A_890 : i32
        %add3A_892 = arith.addi %mul3A_891, %add3A_664 : i32
        %swap3A_893 = arith.index_cast %add3A_892 : i32 to index
        %swap3A_894 = arith.constant 16 : index
        %swap3A_895 = tpu.vector_load %arg8[%swap3A_893, %swap3A_894] {strides = array<i32>} : memref<512x32xf32, #tpu.memory_space<vmem>>, vector<16xf32>,
        tpu.vector_store %arg8[%swap3A_893, %swap3A_894], %mul3A_889 {strides = array<i32>} : memref<512x32xf32, #tpu.memory_space<vmem>>, vector<16xf32>,
      }
      %scan3A_429 = arith.constant 128 : i32
    }
    %scan3A_173 = arith.constant 2 : i32
    "tpu.region"() ({
      %run_scoped3A = tpu.sem_alloc : memref<!tpu.dma_semaphore, #tpu.memory_space<semaphore_mem>>
      %dma_start3A_174 = arith.constant 0 : i32
      %dma_start3A_175 = tpu.memref_slice %arg4[%mul3A_2, %dma_start3A_174] : memref<16384x32xf32, #tpu.memory_space<hbm>> -> memref<512x32xf32, #tpu.memory_space<hbm>>
      %dma_start3A_176 = arith.constant 0 : i32
      %dma_start3A_177 = tpu.memref_slice %arg4[%mul3A_2, %dma_start3A_176] : memref<16384x32xf32, #tpu.memory_space<hbm>> -> memref<512x32xf32, #tpu.memory_space<hbm>>
      tpu.enqueue_dma source(%arg8 : memref<512x32xf32, #tpu.memory_space<vmem>>) target(%dma_start3A_177 : memref<512x32xf32, #tpu.memory_space<hbm>>) target_semaphore(%run_scoped3A : memref<!tpu.dma_semaphore, #tpu.memory_space<semaphore_mem>>)
      %dma_wait3A = arith.constant 0 : i32
      %dma_wait3A_178 = tpu.memref_slice %arg4[%mul3A_2, %dma_wait3A] : memref<16384x32xf32, #tpu.memory_space<hbm>> -> memref<512x32xf32, #tpu.memory_space<hbm>>
      %dma_wait3A_179 = arith.constant 0 : i32
      %dma_wait3A_180 = tpu.memref_slice %arg4[%mul3A_2, %dma_wait3A_179] : memref<16384x32xf32, #tpu.memory_space<hbm>> -> memref<512x32xf32, #tpu.memory_space<hbm>>
      tpu.wait_dma2 semaphore(%run_scoped3A : memref<!tpu.dma_semaphore, #tpu.memory_space<semaphore_mem>>) src(%arg8 : memref<512x32xf32, #tpu.memory_space<vmem>>) dst(%dma_wait3A_180 : memref<512x32xf32, #tpu.memory_space<hbm>>)
      tpu.yield
    }) : () -> ()
    return
  }
}

</mosaic_0001>

<sc_bundles>
// kernel: kernel.4.cloned.1.call-start
scs
__scs_entry_jumppad:
0x0: {  	(pc) =	sbr.rel $0x88, $3  }
0x1: {  	(tag) =	ssettag $0x0;
	lr =	simm.s32 $0x1  }
0x2: {  	[smem:$0x3F9D] =	sst lr;
	_ =	strace $0xD0000000  }
0x3: {  	_ = 	snop  }
0x4: {  	_ = 	snop  }
0x5: {  	_ = 	snop  }
0x6: {  	_ = 	snop  }
0x7: {  	_ = 	snop  }
__scs_overlays_trampoline_lowered:
0x8: {  	[smem:$0x3FAC] =	sst s0  }
0x9: {  	[smem:$0x3FAD] =	sst s1  }
0xa: {  	[smem:$0x3FAE] =	sst s2  }
0xb: {  	[smem:$0x3FAF] =	sst s3  }
0xc: {  	[smem:$0x3FB0] =	sst s4  }
0xd: {  	[smem:$0x3FB1] =	sst s5  }
0xe: {  	[smem:$0x3FB2] =	sst s6  }
0xf: {  	[smem:$0x3FB3] =	sst s7  }
0x10: {  	[smem:$0x3FB4] =	sst s8  }
0x11: {  	[smem:$0x3FB5] =	sst s9;
	s0 =	simm.s32 @!p0 $0x0  }
0x12: {  	s1 =	sld [smem:$0x3F9B];
	s0 =	simm.s32 @p0 $0x1  }
0x13: {  	[smem:$0x3FB6] =	sst s0;
	s0 =	simm.s32 @!p1 $0x0  }
0x14: {  	s2 =	sld [smem:$0x3F9A];
	s0 =	simm.s32 @p1 $0x1  }
0x15: {  	[smem:$0x3FB7] =	sst s0;
	s0 =	simm.s32 @!p2 $0x0  }
0x16: {  	s3 =	sld [smem:$0x3FDB];
	s0 =	simm.s32 @p2 $0x1  }
0x17: {  	s4 =	simm.s32 $0x1BF5;
	[smem:$0x3FB9] =	sst s0  }
0x18: {  	s0 =	sld [smem:$0x3F9C];
	_ =	swait.ge [sflag:s4], $0x0  }
0x19: {  	s7 =	sld [smem:$0x3F9D]  }
0x1a: {  	s8 =	sadd.s32 $0xFFFFE003, lr  }
0x1b: {  	s9 =	sadd.s32 $0xFFFFFEF7, lr;
	s5 =	simm.s32 $0xFFFFFFFF;
	p2 =	slt.u32 s8, $0xFFFFF086  }
0x1c: {  	p1 =	slt.u32 s9, $0xF7A;
	s5 =	simm.s32 @!p2 $0x0  }
0x1d: {  	s5 =	simm.s32 @p1 $0x1;
	p0 =	seq.s32 s7, s2  }
0x1e: {  	s7 =	smul.u32 @!p0 $0xF7A, s2;
	p2 =	seq.s32 @!p0 s5, $0x0  }
0x1f: {  	s9 =	smul.u32 $0xF7A, s1;
	s8 =	simm.s32 @!p0 $0x1BF5;
	p2 =	por !p2, p0  }
0x20: {  	[sflag:s8] =	ssyncset.s32 @!p0 $0xFFFFF086;
	s6 =	sadd.s32 @!p0 s3, s7;
	s7 =	simm.s32 @!p0 $0x108  }
0x21: {  	s3 =	sadd.s32 s3, s9;
	s6 =	sadd.s32 @!p0 $0x88, s6;
	s7 =	simm.s32 @p2 $0x1082  }
0x22: {  	[simem:s7], [sflag:s8] =	dma.local @!p0 [hbm:s6], $0xF7A  }
0x23: {  	s9 =	sor.u32 $0xD0000000, s2;
	s6 =	simm.s32 $0x108;
	_ =	swait.ge @!p0 [sflag:s8], $0x0  }
0x24: {  	s3 =	sadd.s32 $0x88, s3;
	s6 =	simm.s32 @!p1 $0x1082;
	[sflag:s4] =	ssyncset.s32 $0xFFFFF086  }
0x25: {  	[simem:s6], [sflag:s4] =	dma.local [hbm:s3], $0xF7A  }
0x26: {  	[smem:$0x3F9D] =	sst s1;
	(tag) =	ssettag s2;
	_ =	strace s9  }
0x27: {  	s1 =	sld [smem:$0x3FAD]  }
0x28: {  	s2 =	sld [smem:$0x3FAE]  }
0x29: {  	s4 =	sld [smem:$0x3FB0]  }
0x2a: {  	p0 =	seq.s32 s5, $0x0;
	s5 =	sld [smem:$0x3FB1]  }
0x2b: {  	s6 =	sld [smem:$0x3FB2]  }
0x2c: {  	s7 =	sld [smem:$0x3FB3]  }
0x2d: {  	s3 =	simm.s32 $0x108;
	s8 =	sld [smem:$0x3FB4]  }
0x2e: {  	s3 =	simm.s32 @!p0 $0x1082;
	s9 =	sld [smem:$0x3FB5]  }
0x2f: {  	lr =	sadd.s32 s0, s3;
	s0 =	sld [smem:$0x3FAC]  }
0x30: {  	s3 =	sld [smem:$0x3FAF]  }
0x31: {  	[smem:$0x3FB8] =	sst s10  }
0x32: {  	s10 =	sld [smem:$0x3FB6];
	_ =	sdelay $0x3  }
0x33: {  	p0 =	seq.s32 s10, $0x1;
	s10 =	sld [smem:$0x3FB8];
	_ =	sdelay $0x3  }
0x34: {  	[smem:$0x3FB8] =	sst s10  }
0x35: {  	s10 =	sld [smem:$0x3FB7];
	_ =	sdelay $0x3  }
0x36: {  	p1 =	seq.s32 s10, $0x1;
	s10 =	sld [smem:$0x3FB8];
	_ =	sdelay $0x3  }
0x37: {  	[smem:$0x3FB8] =	sst s10  }
0x38: {  	s10 =	sld [smem:$0x3FB9]  }
0x39: {  	_ = 	snop;
	(pc) =	sbr.ind lr, $3  }
0x3a: {  	_ = 	snop  }
0x3b: {  	_ = 	snop  }
0x3c: {  	p2 =	seq.s32 s10, $0x1;
	s10 =	sld [smem:$0x3FB8]  }
0x3d: {  	_ =	shalt  }
0x3e: {  	_ =	shalt  }
0x3f: {  	_ =	shalt  }
0x40: {  	_ =	shalt  }
0x41: {  	_ =	shalt  }
0x42: {  	_ =	shalt  }
0x43: {  	_ =	shalt  }
0x44: {  	_ =	shalt  }
0x45: {  	_ =	shalt  }
0x46: {  	_ =	shalt  }
0x47: {  	_ =	shalt  }
0x48: {  	_ =	shalt  }
0x49: {  	_ =	shalt  }
0x4a: {  	_ =	shalt  }
0x4b: {  	_ =	shalt  }
0x4c: {  	_ =	shalt  }
0x4d: {  	_ =	shalt  }
0x4e: {  	_ =	shalt  }
0x4f: {  	_ =	shalt  }
0x50: {  	_ =	shalt  }
0x51: {  	_ =	shalt  }
0x52: {  	_ =	shalt  }
0x53: {  	_ =	shalt  }
0x54: {  	_ =	shalt  }
0x55: {  	_ =	shalt  }
0x56: {  	_ =	shalt  }
0x57: {  	_ =	shalt  }
0x58: {  	_ =	shalt  }
0x59: {  	_ =	shalt  }
0x5a: {  	_ =	shalt  }
0x5b: {  	_ =	shalt  }
0x5c: {  	_ =	shalt  }
0x5d: {  	_ =	shalt  }
0x5e: {  	_ =	shalt  }
0x5f: {  	_ =	shalt  }
0x60: {  	_ =	shalt  }
0x61: {  	_ =	shalt  }
0x62: {  	_ =	shalt  }
0x63: {  	_ =	shalt  }
0x64: {  	_ =	shalt  }
0x65: {  	_ =	shalt  }
0x66: {  	_ =	shalt  }
0x67: {  	_ =	shalt  }
0x68: {  	_ =	shalt  }
0x69: {  	_ =	shalt  }
0x6a: {  	_ =	shalt  }
0x6b: {  	_ =	shalt  }
0x6c: {  	_ =	shalt  }
0x6d: {  	_ =	shalt  }
0x6e: {  	_ =	shalt  }
0x6f: {  	_ =	shalt  }
0x70: {  	_ =	shalt  }
0x71: {  	_ =	shalt  }
0x72: {  	_ =	shalt  }
0x73: {  	_ =	shalt  }
0x74: {  	_ =	shalt  }
0x75: {  	_ =	shalt  }
0x76: {  	_ =	shalt  }
0x77: {  	_ =	shalt  }
0x78: {  	_ =	shalt  }
0x79: {  	_ =	shalt  }
0x7a: {  	_ =	shalt  }
0x7b: {  	_ =	shalt  }
0x7c: {  	_ =	shalt  }
0x7d: {  	_ =	shalt  }
0x7e: {  	_ =	shalt  }
0x7f: {  	_ =	shalt  }
0x80: {  	_ =	shalt  }
0x81: {  	_ =	shalt  }
0x82: {  	_ =	shalt  }
0x83: {  	_ =	shalt  }
0x84: {  	_ =	shalt  }
0x85: {  	_ =	shalt  }
0x86: {  	_ =	shalt  }
0x87: {  	_ =	shalt  }
.Lfunc_end0:
.L_simem_size_0:
called_computation_lowered:
.L_overlay_start_0:
0x88: {  	s2 =	sld [smem:$0x3FD9]  }
0x89: {  	s3 =	sld [smem:$0x3FFE];
	_ =	sdelay $0x1  }
0x8a: {  	s1 =	srdreg.scid  }
0x8b: {  	s0 =	sand.u32 $0x1, s1  }
0x8c: {  	s17 =	sshll.u32 s0, $0xA;
	s2 =	sadd.s32 s3, s2  }
0x8d: {  	s2 =	sadd.s32 s2, s17  }
0x8e: {  	[smem:$0x3FC4] =	sst s2  }
0x8f: {  	_ = 	snop  }
0x90: {  	s2 =	sld [smem:$0x3FD0];
	(tm) =	ssettm $0x1  }
0x91: {  	s18 =	sld [smem:$0x3FFB];
	_ =	sdelay $0x3  }
0x92: {  	_ =	strace s18  }
0x93: {  	s3 =	sld [smem:$0x3FFC];
	_ =	sdelay $0x3  }
0x94: {  	_ =	strace s3  }
0x95: {  	s3 =	sld [smem:$0x3FFD];
	_ =	sdelay $0x3  }
0x96: {  	_ =	strace s3  }
0x97: {  	_ =	strace $0x8FFFFFFF  }
0x98: {  	s19 =	sld [smem:$0x3FDB];
	_ =	sdelay $0x1  }
0x99: {  	s4 =	simm.s32 $_scs_section_size  }
0x9a: {  	s5 =	simm.s32 $_size__tile_overlayer_lowered;
	s6 =	simm.s32 $_tile_overlayer_lowered  }
0x9b: {  	s22 =	simm.s32 $0x1BFF;
	s21 =	sshll.u32 s6, $0x1;
	s3 =	sadd.s32 s4, s19  }
0x9c: {  	s7 =	simm.s32 $0x0;
	s20 =	sshll.u32 s5, $0x1;
	s5 =	sadd.s32 s21, s3  }
0x9d: {  	[timem:s7], [sflag:s22] =	dma.local [hbm:s5], s20  }
0x9e: {  	_ =	swait.ge [sflag:s22], s20  }
0x9f: {  	s4 =	ssub.s32 $0x0, s20;
	[sflag:s22] =	ssyncset.done $0x0  }
0xa0: {  	[sflag:s22] =	ssyncadd.s32 s4;
	_ =	sdelay $0x1  }
0xa1: {  	s23 =	simm.s32 $0x1B8B  }
0xa2: {  	_ =	swait.ge [sflag:s23], $0x1  }
0xa3: {  	[sflag:s23] =	ssyncset.done $0x0  }
0xa4: {  	s25 =	simm.s32 $0x1B8E;
	s24 =	sld [smem:$0x3FFE];
	[sflag:s23] =	ssyncadd.s32 $0xFFFFFFFF  }
0xa5: {  	s26 =	simm.s32 $execute0_lowered;
	[smem:$0x3FD2] =	sst s25  }
0xa6: {  	s5 =	sshll.u32 s26, $0x1;
	_ =	strace $0x80000046;
	[dreg:$0x1] =	wrdreg $0xFFFFFFFF  }
0xa7: {  	s28 =	simm.s32 $_size_execute0_lowered;
	s3 =	sadd.s32 s3, s5;
	[dreg:$0x0] =	wrdreg $0x0  }
0xa8: {  	s5 =	sshll.u32 s28, $0x1;
	[dreg:$0x2] =	wrdreg s3  }
0xa9: {  	[dreg:$0x3] =	wrdreg s5  }
0xaa: {  	[dreg:$0x4] =	wrdreg $0xC0  }
0xab: {  	_ =	task [dreg:s7], $0x5FFFF  }
0xac: {  	[dreg:$0x1] =	wrdreg $0xFFFFFFFF  }
0xad: {  	[dreg:$0x0] =	wrdreg $0x60  }
0xae: {  	[dreg:$0x2] =	wrdreg s24  }
0xaf: {  	[dreg:$0x3] =	wrdreg s2  }
0xb0: {  	[dreg:$0x4] =	wrdreg $0x1A8100  }
0xb1: {  	[dreg:$0x5] =	wrdreg $0x9  }
0xb2: {  	_ =	task.clear_ibuf [dreg:s7], $0x6FFFF;
	_ =	strace $0x90000046  }
0xb3: {  	s29 =	simm.s32 $0x9;
	_ =	strace $0x80000048  }
0xb4: {  	_ =	swait.ge [sflag:s29], $0x1  }
0xb5: {  	[sflag:s29] =	ssyncadd.s32 $0xFFFFFFFF  }
0xb6: {  	_ =	strace $0x90000048  }
0xb7: {  	_ =	sfence  }
0xb8: {  	s30 =	sld [smem:$0x0];
	_ =	sdelay $0x2  }
0xb9: {  	s31 =	sshll.u32 s1, $0xD;
	s1 =	sshrl.u32 s1, $0x2  }
0xba: {  	s3 =	sand.u32 $0x4000, s31;
	s1 =	sadd.s32 s1, s30  }
0xbb: {  	s0 =	sor.u32 s3, s0;
	s1 =	sshll.u32 s1, $0x11  }
0xbc: {  	s0 =	sor.u32 s1, s0  }
0xbd: {  	s0 =	sadd.s32 $0x8F2B, s0  }
0xbe: {  	[sflag:s0] =	ssyncadd.remote.s32 $0x1  }
0xbf: {  	_ =	sfence.sel $0xFFFF  }
0xc0: {  	[dreg:$0x0] =	wrdreg $0xFFFFFFFF;
	(pc) =	sbr.abs _section_cstart, $3  }
0xc1: {  	[dreg:$0x1] =	wrdreg $0xFFFFFFFF  }
0xc2: {  	_ =	task.clear_ibuf [dreg:s7], $0x2FFFF;
	_ =	strace $0x9FFFFFFF  }
0xc3: {  	(tm) =	ssettm $0x7FFFFFFF  }
tec
execute0_lowered:
.L_overlay_start_1:
0x0: {  	(tag) =	ssettag $0x1  }
0x1: {  	s0 =	rddreg [dreg:$0x0]  }
0x2: {  	s2 =	rddreg [dreg:$0x1];
	s3 =	srdreg.scid  }
0x3: {  	s4 =	stileid.u32;
	s1 =	rddreg [dreg:$0x2]  }
0x4: {  	s7 =	simm.s32 $0x0;
	s10 =	simm.s32 $0x80;
	s28 =	simm.s32 $0xC800  }
0x5: {  	s29 =	simm.s32 $0xD000;
	s30 =	simm.s32 $0xD800;
	s31 =	simm.s32 $0xE000  }
0x6: {  	s9 =	simm.s32 $0xF000;
	s11 =	simm.s32 $0xF800;
	s12 =	simm.s32 $0x10000  }
0x7: {  	s13 =	simm.s32 $0x10800;
	s14 =	simm.s32 $0x11000;
	s15 =	simm.s32 $0x11800  }
0x8: {  	s16 =	simm.s32 $0x12000;
	s17 =	simm.s32 $0x12800;
	s18 =	simm.s32 $0x13000  }
0x9: {  	s19 =	simm.s32 $0x13800;
	s20 =	simm.s32 $0x14000;
	s21 =	simm.s32 $0x14800  }
0xa: {  	s22 =	simm.s32 $0x15000;
	s23 =	simm.s32 $0x15800;
	s3 =	sand.u32 $0x1, s3  }
0xb: {  	s5 =	sshll.u32 s4, $0x1;
	[smem:$0x7FF] =	sst s7;
	s8 =	sadd.s32 $0x1C00, s0  }
0xc: {  	p0 =	sne.s32 s4, $0x0;
	s5 =	sor.u32 s3, s5;
	s3 =	ssub.s32 $0x2, s3  }
0xd: {  	_ =	strace $0x80000047;
	s6 =	smul.u32 $0x500, s5;
	s24 =	sshrl.u32 s3, $0x1  }
0xe: {  	[dreg:$0x4] =	wrdreg s8;
	s25 =	sshll.u32 s5, $0xB;
	s3 =	ssub.s32 s3, s24  }
0xf: {  	s5 =	simm.s32 $0x3;
	s0 =	sadd.s32 s6, s0;
	s26 =	smax.u32 s3, $0x1  }
0x10: {  	s24 =	simm.s32 $0x16000;
	s0 =	sadd.s32 $0x6C00, s0;
	[dreg:$0x7] =	wrdreg s26  }
0x11: {  	s3 =	simm.s32 $0x0;
	[dreg:$0x5] =	wrdreg s0;
	s0 =	sadd.s32 s2, s25  }
0x12: {  	s26 =	simm.s32 $0x2;
	[dreg:$0x6] =	wrdreg s0;
	s0 =	sshrl.u32 @!p0 s1, $0x3  }
0x13: {  	vm0 =	vcmask $0x3F30;
	s25 =	simm.s32 $0x1;
	[dreg:$0x8] =	wrdreg s0;
	s0 =	simm.s32 $0xE800  }
.LBB2_1:
0x14: {  	[dreg:$0x9] =	wrdreg s3  }
0x15: {  	s3 =	rddreg [dreg:$0x4]  }
0x16: {  	s2 =	simm.s32 @!p0 $0x1C03;
	s4 =	rddreg [dreg:$0x8]  }
0x17: {  	[spmem:s4], [sflag:s2] =	dma.local @!p0 [hbm:s3], $0x4E20  }
0x18: {  	s2 =	simm.s32 @!p0 $0x3  }
0x19: {  	_ =	swait.ge @!p0 [sflag:s2], $0x4E20  }
0x1a: {  	[sflag:s2] =	ssyncset.done @!p0 $0x0  }
0x1b: {  	s8 =	rddreg [dreg:$0x5];
	[sflag:s2] =	ssyncadd.s32 @!p0 $0xFFFFB1E0  }
0x1c: {  	[tilespmem:s7], [sflag:$0x3] =	stream.linear.gather [hbm4b:s8+s7], $0x2800, $0x38;
	[tilespmem:$0x1CF20] =	vst v63  }
0x1d: {  	_ =	swait.ge [sflag:s5], $0x2800  }
0x1e: {  	[sflag:s5] =	ssyncset.done $0x0  }
0x1f: {  	s4 =	simm.s32 $0x1A800;
	[sflag:s5] =	ssyncadd.s32 $0xFFFFD800  }
0x20: {  	[tilespmem:s4], [sflag:$0x3] =	stream.linear.gather [hbm4b:s3+s7], $0x10, $0x38;
	[tilespmem:$0x1CF20] =	vst v63  }
0x21: {  	_ =	swait.ge [sflag:s5], $0x10  }
0x22: {  	[sflag:s5] =	ssyncset.done $0x0  }
0x23: {  	[sflag:s5] =	ssyncadd.s32 $0xFFFFFFF0  }
0x24: {  	s6 =	simm.s32 $0x2800;
	[bflag:$0x0] =	sbarrier.arrive $0xFFFF  }
0x25: {  	v1 =	vld [tilespmem:$0x1A800];
	[tilespmem:s6], [sflag:$0x1] =	stream.indirect.gather [spmem:s1], $0x10, s7, s10, $0xb8  }
0x26: {  	s8 =	simm.s32 $0x3000  }
0x27: {  	[tilespmem:s8], [sflag:$0x1] =	stream.indirect.gather [spmem:s1], $0x10, s10, s10, $0xb8;
	[tilespmem:$0x1CF20] =	vst v63  }
0x28: {  	s3 =	simm.s32 $0x100;
	s4 =	simm.s32 $0x3800  }
0x29: {  	[tilespmem:s4], [sflag:$0x1] =	stream.indirect.gather [spmem:s1], $0x10, s3, s10, $0xb8;
	[tilespmem:$0x1CF20] =	vst v63  }
0x2a: {  	s5 =	simm.s32 $0x180;
	s6 =	simm.s32 $0x4000  }
0x2b: {  	[tilespmem:s6], [sflag:$0x1] =	stream.indirect.gather [spmem:s1], $0x10, s5, s10, $0xb8;
	[tilespmem:$0x1CF20] =	vst v63  }
0x2c: {  	s7 =	simm.s32 $0x200;
	s8 =	simm.s32 $0x4800  }
0x2d: {  	[tilespmem:s8], [sflag:$0x1] =	stream.indirect.gather [spmem:s1], $0x10, s7, s10, $0xb8;
	[tilespmem:$0x1CF20] =	vst v63  }
0x2e: {  	s3 =	simm.s32 $0x280;
	s4 =	simm.s32 $0x5000  }
0x2f: {  	[tilespmem:s4], [sflag:$0x1] =	stream.indirect.gather [spmem:s1], $0x10, s3, s10, $0xb8;
	[tilespmem:$0x1CF20] =	vst v63  }
0x30: {  	s5 =	simm.s32 $0x300;
	s6 =	simm.s32 $0x5800  }
0x31: {  	[tilespmem:s6], [sflag:$0x1] =	stream.indirect.gather [spmem:s1], $0x10, s5, s10, $0xb8;
	[tilespmem:$0x1CF20] =	vst v63  }
0x32: {  	s7 =	simm.s32 $0x380;
	s8 =	simm.s32 $0x6000  }
0x33: {  	[tilespmem:s8], [sflag:$0x1] =	stream.indirect.gather [spmem:s1], $0x10, s7, s10, $0xb8;
	[tilespmem:$0x1CF20] =	vst v63  }
0x34: {  	s3 =	simm.s32 $0x400;
	s4 =	simm.s32 $0x6800  }
0x35: {  	[tilespmem:s4], [sflag:$0x1] =	stream.indirect.gather [spmem:s1], $0x10, s3, s10, $0xb8;
	[tilespmem:$0x1CF20] =	vst v63  }
0x36: {  	s5 =	simm.s32 $0x480;
	s6 =	simm.s32 $0x7000  }
0x37: {  	[tilespmem:s6], [sflag:$0x1] =	stream.indirect.gather [spmem:s1], $0x10, s5, s10, $0xb8;
	[tilespmem:$0x1CF20] =	vst v63  }
0x38: {  	s7 =	simm.s32 $0x500;
	s8 =	simm.s32 $0x7800  }
0x39: {  	[tilespmem:s8], [sflag:$0x1] =	stream.indirect.gather [spmem:s1], $0x10, s7, s10, $0xb8;
	[tilespmem:$0x1CF20] =	vst v63  }
0x3a: {  	s3 =	simm.s32 $0x580;
	s4 =	simm.s32 $0x8000  }
0x3b: {  	[tilespmem:s4], [sflag:$0x1] =	stream.indirect.gather [spmem:s1], $0x10, s3, s10, $0xb8;
	[tilespmem:$0x1CF20] =	vst v63  }
0x3c: {  	s5 =	simm.s32 $0x600;
	s6 =	simm.s32 $0x8800  }
0x3d: {  	[tilespmem:s6], [sflag:$0x1] =	stream.indirect.gather [spmem:s1], $0x10, s5, s10, $0xb8;
	[tilespmem:$0x1CF20] =	vst v63  }
0x3e: {  	s7 =	simm.s32 $0x680;
	s8 =	simm.s32 $0x9000  }
0x3f: {  	[tilespmem:s8], [sflag:$0x1] =	stream.indirect.gather [spmem:s1], $0x10, s7, s10, $0xb8;
	[tilespmem:$0x1CF20] =	vst v63  }
0x40: {  	s3 =	simm.s32 $0x700;
	s4 =	simm.s32 $0x9800  }
0x41: {  	[tilespmem:s4], [sflag:$0x1] =	stream.indirect.gather [spmem:s1], $0x10, s3, s10, $0xb8;
	[tilespmem:$0x1CF20] =	vst v63  }
0x42: {  	s5 =	simm.s32 $0x780;
	s6 =	simm.s32 $0xA000  }
0x43: {  	[tilespmem:s6], [sflag:$0x1] =	stream.indirect.gather [spmem:s1], $0x10, s5, s10, $0xb8;
	[tilespmem:$0x1CF20] =	vst v63  }
0x44: {  	s7 =	simm.s32 $0x800;
	s8 =	simm.s32 $0xA800  }
0x45: {  	[tilespmem:s8], [sflag:$0x1] =	stream.indirect.gather [spmem:s1], $0x10, s7, s10, $0xb8;
	[tilespmem:$0x1CF20] =	vst v63  }
0x46: {  	p3 =	por $0x1, $0x1;
	s3 =	simm.s32 $0x880;
	s4 =	simm.s32 $0xB000  }
0x47: {  	[tilespmem:s4], [sflag:$0x1] =	stream.indirect.gather [spmem:s1], $0x10, s3, s10, $0xb8;
	[tilespmem:$0x1CF20] =	vst v63  }
0x48: {  	p2 =	por $0x0, $0x0;
	s5 =	simm.s32 $0x900;
	s6 =	simm.s32 $0xB800  }
0x49: {  	[tilespmem:s6], [sflag:$0x1] =	stream.indirect.gather [spmem:s1], $0x10, s5, s10, $0xb8;
	[tilespmem:$0x1CF20] =	vst v63  }
0x4a: {  	s2 =	simm.s32 $0x0;
	s7 =	simm.s32 $0x980;
	s8 =	simm.s32 $0xC000  }
0x4b: {  	v0 =	vunpack.i.u.bf16.f32 v1;
	v1 =	vunpack.i.l.bf16.f32 v1;
	[tilespmem:s8], [sflag:$0x1] =	stream.indirect.gather [spmem:s1], $0x10, s7, s10, $0xb8;
	[tilespmem:$0x1CF20] =	vst v63  }
.LBB2_2:
0x4c: {  	s3 =	sshllo.u32 s2, $0x1  }
0x4d: {  	s3 =	smul.u32 $0x2800, s3;
	_ =	sdelay $0x1  }
0x4e: {  	s3 =	sshra.s32 s3, $0x2  }
0x4f: {  	[tilespmem:s28], [sflag:$0x2] =	stream.indirect.gather [spmem:s1], $0x10, s3, s10, $0xb8;
	[tilespmem:$0x1CF20] =	vst v63  }
0x50: {  	s4 =	sor.u32 $0x80, s3  }
0x51: {  	[tilespmem:s29], [sflag:$0x2] =	stream.indirect.gather [spmem:s1], $0x10, s4, s10, $0xb8;
	[tilespmem:$0x1CF20] =	vst v63  }
0x52: {  	s5 =	sor.u32 $0x100, s3  }
0x53: {  	[tilespmem:s30], [sflag:$0x2] =	stream.indirect.gather [spmem:s1], $0x10, s5, s10, $0xb8;
	[tilespmem:$0x1CF20] =	vst v63  }
0x54: {  	s6 =	sor.u32 $0x180, s3  }
0x55: {  	[tilespmem:s31], [sflag:$0x2] =	stream.indirect.gather [spmem:s1], $0x10, s6, s10, $0xb8;
	[tilespmem:$0x1CF20] =	vst v63  }
0x56: {  	s7 =	sadd.s32 $0x200, s3  }
0x57: {  	[tilespmem:s0], [sflag:$0x2] =	stream.indirect.gather [spmem:s1], $0x10, s7, s10, $0xb8;
	[tilespmem:$0x1CF20] =	vst v63  }
0x58: {  	s8 =	sadd.s32 $0x280, s3  }
0x59: {  	[tilespmem:s9], [sflag:$0x2] =	stream.indirect.gather [spmem:s1], $0x10, s8, s10, $0xb8;
	[tilespmem:$0x1CF20] =	vst v63  }
0x5a: {  	s5 =	sadd.s32 $0x300, s3  }
0x5b: {  	[tilespmem:s11], [sflag:$0x2] =	stream.indirect.gather [spmem:s1], $0x10, s5, s10, $0xb8;
	[tilespmem:$0x1CF20] =	vst v63  }
0x5c: {  	s6 =	sadd.s32 $0x380, s3  }
0x5d: {  	[tilespmem:s12], [sflag:$0x2] =	stream.indirect.gather [spmem:s1], $0x10, s6, s10, $0xb8;
	[tilespmem:$0x1CF20] =	vst v63  }
0x5e: {  	s7 =	sadd.s32 $0x400, s3  }
0x5f: {  	[tilespmem:s13], [sflag:$0x2] =	stream.indirect.gather [spmem:s1], $0x10, s7, s10, $0xb8;
	[tilespmem:$0x1CF20] =	vst v63  }
0x60: {  	s8 =	sadd.s32 $0x480, s3  }
0x61: {  	[tilespmem:s14], [sflag:$0x2] =	stream.indirect.gather [spmem:s1], $0x10, s8, s10, $0xb8;
	[tilespmem:$0x1CF20] =	vst v63  }
0x62: {  	s5 =	sadd.s32 $0x500, s3  }
0x63: {  	[tilespmem:s15], [sflag:$0x2] =	stream.indirect.gather [spmem:s1], $0x10, s5, s10, $0xb8;
	[tilespmem:$0x1CF20] =	vst v63  }
0x64: {  	s6 =	sadd.s32 $0x580, s3  }
0x65: {  	[tilespmem:s16], [sflag:$0x2] =	stream.indirect.gather [spmem:s1], $0x10, s6, s10, $0xb8;
	[tilespmem:$0x1CF20] =	vst v63  }
0x66: {  	s7 =	sadd.s32 $0x600, s3  }
0x67: {  	[tilespmem:s17], [sflag:$0x2] =	stream.indirect.gather [spmem:s1], $0x10, s7, s10, $0xb8;
	[tilespmem:$0x1CF20] =	vst v63  }
0x68: {  	s8 =	sadd.s32 $0x680, s3  }
0x69: {  	[tilespmem:s18], [sflag:$0x2] =	stream.indirect.gather [spmem:s1], $0x10, s8, s10, $0xb8;
	[tilespmem:$0x1CF20] =	vst v63  }
0x6a: {  	s5 =	sadd.s32 $0x700, s3  }
0x6b: {  	[tilespmem:s19], [sflag:$0x2] =	stream.indirect.gather [spmem:s1], $0x10, s5, s10, $0xb8;
	[tilespmem:$0x1CF20] =	vst v63  }
0x6c: {  	s6 =	sadd.s32 $0x780, s3  }
0x6d: {  	[tilespmem:s20], [sflag:$0x2] =	stream.indirect.gather [spmem:s1], $0x10, s6, s10, $0xb8;
	[tilespmem:$0x1CF20] =	vst v63  }
0x6e: {  	s7 =	sadd.s32 $0x800, s3  }
0x6f: {  	[tilespmem:s21], [sflag:$0x2] =	stream.indirect.gather [spmem:s1], $0x10, s7, s10, $0xb8;
	[tilespmem:$0x1CF20] =	vst v63  }
0x70: {  	s8 =	sadd.s32 $0x880, s3  }
0x71: {  	[tilespmem:s22], [sflag:$0x2] =	stream.indirect.gather [spmem:s1], $0x10, s8, s10, $0xb8;
	[tilespmem:$0x1CF20] =	vst v63  }
0x72: {  	s5 =	sadd.s32 $0x900, s3  }
0x73: {  	[tilespmem:s23], [sflag:$0x2] =	stream.indirect.gather [spmem:s1], $0x10, s5, s10, $0xb8;
	[tilespmem:$0x1CF20] =	vst v63  }
0x74: {  	s3 =	sadd.s32 $0x980, s3  }
0x75: {  	[tilespmem:s24], [sflag:$0x2] =	stream.indirect.gather [spmem:s1], $0x10, s3, s10, $0xb8;
	[tilespmem:$0x1CF20] =	vst v63  }
0x76: {  	_ =	swait.ge [sflag:s25], $0xA000  }
0x77: {  	[sflag:s25] =	ssyncset.done $0x0  }
0x78: {  	s7 =	simm.s32 $0x2940;
	[sflag:s25] =	ssyncadd.s32 $0xFFFF6000  }
0x79: {  	v2 =	vld [tilespmem:s7+$0xFFFFFEC0]  }
0x7a: {  	v3 =	vld [tilespmem:s7+$0xFFFFFED0];
	_ =	sdelay $0x1  }
0x7b: {  	v4 =	vld [tilespmem:s7+$0xFFFFFEE0];
	_ =	sdelay $0x1  }
0x7c: {  	v5 =	vld [tilespmem:s7+$0xFFFFFEF0]  }
0x7d: {  	v6 =	vunpack.i.l.bf16.f32 v2;
	v7 =	vunpack.i.l.bf16.f32 v3  }
0x7e: {  	v8 =	vld [tilespmem:s7+$0xFFFFFF00];
	v2 =	vunpack.i.u.bf16.f32 v2;
	v3 =	vunpack.i.u.bf16.f32 v3;
	v6 =	vadd.f32 v7, v6  }
0x7f: {  	v2 =	vadd.f32 v3, v2;
	v3 =	vunpack.i.l.bf16.f32 v4  }
0x80: {  	v7 =	vld [tilespmem:s7+$0xFFFFFF10];
	v4 =	vunpack.i.u.bf16.f32 v4;
	v3 =	vadd.f32 v3, v6  }
0x81: {  	v2 =	vadd.f32 v4, v2;
	v4 =	vunpack.i.l.bf16.f32 v5  }
0x82: {  	v6 =	vld [tilespmem:s7+$0xFFFFFF20];
	v5 =	vunpack.i.u.bf16.f32 v5;
	v3 =	vadd.f32 v4, v3  }
0x83: {  	v2 =	vadd.f32 v5, v2;
	v4 =	vunpack.i.l.bf16.f32 v8  }
0x84: {  	v5 =	vld [tilespmem:s7+$0xFFFFFF30];
	v8 =	vunpack.i.u.bf16.f32 v8;
	v3 =	vadd.f32 v4, v3  }
0x85: {  	v2 =	vadd.f32 v8, v2;
	v4 =	vunpack.i.l.bf16.f32 v7  }
0x86: {  	v8 =	vld [tilespmem:s7+$0xFFFFFF40];
	v7 =	vunpack.i.u.bf16.f32 v7;
	v3 =	vadd.f32 v4, v3  }
0x87: {  	s6 =	smul.u32 $0x5000, s2;
	v2 =	vadd.f32 v7, v2;
	v4 =	vunpack.i.l.bf16.f32 v6  }
0x88: {  	v7 =	vld [tilespmem:s7+$0xFFFFFF50];
	v6 =	vunpack.i.u.bf16.f32 v6;
	v3 =	vadd.f32 v4, v3  }
0x89: {  	s5 =	sshra.s32 s6, $0x2;
	v2 =	vadd.f32 v6, v2;
	v4 =	vunpack.i.l.bf16.f32 v5  }
0x8a: {  	s3 =	sor.u32 $0x14, s5;
	v6 =	vld [tilespmem:s7+$0xFFFFFF60];
	v5 =	vunpack.i.u.bf16.f32 v5;
	v3 =	vadd.f32 v4, v3  }
0x8b: {  	v4 =	vld [tilespmem:s3+$0xFFFFFFEC];
	v2 =	vadd.f32 v5, v2;
	v5 =	vunpack.i.l.bf16.f32 v8  }
0x8c: {  	v9 =	vld [tilespmem:s7+$0xFFFFFF70];
	v8 =	vunpack.i.u.bf16.f32 v8;
	v3 =	vadd.f32 v5, v3  }
0x8d: {  	v5 =	vld [tilespmem:s3+$0xFFFFFFF0];
	v2 =	vadd.f32 v8, v2;
	v8 =	vunpack.i.l.bf16.f32 v7  }
0x8e: {  	v10 =	vld [tilespmem:s7+$0xFFFFFF80];
	v7 =	vunpack.i.u.bf16.f32 v7;
	v3 =	vadd.f32 v8, v3  }
0x8f: {  	v2 =	vadd.f32 v7, v2;
	v7 =	vunpack.i.l.bf16.f32 v6  }
0x90: {  	vm1 =	veq.s32 v4, $0x0;
	v4 =	vunpack.i.u.bf16.f32 v6;
	v6 =	vld [tilespmem:s7+$0xFFFFFF90];
	v3 =	vadd.f32 v7, v3  }
0x91: {  	v7 =	vmpcnt.ones.xlane vm1;
	v2 =	vadd.f32 v4, v2;
	v4 =	vunpack.i.l.bf16.f32 v9  }
0x92: {  	vm1 =	veq.s32 v5, $0x0;
	v5 =	vunpack.i.u.bf16.f32 v9;
	v3 =	vadd.f32 v4, v3;
	v4 =	vld [tilespmem:s7+$0xFFFFFFA0]  }
0x93: {  	vm1 =	vmand vm1, vm0;
	v2 =	vadd.f32 v5, v2;
	v5 =	vunpack.i.l.bf16.f32 v10  }
0x94: {  	v50 =	vunpack.i.u.bf16.f32 v10;
	v8 =	vmpcnt.ones.xlane vm1;
	v3 =	vadd.f32 v5, v3;
	v5 =	vld [tilespmem:s7+$0xFFFFFFB0]  }
0x95: {  	v2 =	vadd.f32 v50, v2;
	v51 =	vunpack.i.l.bf16.f32 v6  }
0x96: {  	v6 =	vunpack.i.u.bf16.f32 v6;
	v7 =	vadd.s32 v7, v8;
	v8 =	vld [tilespmem:s7+$0xFFFFFFC0];
	v3 =	vadd.f32 v51, v3  }
0x97: {  	v2 =	vadd.f32 v6, v2;
	v6 =	vunpack.i.l.bf16.f32 v4  }
0x98: {  	v7 =	vcvt.s32.f32 v7;
	v4 =	vunpack.i.u.bf16.f32 v4;
	v3 =	vadd.f32 v6, v3;
	v6 =	vld [tilespmem:s7+$0xFFFFFFD0]  }
0x99: {  	v2 =	vadd.f32 v4, v2;
	v4 =	vunpack.i.l.bf16.f32 v5  }
0x9a: {  	v52 =	vsub.f32 $2.000000000e+01, v7;
	v5 =	vunpack.i.u.bf16.f32 v5;
	v3 =	vadd.f32 v4, v3;
	v4 =	vld [tilespmem:s7+$0xFFFFFFE0]  }
0x9b: {  	v2 =	vadd.f32 v5, v2;
	v5 =	vunpack.i.l.bf16.f32 v8  }
0x9c: {  	v9 =	vmax.f32 v52, $1.000000000e+00;
	v8 =	vunpack.i.u.bf16.f32 v8;
	v3 =	vadd.f32 v5, v3;
	v5 =	vld [tilespmem:s7+$0xFFFFFFF0]  }
0x9d: {  	(erf) = vrcp.f32 v9;
	v2 =	vadd.f32 v8, v2;
	v8 =	vunpack.i.l.bf16.f32 v6  }
0x9e: {  	v6 =	vunpack.i.u.bf16.f32 v6;
	v3 =	vadd.f32 v8, v3  }
0x9f: {  	v2 =	vadd.f32 v6, v2;
	v6 =	vunpack.i.l.bf16.f32 v4  }
0xa0: {  	v4 =	vunpack.i.u.bf16.f32 v4;
	v3 =	vadd.f32 v6, v3  }
0xa1: {  	v2 =	vadd.f32 v4, v2;
	v4 =	vunpack.i.l.bf16.f32 v5  }
0xa2: {  	v3 =	vadd.f32 v4, v3;
	v4 =	vmul.f32 v7, v1  }
0xa3: {  	v5 =	vunpack.i.u.bf16.f32 v5  }
0xa4: {  	v6 =	vmul.f32 v7, v0;
	v2 =	vadd.f32 v5, v2  }
0xa5: {  	v3 =	vsub.f32 v3, v4  }
0xa6: {  	s8 =	sshll.u32 s2, $0xF;
	v2 =	vsub.f32 v2, v6;
	v4 =	vpop (erf)  }
0xa7: {  	s6 =	sshra.s32 s8, $0x2;
	v3 =	vmul.f32 v3, v4  }
0xa8: {  	s2 =	sadd.s32 $0x16820, s6;
	v2 =	vmul.f32 v2, v4  }
0xa9: {  	[tilespmem:s2+$0xFFFFFFE0] =	vst v3  }
0xaa: {  	[tilespmem:s2+$0xFFFFFFF0] =	vst v2  }
0xab: {  	v2 =	vld [tilespmem:s7+$0x0]  }
0xac: {  	v3 =	vld [tilespmem:s7+$0x10];
	_ =	sdelay $0x1  }
0xad: {  	v4 =	vld [tilespmem:s7+$0x20];
	_ =	sdelay $0x1  }
0xae: {  	v5 =	vld [tilespmem:s7+$0x30]  }
0xaf: {  	v6 =	vunpack.i.l.bf16.f32 v2;
	v7 =	vunpack.i.l.bf16.f32 v3  }
0xb0: {  	v6 =	vadd.f32 v7, v6;
	v7 =	vld [tilespmem:s7+$0x40]  }
0xb1: {  	v2 =	vunpack.i.u.bf16.f32 v2;
	v3 =	vunpack.i.u.bf16.f32 v3;
	v8 =	vunpack.i.l.bf16.f32 v4  }
0xb2: {  	v2 =	vadd.f32 v3, v2;
	v3 =	vadd.f32 v8, v6;
	v6 =	vld [tilespmem:s7+$0x50]  }
0xb3: {  	v4 =	vunpack.i.u.bf16.f32 v4;
	v8 =	vunpack.i.l.bf16.f32 v5  }
0xb4: {  	v2 =	vadd.f32 v4, v2;
	v4 =	vld [tilespmem:s7+$0x60];
	v3 =	vadd.f32 v8, v3  }
0xb5: {  	v5 =	vunpack.i.u.bf16.f32 v5;
	v8 =	vunpack.i.l.bf16.f32 v7  }
0xb6: {  	v2 =	vadd.f32 v5, v2;
	v5 =	vld [tilespmem:s7+$0x70];
	v3 =	vadd.f32 v8, v3  }
0xb7: {  	v7 =	vunpack.i.u.bf16.f32 v7;
	v8 =	vunpack.i.l.bf16.f32 v6  }
0xb8: {  	v2 =	vadd.f32 v7, v2;
	v7 =	vld [tilespmem:s7+$0x80];
	v3 =	vadd.f32 v8, v3  }
0xb9: {  	v6 =	vunpack.i.u.bf16.f32 v6;
	v8 =	vunpack.i.l.bf16.f32 v4  }
0xba: {  	v2 =	vadd.f32 v6, v2;
	v6 =	vld [tilespmem:s7+$0x90];
	v3 =	vadd.f32 v8, v3  }
0xbb: {  	v4 =	vunpack.i.u.bf16.f32 v4;
	v8 =	vunpack.i.l.bf16.f32 v5  }
0xbc: {  	v2 =	vadd.f32 v4, v2;
	v4 =	vld [tilespmem:s7+$0xA0];
	v3 =	vadd.f32 v8, v3  }
0xbd: {  	v5 =	vunpack.i.u.bf16.f32 v5;
	v8 =	vunpack.i.l.bf16.f32 v7  }
0xbe: {  	v2 =	vadd.f32 v5, v2;
	v5 =	vld [tilespmem:s7+$0xB0];
	v3 =	vadd.f32 v8, v3  }
0xbf: {  	v54 =	vld [tilespmem:s3+$0x0];
	v7 =	vunpack.i.u.bf16.f32 v7;
	v53 =	vunpack.i.l.bf16.f32 v6  }
0xc0: {  	v8 =	vld [tilespmem:s7+$0xC0];
	v2 =	vadd.f32 v7, v2;
	v3 =	vadd.f32 v53, v3  }
0xc1: {  	v6 =	vunpack.i.u.bf16.f32 v6;
	v7 =	vld [tilespmem:s3+$0x4];
	v55 =	vunpack.i.l.bf16.f32 v4  }
0xc2: {  	v2 =	vadd.f32 v6, v2;
	v6 =	vld [tilespmem:s7+$0xD0];
	v3 =	vadd.f32 v55, v3  }
0xc3: {  	v4 =	vunpack.i.u.bf16.f32 v4;
	v56 =	vunpack.i.l.bf16.f32 v5  }
0xc4: {  	v2 =	vadd.f32 v4, v2;
	v4 =	vld [tilespmem:s7+$0xE0];
	v3 =	vadd.f32 v56, v3  }
0xc5: {  	vm2 =	veq.s32 v54, $0x0;
	v5 =	vunpack.i.u.bf16.f32 v5;
	v57 =	vunpack.i.l.bf16.f32 v8  }
0xc6: {  	v59 =	vmpcnt.ones.xlane vm2;
	v2 =	vadd.f32 v5, v2;
	v5 =	vld [tilespmem:s7+$0xF0];
	v3 =	vadd.f32 v57, v3  }
0xc7: {  	vm1 =	veq.s32 v7, $0x0;
	v7 =	vunpack.i.u.bf16.f32 v8;
	v8 =	vunpack.i.l.bf16.f32 v6  }
0xc8: {  	vm1 =	vmand vm1, vm0;
	v2 =	vadd.f32 v7, v2;
	v7 =	vld [tilespmem:s7+$0x100];
	v3 =	vadd.f32 v8, v3  }
0xc9: {  	v6 =	vunpack.i.u.bf16.f32 v6;
	v58 =	vunpack.i.l.bf16.f32 v4;
	v8 =	vmpcnt.ones.xlane vm1  }
0xca: {  	v2 =	vadd.f32 v6, v2;
	v3 =	vadd.f32 v58, v3  }
0xcb: {  	v4 =	vunpack.i.u.bf16.f32 v4;
	v60 =	vunpack.i.l.bf16.f32 v5;
	v8 =	vadd.s32 v59, v8  }
0xcc: {  	v6 =	vld [tilespmem:s7+$0x110];
	v4 =	vadd.f32 v4, v2;
	v2 =	vcvt.s32.f32 v8;
	v3 =	vadd.f32 v60, v3  }
0xcd: {  	v8 =	vunpack.i.l.bf16.f32 v7  }
0xce: {  	v61 =	vld [tilespmem:s7+$0x120];
	v3 =	vadd.f32 v8, v3;
	v8 =	vsub.f32 $2.000000000e+01, v2  }
0xcf: {  	v5 =	vunpack.i.u.bf16.f32 v5  }
0xd0: {  	v4 =	vadd.f32 v5, v4;
	v5 =	vld [tilespmem:s7+$0x130];
	v8 =	vmax.f32 v8, $1.000000000e+00  }
0xd1: {  	v7 =	vunpack.i.u.bf16.f32 v7;
	v62 =	vunpack.i.l.bf16.f32 v6;
	(erf) = vrcp.f32 v8  }
0xd2: {  	v4 =	vadd.f32 v7, v4;
	v7 =	vadd.f32 v62, v3  }
0xd3: {  	v63 =	vunpack.i.l.bf16.f32 v61;
	v6 =	vunpack.i.u.bf16.f32 v6  }
0xd4: {  	v4 =	vadd.f32 v6, v4;
	v7 =	vadd.f32 v63, v7  }
0xd5: {  	p1 =	por p3, p3;
	v3 =	vmul.f32 v2, v1;
	v6 =	vunpack.i.u.bf16.f32 v61;
	v8 =	vunpack.i.l.bf16.f32 v5  }
0xd6: {  	s8 =	simm.s32 $0x0;
	s4 =	sadd.s32 $0x28, s3;
	s3 =	smov.u32 s2;
	v4 =	vadd.f32 v6, v4;
	v6 =	vunpack.i.u.bf16.f32 v5;
	v5 =	vadd.f32 v8, v7  }
.LBB2_3:
0xd7: {  	s8 =	sadd.s32 $0x2, s8;
	s7 =	sadd.s32 $0x280, s7;
	s2 =	sadd.s32 $0x40, s2  }
0xd8: {  	v6 =	vadd.f32 v6, v4;
	v2 =	vmul.f32 v2, v0;
	p3 =	slt.u32 s8, $0x7E  }
0xd9: {  	v3 =	vsub.f32 v5, v3  }
0xda: {  	v2 =	vsub.f32 v6, v2;
	v4 =	vpop (erf)  }
0xdb: {  	v3 =	vmul.f32 v3, v4  }
0xdc: {  	v2 =	vmul.f32 v2, v4  }
0xdd: {  	[tilespmem:s3+$0x0] =	vst v3  }
0xde: {  	[tilespmem:s3+$0x10] =	vst v2;
	s3 =	smov.u32 s2  }
0xdf: {  	v2 =	vld [tilespmem:s7+$0xFFFFFEC0]  }
0xe0: {  	v3 =	vld [tilespmem:s7+$0xFFFFFED0]  }
0xe1: {  	v4 =	vld [tilespmem:s7+$0xFFFFFEF0]  }
0xe2: {  	v5 =	vld [tilespmem:s7+$0xFFFFFEE0]  }
0xe3: {  	v6 =	vld [tilespmem:s7+$0xFFFFFF00]  }
0xe4: {  	v7 =	vunpack.i.l.bf16.f32 v2  }
0xe5: {  	v2 =	vunpack.i.u.bf16.f32 v2;
	v8 =	vunpack.i.u.bf16.f32 v3;
	v3 =	vunpack.i.l.bf16.f32 v3;
	v9 =	vld [tilespmem:s7+$0xFFFFFF10]  }
0xe6: {  	v3 =	vadd.f32 v3, v7;
	v2 =	vadd.f32 v8, v2  }
0xe7: {  	v7 =	vunpack.i.u.bf16.f32 v5;
	v5 =	vunpack.i.l.bf16.f32 v5;
	v8 =	vld [tilespmem:s7+$0xFFFFFF20]  }
0xe8: {  	v3 =	vadd.f32 v5, v3;
	v2 =	vadd.f32 v7, v2  }
0xe9: {  	v5 =	vunpack.i.u.bf16.f32 v4;
	v4 =	vunpack.i.l.bf16.f32 v4;
	v7 =	vld [tilespmem:s7+$0xFFFFFF30]  }
0xea: {  	v3 =	vadd.f32 v4, v3;
	v2 =	vadd.f32 v5, v2  }
0xeb: {  	v4 =	vunpack.i.u.bf16.f32 v6;
	v5 =	vunpack.i.l.bf16.f32 v6;
	v6 =	vld [tilespmem:s7+$0xFFFFFF40]  }
0xec: {  	v3 =	vadd.f32 v5, v3;
	v2 =	vadd.f32 v4, v2  }
0xed: {  	v4 =	vunpack.i.u.bf16.f32 v9;
	v5 =	vunpack.i.l.bf16.f32 v9;
	v9 =	vld [tilespmem:s7+$0xFFFFFF50]  }
0xee: {  	v3 =	vadd.f32 v5, v3;
	v2 =	vadd.f32 v4, v2  }
0xef: {  	v4 =	vunpack.i.u.bf16.f32 v8;
	v5 =	vunpack.i.l.bf16.f32 v8;
	v8 =	vld [tilespmem:s7+$0xFFFFFF60]  }
0xf0: {  	v10 =	vld [tilespmem:s4+$0xFFFFFFEC];
	v3 =	vadd.f32 v5, v3;
	v2 =	vadd.f32 v4, v2  }
0xf1: {  	v4 =	vunpack.i.u.bf16.f32 v7;
	v5 =	vunpack.i.l.bf16.f32 v7;
	v7 =	vld [tilespmem:s7+$0xFFFFFF70]  }
0xf2: {  	v11 =	vld [tilespmem:s4+$0xFFFFFFF0];
	v3 =	vadd.f32 v5, v3;
	v2 =	vadd.f32 v4, v2  }
0xf3: {  	v4 =	vunpack.i.u.bf16.f32 v6;
	v5 =	vunpack.i.l.bf16.f32 v6;
	v6 =	vld [tilespmem:s7+$0xFFFFFF80]  }
0xf4: {  	v3 =	vadd.f32 v5, v3;
	v2 =	vadd.f32 v4, v2  }
0xf5: {  	v4 =	vunpack.i.u.bf16.f32 v9;
	v5 =	vunpack.i.l.bf16.f32 v9;
	vm1 =	veq.s32 v10, $0x0  }
0xf6: {  	v9 =	vmpcnt.ones.xlane vm1;
	v3 =	vadd.f32 v5, v3;
	v2 =	vadd.f32 v4, v2  }
0xf7: {  	v4 =	vunpack.i.u.bf16.f32 v8;
	v5 =	vunpack.i.l.bf16.f32 v8;
	vm1 =	veq.s32 v11, $0x0  }
0xf8: {  	vm1 =	vmand vm1, vm0;
	v3 =	vadd.f32 v5, v3;
	v2 =	vadd.f32 v4, v2;
	v4 =	vld [tilespmem:s7+$0xFFFFFF90]  }
0xf9: {  	v8 =	vunpack.i.u.bf16.f32 v7;
	v7 =	vunpack.i.l.bf16.f32 v7;
	v5 =	vmpcnt.ones.xlane vm1  }
0xfa: {  	v3 =	vadd.f32 v7, v3;
	v2 =	vadd.f32 v8, v2;
	v7 =	vld [tilespmem:s7+$0xFFFFFFA0]  }
0xfb: {  	v8 =	vunpack.i.u.bf16.f32 v6;
	v6 =	vunpack.i.l.bf16.f32 v6;
	v5 =	vadd.s32 v9, v5  }
0xfc: {  	v5 =	vcvt.s32.f32 v5;
	v3 =	vadd.f32 v6, v3;
	v2 =	vadd.f32 v8, v2;
	v6 =	vld [tilespmem:s7+$0xFFFFFFB0]  }
0xfd: {  	v8 =	vunpack.i.u.bf16.f32 v4;
	v4 =	vunpack.i.l.bf16.f32 v4  }
0xfe: {  	v3 =	vadd.f32 v4, v3;
	v2 =	vadd.f32 v8, v2;
	v4 =	vld [tilespmem:s7+$0xFFFFFFC0]  }
0xff: {  	v8 =	vsub.f32 $2.000000000e+01, v5;
	v9 =	vunpack.i.u.bf16.f32 v7;
	v7 =	vunpack.i.l.bf16.f32 v7  }
0x100: {  	v3 =	vadd.f32 v7, v3;
	v2 =	vadd.f32 v9, v2;
	v7 =	vld [tilespmem:s7+$0xFFFFFFD0]  }
0x101: {  	v8 =	vmax.f32 v8, $1.000000000e+00;
	v9 =	vunpack.i.u.bf16.f32 v6;
	v6 =	vunpack.i.l.bf16.f32 v6  }
0x102: {  	v3 =	vadd.f32 v6, v3;
	v2 =	vadd.f32 v9, v2;
	v6 =	vld [tilespmem:s7+$0xFFFFFFE0]  }
0x103: {  	v9 =	vunpack.i.u.bf16.f32 v4;
	v4 =	vunpack.i.l.bf16.f32 v4  }
0x104: {  	v3 =	vadd.f32 v4, v3;
	v2 =	vadd.f32 v9, v2;
	v4 =	vld [tilespmem:s7+$0xFFFFFFF0];
	(erf) = vrcp.f32 v8  }
0x105: {  	v8 =	vunpack.i.u.bf16.f32 v7;
	v7 =	vunpack.i.l.bf16.f32 v7  }
0x106: {  	v3 =	vadd.f32 v7, v3;
	v2 =	vadd.f32 v8, v2  }
0x107: {  	v7 =	vunpack.i.u.bf16.f32 v6;
	v6 =	vunpack.i.l.bf16.f32 v6  }
0x108: {  	v3 =	vadd.f32 v6, v3;
	v2 =	vadd.f32 v7, v2  }
0x109: {  	v7 =	vmul.f32 v5, v0;
	v6 =	vunpack.i.u.bf16.f32 v4;
	v4 =	vunpack.i.l.bf16.f32 v4  }
0x10a: {  	v5 =	vmul.f32 v5, v1;
	v3 =	vadd.f32 v4, v3;
	v2 =	vadd.f32 v6, v2;
	_ =	sdelay $0x1  }
0x10b: {  	v3 =	vsub.f32 v3, v5;
	v2 =	vsub.f32 v2, v7  }
0x10c: {  	v4 =	vpop (erf)  }
0x10d: {  	v3 =	vmul.f32 v3, v4;
	v2 =	vmul.f32 v2, v4;
	_ =	sdelay $0x1  }
0x10e: {  	[tilespmem:s2+$0xFFFFFFE0] =	vst v3  }
0x10f: {  	[tilespmem:s2+$0xFFFFFFF0] =	vst v2  }
0x110: {  	v2 =	vld [tilespmem:s7+$0x0]  }
0x111: {  	v3 =	vld [tilespmem:s7+$0x10];
	_ =	sdelay $0x1  }
0x112: {  	v4 =	vld [tilespmem:s7+$0x20];
	_ =	sdelay $0x1  }
0x113: {  	v5 =	vunpack.i.u.bf16.f32 v2;
	v6 =	vld [tilespmem:s7+$0x30]  }
0x114: {  	v2 =	vunpack.i.l.bf16.f32 v2;
	v7 =	vunpack.i.u.bf16.f32 v3;
	v3 =	vunpack.i.l.bf16.f32 v3  }
0x115: {  	v2 =	vadd.f32 v3, v2;
	v3 =	vadd.f32 v7, v5;
	v5 =	vld [tilespmem:s7+$0x40]  }
0x116: {  	v7 =	vunpack.i.u.bf16.f32 v4;
	v4 =	vunpack.i.l.bf16.f32 v4  }
0x117: {  	v2 =	vadd.f32 v4, v2;
	v3 =	vadd.f32 v7, v3;
	v4 =	vld [tilespmem:s7+$0x50]  }
0x118: {  	v7 =	vunpack.i.u.bf16.f32 v6;
	v6 =	vunpack.i.l.bf16.f32 v6  }
0x119: {  	v2 =	vadd.f32 v6, v2;
	v3 =	vadd.f32 v7, v3;
	v6 =	vld [tilespmem:s7+$0x60]  }
0x11a: {  	v7 =	vunpack.i.u.bf16.f32 v5;
	v5 =	vunpack.i.l.bf16.f32 v5  }
0x11b: {  	v2 =	vadd.f32 v5, v2;
	v3 =	vadd.f32 v7, v3;
	v5 =	vld [tilespmem:s7+$0x70]  }
0x11c: {  	v7 =	vunpack.i.u.bf16.f32 v4;
	v4 =	vunpack.i.l.bf16.f32 v4  }
0x11d: {  	v2 =	vadd.f32 v4, v2;
	v3 =	vadd.f32 v7, v3;
	v4 =	vld [tilespmem:s7+$0x80]  }
0x11e: {  	v7 =	vunpack.i.u.bf16.f32 v6;
	v6 =	vunpack.i.l.bf16.f32 v6  }
0x11f: {  	v2 =	vadd.f32 v6, v2;
	v3 =	vadd.f32 v7, v3;
	v6 =	vld [tilespmem:s7+$0x90]  }
0x120: {  	v7 =	vunpack.i.u.bf16.f32 v5;
	v5 =	vunpack.i.l.bf16.f32 v5  }
0x121: {  	v2 =	vadd.f32 v5, v2;
	v3 =	vadd.f32 v7, v3;
	v5 =	vld [tilespmem:s7+$0xA0]  }
0x122: {  	v7 =	vunpack.i.u.bf16.f32 v4;
	v4 =	vunpack.i.l.bf16.f32 v4;
	v8 =	vld [tilespmem:s7+$0xC0]  }
0x123: {  	v2 =	vadd.f32 v4, v2;
	v3 =	vadd.f32 v7, v3;
	v4 =	vld [tilespmem:s7+$0xB0]  }
0x124: {  	v7 =	vld [tilespmem:s4+$0x4];
	v9 =	vunpack.i.u.bf16.f32 v6;
	v6 =	vunpack.i.l.bf16.f32 v6  }
0x125: {  	v10 =	vld [tilespmem:s4+$0x0];
	v2 =	vadd.f32 v6, v2;
	v3 =	vadd.f32 v9, v3  }
0x126: {  	v6 =	vunpack.i.u.bf16.f32 v5;
	v5 =	vunpack.i.l.bf16.f32 v5  }
0x127: {  	v2 =	vadd.f32 v5, v2;
	v3 =	vadd.f32 v6, v3;
	v5 =	vld [tilespmem:s7+$0xD0]  }
0x128: {  	v9 =	vunpack.i.l.bf16.f32 v8;
	v6 =	vunpack.i.u.bf16.f32 v4;
	v4 =	vunpack.i.l.bf16.f32 v4  }
0x129: {  	vm1 =	veq.s32 v7, $0x0;
	v2 =	vadd.f32 v4, v2;
	v3 =	vadd.f32 v6, v3;
	v4 =	vld [tilespmem:s7+$0xE0]  }
0x12a: {  	v6 =	vunpack.i.u.bf16.f32 v8;
	vm2 =	veq.s32 v10, $0x0;
	vm1 =	vmand vm1, vm0  }
0x12b: {  	v7 =	vmpcnt.ones.xlane vm1;
	v2 =	vadd.f32 v9, v2;
	v3 =	vadd.f32 v6, v3;
	v6 =	vld [tilespmem:s7+$0xF0]  }
0x12c: {  	v8 =	vmpcnt.ones.xlane vm2;
	v9 =	vunpack.i.u.bf16.f32 v5;
	v5 =	vunpack.i.l.bf16.f32 v5  }
0x12d: {  	v5 =	vadd.f32 v5, v2;
	v3 =	vadd.f32 v9, v3;
	v9 =	vld [tilespmem:s7+$0x100]  }
0x12e: {  	v2 =	vadd.s32 v8, v7;
	v7 =	vunpack.i.u.bf16.f32 v4;
	v4 =	vunpack.i.l.bf16.f32 v4  }
0x12f: {  	v2 =	vcvt.s32.f32 v2;
	v4 =	vadd.f32 v4, v5;
	v5 =	vadd.f32 v7, v3;
	v7 =	vld [tilespmem:s7+$0x110]  }
0x130: {  	v8 =	vunpack.i.u.bf16.f32 v6;
	v3 =	vunpack.i.l.bf16.f32 v6  }
0x131: {  	v6 =	vsub.f32 $2.000000000e+01, v2;
	v4 =	vadd.f32 v3, v4;
	v10 =	vld [tilespmem:s7+$0x120];
	v3 =	vmul.f32 v2, v1  }
0x132: {  	v5 =	vadd.f32 v8, v5;
	v8 =	vunpack.i.l.bf16.f32 v9  }
0x133: {  	v6 =	vmax.f32 v6, $1.000000000e+00;
	v9 =	vunpack.i.u.bf16.f32 v9;
	v4 =	vadd.f32 v8, v4;
	v8 =	vld [tilespmem:s7+$0x130]  }
0x134: {  	v5 =	vadd.f32 v9, v5;
	v9 =	vunpack.i.l.bf16.f32 v7;
	(erf) = vrcp.f32 v6  }
.Ltmp0:
0x135: {  	v6 =	vunpack.i.u.bf16.f32 v7;
	v4 =	vadd.f32 v9, v4;
	(pc) =	sbr.rel @p3 .LBB2_3-.Ltmp0, $4  }
0x136: {  	v5 =	vadd.f32 v6, v5;
	v6 =	vunpack.i.l.bf16.f32 v10  }
0x137: {  	v7 =	vunpack.i.u.bf16.f32 v10;
	v9 =	vadd.f32 v6, v4  }
0x138: {  	v4 =	vadd.f32 v7, v5;
	v6 =	vunpack.i.u.bf16.f32 v8;
	v5 =	vunpack.i.l.bf16.f32 v8  }
0x139: {  	s4 =	sadd.s32 $0x28, s4;
	v5 =	vadd.f32 v5, v9  }
0x13a: {  	v4 =	vadd.f32 v6, v4;
	_ =	sdelay $0x1  }
0x13b: {  	v2 =	vmul.f32 v2, v0  }
0x13c: {  	v3 =	vsub.f32 v5, v3  }
0x13d: {  	v2 =	vsub.f32 v4, v2;
	v4 =	vpop (erf)  }
0x13e: {  	v3 =	vmul.f32 v3, v4  }
0x13f: {  	v2 =	vmul.f32 v2, v4  }
0x140: {  	[tilespmem:s3+$0x0] =	vst v3  }
0x141: {  	s2 =	simm.s32 @!p2 $0x80;
	s4 =	simm.s32 @!p2 $0x2800;
	[tilespmem:s3+$0x10] =	vst v2;
	s3 =	simm.s32 @!p2 $0x1400  }
0x142: {  	[tilespmem:s4], [sflag:$0x1] =	stream.indirect.gather @!p2 [spmem:s1], $0x10, s3, s2, $0xb8;
	[tilespmem:$0x1CF20] =	vst v63  }
0x143: {  	s3 =	simm.s32 @!p2 $0x1480;
	s4 =	simm.s32 @!p2 $0x3000  }
0x144: {  	[tilespmem:s4], [sflag:$0x1] =	stream.indirect.gather @!p2 [spmem:s1], $0x10, s3, s2, $0xb8;
	[tilespmem:$0x1CF20] =	vst v63  }
0x145: {  	s3 =	simm.s32 @!p2 $0x1500;
	s4 =	simm.s32 @!p2 $0x3800  }
0x146: {  	[tilespmem:s4], [sflag:$0x1] =	stream.indirect.gather @!p2 [spmem:s1], $0x10, s3, s2, $0xb8;
	[tilespmem:$0x1CF20] =	vst v63  }
0x147: {  	s3 =	simm.s32 @!p2 $0x1580;
	s4 =	simm.s32 @!p2 $0x4000  }
0x148: {  	[tilespmem:s4], [sflag:$0x1] =	stream.indirect.gather @!p2 [spmem:s1], $0x10, s3, s2, $0xb8;
	[tilespmem:$0x1CF20] =	vst v63  }
0x149: {  	s3 =	simm.s32 @!p2 $0x1600;
	s4 =	simm.s32 @!p2 $0x4800  }
0x14a: {  	[tilespmem:s4], [sflag:$0x1] =	stream.indirect.gather @!p2 [spmem:s1], $0x10, s3, s2, $0xb8;
	[tilespmem:$0x1CF20] =	vst v63  }
0x14b: {  	s3 =	simm.s32 @!p2 $0x1680;
	s4 =	simm.s32 @!p2 $0x5000  }
0x14c: {  	[tilespmem:s4], [sflag:$0x1] =	stream.indirect.gather @!p2 [spmem:s1], $0x10, s3, s2, $0xb8;
	[tilespmem:$0x1CF20] =	vst v63  }
0x14d: {  	s3 =	simm.s32 @!p2 $0x1700;
	s4 =	simm.s32 @!p2 $0x5800  }
0x14e: {  	[tilespmem:s4], [sflag:$0x1] =	stream.indirect.gather @!p2 [spmem:s1], $0x10, s3, s2, $0xb8;
	[tilespmem:$0x1CF20] =	vst v63  }
0x14f: {  	s3 =	simm.s32 @!p2 $0x1780;
	s4 =	simm.s32 @!p2 $0x6000  }
0x150: {  	[tilespmem:s4], [sflag:$0x1] =	stream.indirect.gather @!p2 [spmem:s1], $0x10, s3, s2, $0xb8;
	[tilespmem:$0x1CF20] =	vst v63  }
0x151: {  	s3 =	simm.s32 @!p2 $0x1800;
	s4 =	simm.s32 @!p2 $0x6800  }
0x152: {  	[tilespmem:s4], [sflag:$0x1] =	stream.indirect.gather @!p2 [spmem:s1], $0x10, s3, s2, $0xb8;
	[tilespmem:$0x1CF20] =	vst v63  }
0x153: {  	s3 =	simm.s32 @!p2 $0x1880;
	s4 =	simm.s32 @!p2 $0x7000  }
0x154: {  	[tilespmem:s4], [sflag:$0x1] =	stream.indirect.gather @!p2 [spmem:s1], $0x10, s3, s2, $0xb8;
	[tilespmem:$0x1CF20] =	vst v63  }
0x155: {  	s3 =	simm.s32 @!p2 $0x1900;
	s4 =	simm.s32 @!p2 $0x7800  }
0x156: {  	[tilespmem:s4], [sflag:$0x1] =	stream.indirect.gather @!p2 [spmem:s1], $0x10, s3, s2, $0xb8;
	[tilespmem:$0x1CF20] =	vst v63  }
0x157: {  	s3 =	simm.s32 @!p2 $0x1980;
	s4 =	simm.s32 @!p2 $0x8000  }
0x158: {  	[tilespmem:s4], [sflag:$0x1] =	stream.indirect.gather @!p2 [spmem:s1], $0x10, s3, s2, $0xb8;
	[tilespmem:$0x1CF20] =	vst v63  }
0x159: {  	s3 =	simm.s32 @!p2 $0x1A00;
	s4 =	simm.s32 @!p2 $0x8800  }
0x15a: {  	[tilespmem:s4], [sflag:$0x1] =	stream.indirect.gather @!p2 [spmem:s1], $0x10, s3, s2, $0xb8;
	[tilespmem:$0x1CF20] =	vst v63  }
0x15b: {  	s3 =	simm.s32 @!p2 $0x1A80;
	s4 =	simm.s32 @!p2 $0x9000  }
0x15c: {  	[tilespmem:s4], [sflag:$0x1] =	stream.indirect.gather @!p2 [spmem:s1], $0x10, s3, s2, $0xb8;
	[tilespmem:$0x1CF20] =	vst v63  }
0x15d: {  	s3 =	simm.s32 @!p2 $0x1B00;
	s4 =	simm.s32 @!p2 $0x9800  }
0x15e: {  	[tilespmem:s4], [sflag:$0x1] =	stream.indirect.gather @!p2 [spmem:s1], $0x10, s3, s2, $0xb8;
	[tilespmem:$0x1CF20] =	vst v63  }
0x15f: {  	s3 =	simm.s32 @!p2 $0x1B80;
	s4 =	simm.s32 @!p2 $0xA000  }
0x160: {  	[tilespmem:s4], [sflag:$0x1] =	stream.indirect.gather @!p2 [spmem:s1], $0x10, s3, s2, $0xb8;
	[tilespmem:$0x1CF20] =	vst v63  }
0x161: {  	s3 =	simm.s32 @!p2 $0x1C00;
	s4 =	simm.s32 @!p2 $0xA800  }
0x162: {  	[tilespmem:s4], [sflag:$0x1] =	stream.indirect.gather @!p2 [spmem:s1], $0x10, s3, s2, $0xb8;
	[tilespmem:$0x1CF20] =	vst v63  }
0x163: {  	s3 =	simm.s32 @!p2 $0x1C80;
	s4 =	simm.s32 @!p2 $0xB000  }
0x164: {  	[tilespmem:s4], [sflag:$0x1] =	stream.indirect.gather @!p2 [spmem:s1], $0x10, s3, s2, $0xb8;
	[tilespmem:$0x1CF20] =	vst v63  }
0x165: {  	s3 =	simm.s32 @!p2 $0x1D00;
	s4 =	simm.s32 @!p2 $0xB800  }
0x166: {  	[tilespmem:s4], [sflag:$0x1] =	stream.indirect.gather @!p2 [spmem:s1], $0x10, s3, s2, $0xb8;
	[tilespmem:$0x1CF20] =	vst v63  }
0x167: {  	s3 =	simm.s32 @!p2 $0x1D80;
	s4 =	simm.s32 @!p2 $0xC000  }
0x168: {  	[tilespmem:s4], [sflag:$0x1] =	stream.indirect.gather @!p2 [spmem:s1], $0x10, s3, s2, $0xb8;
	[tilespmem:$0x1CF20] =	vst v63  }
0x169: {  	_ =	swait.ge [sflag:s26], $0xA000  }
0x16a: {  	[sflag:s26] =	ssyncset.done $0x0  }
0x16b: {  	s7 =	simm.s32 $0xC940;
	[sflag:s26] =	ssyncadd.s32 $0xFFFF6000  }
0x16c: {  	v2 =	vld [tilespmem:s7+$0xFFFFFEC0]  }
0x16d: {  	v3 =	vld [tilespmem:s7+$0xFFFFFED0];
	_ =	sdelay $0x1  }
0x16e: {  	v4 =	vld [tilespmem:s7+$0xFFFFFEE0];
	_ =	sdelay $0x1  }
0x16f: {  	v5 =	vld [tilespmem:s7+$0xFFFFFEF0]  }
0x170: {  	v6 =	vunpack.i.l.bf16.f32 v2;
	v7 =	vunpack.i.l.bf16.f32 v3  }
0x171: {  	v8 =	vld [tilespmem:s7+$0xFFFFFF00];
	v2 =	vunpack.i.u.bf16.f32 v2;
	v3 =	vunpack.i.u.bf16.f32 v3;
	v6 =	vadd.f32 v7, v6  }
0x172: {  	v2 =	vadd.f32 v3, v2;
	v3 =	vunpack.i.l.bf16.f32 v4  }
0x173: {  	v7 =	vld [tilespmem:s7+$0xFFFFFF10];
	v4 =	vunpack.i.u.bf16.f32 v4;
	v3 =	vadd.f32 v3, v6  }
0x174: {  	v2 =	vadd.f32 v4, v2;
	v4 =	vunpack.i.l.bf16.f32 v5  }
0x175: {  	v6 =	vld [tilespmem:s7+$0xFFFFFF20];
	v5 =	vunpack.i.u.bf16.f32 v5;
	v3 =	vadd.f32 v4, v3  }
0x176: {  	v2 =	vadd.f32 v5, v2;
	v4 =	vunpack.i.l.bf16.f32 v8  }
0x177: {  	v5 =	vld [tilespmem:s7+$0xFFFFFF30];
	v8 =	vunpack.i.u.bf16.f32 v8;
	v3 =	vadd.f32 v4, v3  }
0x178: {  	v2 =	vadd.f32 v8, v2;
	v4 =	vunpack.i.l.bf16.f32 v7  }
0x179: {  	v8 =	vld [tilespmem:s7+$0xFFFFFF40];
	v7 =	vunpack.i.u.bf16.f32 v7;
	v3 =	vadd.f32 v4, v3  }
0x17a: {  	v2 =	vadd.f32 v7, v2;
	v4 =	vunpack.i.l.bf16.f32 v6  }
0x17b: {  	v7 =	vld [tilespmem:s7+$0xFFFFFF50];
	v6 =	vunpack.i.u.bf16.f32 v6;
	v3 =	vadd.f32 v4, v3  }
0x17c: {  	v2 =	vadd.f32 v6, v2;
	v4 =	vunpack.i.l.bf16.f32 v5  }
0x17d: {  	s8 =	sadd.s32 $0xA18, s5;
	v6 =	vld [tilespmem:s7+$0xFFFFFF60];
	v5 =	vunpack.i.u.bf16.f32 v5;
	v3 =	vadd.f32 v4, v3  }
0x17e: {  	v4 =	vld [tilespmem:s8+$0xFFFFFFE8];
	v2 =	vadd.f32 v5, v2;
	v5 =	vunpack.i.l.bf16.f32 v8  }
0x17f: {  	v9 =	vld [tilespmem:s7+$0xFFFFFF70];
	v8 =	vunpack.i.u.bf16.f32 v8;
	v3 =	vadd.f32 v5, v3  }
0x180: {  	v5 =	vld [tilespmem:s8+$0xFFFFFFEC];
	v2 =	vadd.f32 v8, v2;
	v8 =	vunpack.i.l.bf16.f32 v7  }
0x181: {  	v10 =	vld [tilespmem:s7+$0xFFFFFF80];
	v7 =	vunpack.i.u.bf16.f32 v7;
	v3 =	vadd.f32 v8, v3  }
0x182: {  	v2 =	vadd.f32 v7, v2;
	v7 =	vunpack.i.l.bf16.f32 v6  }
0x183: {  	vm1 =	veq.s32 v4, $0x0;
	v4 =	vunpack.i.u.bf16.f32 v6;
	v6 =	vld [tilespmem:s7+$0xFFFFFF90];
	v3 =	vadd.f32 v7, v3  }
0x184: {  	v7 =	vmpcnt.ones.xlane vm1;
	v2 =	vadd.f32 v4, v2;
	v4 =	vunpack.i.l.bf16.f32 v9  }
0x185: {  	vm1 =	veq.s32 v5, $0x0;
	v5 =	vunpack.i.u.bf16.f32 v9;
	v3 =	vadd.f32 v4, v3;
	v4 =	vld [tilespmem:s7+$0xFFFFFFA0]  }
0x186: {  	vm1 =	vmand vm1, vm0;
	v2 =	vadd.f32 v5, v2;
	v5 =	vunpack.i.l.bf16.f32 v10  }
0x187: {  	v50 =	vunpack.i.u.bf16.f32 v10;
	v8 =	vmpcnt.ones.xlane vm1;
	v3 =	vadd.f32 v5, v3;
	v5 =	vld [tilespmem:s7+$0xFFFFFFB0]  }
0x188: {  	v2 =	vadd.f32 v50, v2;
	v51 =	vunpack.i.l.bf16.f32 v6  }
0x189: {  	v6 =	vunpack.i.u.bf16.f32 v6;
	v7 =	vadd.s32 v7, v8;
	v8 =	vld [tilespmem:s7+$0xFFFFFFC0];
	v3 =	vadd.f32 v51, v3  }
0x18a: {  	v2 =	vadd.f32 v6, v2;
	v6 =	vunpack.i.l.bf16.f32 v4  }
0x18b: {  	v7 =	vcvt.s32.f32 v7;
	v4 =	vunpack.i.u.bf16.f32 v4;
	v3 =	vadd.f32 v6, v3;
	v6 =	vld [tilespmem:s7+$0xFFFFFFD0]  }
0x18c: {  	v2 =	vadd.f32 v4, v2;
	v4 =	vunpack.i.l.bf16.f32 v5  }
0x18d: {  	v52 =	vsub.f32 $2.000000000e+01, v7;
	v5 =	vunpack.i.u.bf16.f32 v5;
	v3 =	vadd.f32 v4, v3;
	v4 =	vld [tilespmem:s7+$0xFFFFFFE0]  }
0x18e: {  	v2 =	vadd.f32 v5, v2;
	v5 =	vunpack.i.l.bf16.f32 v8  }
0x18f: {  	v9 =	vmax.f32 v52, $1.000000000e+00;
	v8 =	vunpack.i.u.bf16.f32 v8;
	v3 =	vadd.f32 v5, v3;
	v5 =	vld [tilespmem:s7+$0xFFFFFFF0]  }
0x190: {  	(erf) = vrcp.f32 v9;
	v2 =	vadd.f32 v8, v2;
	v8 =	vunpack.i.l.bf16.f32 v6  }
0x191: {  	v6 =	vunpack.i.u.bf16.f32 v6;
	v3 =	vadd.f32 v8, v3  }
0x192: {  	v2 =	vadd.f32 v6, v2;
	v6 =	vunpack.i.l.bf16.f32 v4  }
0x193: {  	v4 =	vunpack.i.u.bf16.f32 v4;
	v3 =	vadd.f32 v6, v3  }
0x194: {  	v2 =	vadd.f32 v4, v2;
	v4 =	vunpack.i.l.bf16.f32 v5  }
0x195: {  	v3 =	vadd.f32 v4, v3;
	v4 =	vmul.f32 v7, v1  }
0x196: {  	v5 =	vunpack.i.u.bf16.f32 v5  }
0x197: {  	v6 =	vmul.f32 v7, v0;
	v2 =	vadd.f32 v5, v2  }
0x198: {  	v3 =	vsub.f32 v3, v4  }
0x199: {  	v2 =	vsub.f32 v2, v6;
	v4 =	vpop (erf)  }
0x19a: {  	v3 =	vmul.f32 v3, v4  }
0x19b: {  	s2 =	sadd.s32 $0x17830, s6;
	v2 =	vmul.f32 v2, v4  }
0x19c: {  	[tilespmem:s2+$0xFFFFFFD0] =	vst v3  }
0x19d: {  	[tilespmem:s2+$0xFFFFFFE0] =	vst v2  }
0x19e: {  	v2 =	vld [tilespmem:s7+$0x0]  }
0x19f: {  	v3 =	vld [tilespmem:s7+$0x10];
	_ =	sdelay $0x1  }
0x1a0: {  	v4 =	vld [tilespmem:s7+$0x20];
	_ =	sdelay $0x1  }
0x1a1: {  	v5 =	vld [tilespmem:s7+$0x30]  }
0x1a2: {  	v6 =	vunpack.i.l.bf16.f32 v2;
	v7 =	vunpack.i.l.bf16.f32 v3  }
0x1a3: {  	v6 =	vadd.f32 v7, v6;
	v7 =	vld [tilespmem:s7+$0x40]  }
0x1a4: {  	v2 =	vunpack.i.u.bf16.f32 v2;
	v3 =	vunpack.i.u.bf16.f32 v3;
	v8 =	vunpack.i.l.bf16.f32 v4  }
0x1a5: {  	v2 =	vadd.f32 v3, v2;
	v3 =	vadd.f32 v8, v6;
	v6 =	vld [tilespmem:s7+$0x50]  }
0x1a6: {  	v4 =	vunpack.i.u.bf16.f32 v4;
	v8 =	vunpack.i.l.bf16.f32 v5  }
0x1a7: {  	v2 =	vadd.f32 v4, v2;
	v4 =	vld [tilespmem:s7+$0x60];
	v3 =	vadd.f32 v8, v3  }
0x1a8: {  	v5 =	vunpack.i.u.bf16.f32 v5;
	v8 =	vunpack.i.l.bf16.f32 v7  }
0x1a9: {  	v2 =	vadd.f32 v5, v2;
	v5 =	vld [tilespmem:s7+$0x70];
	v3 =	vadd.f32 v8, v3  }
0x1aa: {  	v7 =	vunpack.i.u.bf16.f32 v7;
	v8 =	vunpack.i.l.bf16.f32 v6  }
0x1ab: {  	v2 =	vadd.f32 v7, v2;
	v7 =	vld [tilespmem:s7+$0x80];
	v3 =	vadd.f32 v8, v3  }
0x1ac: {  	v6 =	vunpack.i.u.bf16.f32 v6;
	v8 =	vunpack.i.l.bf16.f32 v4  }
0x1ad: {  	v2 =	vadd.f32 v6, v2;
	v6 =	vld [tilespmem:s7+$0x90];
	v3 =	vadd.f32 v8, v3  }
0x1ae: {  	v4 =	vunpack.i.u.bf16.f32 v4;
	v8 =	vunpack.i.l.bf16.f32 v5  }
0x1af: {  	v2 =	vadd.f32 v4, v2;
	v4 =	vld [tilespmem:s7+$0xA0];
	v3 =	vadd.f32 v8, v3  }
0x1b0: {  	v5 =	vunpack.i.u.bf16.f32 v5;
	v8 =	vunpack.i.l.bf16.f32 v7  }
0x1b1: {  	v2 =	vadd.f32 v5, v2;
	v5 =	vld [tilespmem:s7+$0xB0];
	v3 =	vadd.f32 v8, v3  }
0x1b2: {  	v54 =	vld [tilespmem:s8+$0xFFFFFFFC];
	v7 =	vunpack.i.u.bf16.f32 v7;
	v53 =	vunpack.i.l.bf16.f32 v6  }
0x1b3: {  	v8 =	vld [tilespmem:s7+$0xC0];
	v2 =	vadd.f32 v7, v2;
	v3 =	vadd.f32 v53, v3  }
0x1b4: {  	v6 =	vunpack.i.u.bf16.f32 v6;
	v7 =	vld [tilespmem:s8+$0x0];
	v55 =	vunpack.i.l.bf16.f32 v4  }
0x1b5: {  	v2 =	vadd.f32 v6, v2;
	v6 =	vld [tilespmem:s7+$0xD0];
	v3 =	vadd.f32 v55, v3  }
0x1b6: {  	v4 =	vunpack.i.u.bf16.f32 v4;
	v56 =	vunpack.i.l.bf16.f32 v5  }
0x1b7: {  	v2 =	vadd.f32 v4, v2;
	v4 =	vld [tilespmem:s7+$0xE0];
	v3 =	vadd.f32 v56, v3  }
0x1b8: {  	vm2 =	veq.s32 v54, $0x0;
	v5 =	vunpack.i.u.bf16.f32 v5;
	v57 =	vunpack.i.l.bf16.f32 v8  }
0x1b9: {  	v59 =	vmpcnt.ones.xlane vm2;
	v2 =	vadd.f32 v5, v2;
	v5 =	vld [tilespmem:s7+$0xF0];
	v3 =	vadd.f32 v57, v3  }
0x1ba: {  	vm1 =	veq.s32 v7, $0x0;
	v7 =	vunpack.i.u.bf16.f32 v8;
	v8 =	vunpack.i.l.bf16.f32 v6  }
0x1bb: {  	vm1 =	vmand vm1, vm0;
	v2 =	vadd.f32 v7, v2;
	v7 =	vld [tilespmem:s7+$0x100];
	v3 =	vadd.f32 v8, v3  }
0x1bc: {  	v6 =	vunpack.i.u.bf16.f32 v6;
	v58 =	vunpack.i.l.bf16.f32 v4;
	v8 =	vmpcnt.ones.xlane vm1  }
0x1bd: {  	v2 =	vadd.f32 v6, v2;
	v3 =	vadd.f32 v58, v3  }
0x1be: {  	v4 =	vunpack.i.u.bf16.f32 v4;
	v60 =	vunpack.i.l.bf16.f32 v5;
	v8 =	vadd.s32 v59, v8  }
0x1bf: {  	v6 =	vld [tilespmem:s7+$0x110];
	v4 =	vadd.f32 v4, v2;
	v2 =	vcvt.s32.f32 v8;
	v3 =	vadd.f32 v60, v3  }
0x1c0: {  	v8 =	vunpack.i.l.bf16.f32 v7  }
0x1c1: {  	v61 =	vld [tilespmem:s7+$0x120];
	v3 =	vadd.f32 v8, v3;
	v8 =	vsub.f32 $2.000000000e+01, v2  }
0x1c2: {  	v5 =	vunpack.i.u.bf16.f32 v5  }
0x1c3: {  	v4 =	vadd.f32 v5, v4;
	v5 =	vld [tilespmem:s7+$0x130];
	v8 =	vmax.f32 v8, $1.000000000e+00  }
0x1c4: {  	v7 =	vunpack.i.u.bf16.f32 v7;
	v62 =	vunpack.i.l.bf16.f32 v6;
	(erf) = vrcp.f32 v8  }
0x1c5: {  	v4 =	vadd.f32 v7, v4;
	v7 =	vadd.f32 v62, v3  }
0x1c6: {  	v63 =	vunpack.i.l.bf16.f32 v61;
	v6 =	vunpack.i.u.bf16.f32 v6  }
0x1c7: {  	v4 =	vadd.f32 v6, v4;
	v7 =	vadd.f32 v63, v7  }
0x1c8: {  	v3 =	vmul.f32 v2, v1;
	v6 =	vunpack.i.u.bf16.f32 v61;
	v8 =	vunpack.i.l.bf16.f32 v5  }
0x1c9: {  	s5 =	simm.s32 $0x0;
	s4 =	sadd.s32 $0x28, s8;
	s3 =	smov.u32 s2;
	v4 =	vadd.f32 v6, v4;
	v6 =	vunpack.i.u.bf16.f32 v5;
	v5 =	vadd.f32 v8, v7  }
.LBB2_5:
0x1ca: {  	s5 =	sadd.s32 $0x2, s5;
	s7 =	sadd.s32 $0x280, s7;
	s2 =	sadd.s32 $0x40, s2  }
0x1cb: {  	v6 =	vadd.f32 v6, v4;
	v2 =	vmul.f32 v2, v0;
	p2 =	slt.u32 s5, $0x7E  }
0x1cc: {  	v3 =	vsub.f32 v5, v3  }
0x1cd: {  	v2 =	vsub.f32 v6, v2;
	v4 =	vpop (erf)  }
0x1ce: {  	v3 =	vmul.f32 v3, v4  }
0x1cf: {  	v2 =	vmul.f32 v2, v4  }
0x1d0: {  	[tilespmem:s3+$0xFFFFFFF0] =	vst v3  }
0x1d1: {  	[tilespmem:s3+$0x0] =	vst v2;
	s3 =	smov.u32 s2  }
0x1d2: {  	v2 =	vld [tilespmem:s7+$0xFFFFFEC0]  }
0x1d3: {  	v3 =	vld [tilespmem:s7+$0xFFFFFED0]  }
0x1d4: {  	v4 =	vld [tilespmem:s7+$0xFFFFFEF0]  }
0x1d5: {  	v5 =	vld [tilespmem:s7+$0xFFFFFEE0]  }
0x1d6: {  	v6 =	vld [tilespmem:s7+$0xFFFFFF00]  }
0x1d7: {  	v7 =	vunpack.i.l.bf16.f32 v2  }
0x1d8: {  	v2 =	vunpack.i.u.bf16.f32 v2;
	v8 =	vunpack.i.u.bf16.f32 v3;
	v3 =	vunpack.i.l.bf16.f32 v3;
	v9 =	vld [tilespmem:s7+$0xFFFFFF10]  }
0x1d9: {  	v3 =	vadd.f32 v3, v7;
	v2 =	vadd.f32 v8, v2  }
0x1da: {  	v7 =	vunpack.i.u.bf16.f32 v5;
	v5 =	vunpack.i.l.bf16.f32 v5;
	v8 =	vld [tilespmem:s7+$0xFFFFFF20]  }
0x1db: {  	v3 =	vadd.f32 v5, v3;
	v2 =	vadd.f32 v7, v2  }
0x1dc: {  	v5 =	vunpack.i.u.bf16.f32 v4;
	v4 =	vunpack.i.l.bf16.f32 v4;
	v7 =	vld [tilespmem:s7+$0xFFFFFF30]  }
0x1dd: {  	v3 =	vadd.f32 v4, v3;
	v2 =	vadd.f32 v5, v2  }
0x1de: {  	v4 =	vunpack.i.u.bf16.f32 v6;
	v5 =	vunpack.i.l.bf16.f32 v6;
	v6 =	vld [tilespmem:s7+$0xFFFFFF40]  }
0x1df: {  	v3 =	vadd.f32 v5, v3;
	v2 =	vadd.f32 v4, v2  }
0x1e0: {  	v4 =	vunpack.i.u.bf16.f32 v9;
	v5 =	vunpack.i.l.bf16.f32 v9;
	v9 =	vld [tilespmem:s7+$0xFFFFFF50]  }
0x1e1: {  	v3 =	vadd.f32 v5, v3;
	v2 =	vadd.f32 v4, v2  }
0x1e2: {  	v4 =	vunpack.i.u.bf16.f32 v8;
	v5 =	vunpack.i.l.bf16.f32 v8;
	v8 =	vld [tilespmem:s7+$0xFFFFFF60]  }
0x1e3: {  	v10 =	vld [tilespmem:s4+$0xFFFFFFE8];
	v3 =	vadd.f32 v5, v3;
	v2 =	vadd.f32 v4, v2  }
0x1e4: {  	v4 =	vunpack.i.u.bf16.f32 v7;
	v5 =	vunpack.i.l.bf16.f32 v7;
	v7 =	vld [tilespmem:s7+$0xFFFFFF70]  }
0x1e5: {  	v11 =	vld [tilespmem:s4+$0xFFFFFFEC];
	v3 =	vadd.f32 v5, v3;
	v2 =	vadd.f32 v4, v2  }
0x1e6: {  	v4 =	vunpack.i.u.bf16.f32 v6;
	v5 =	vunpack.i.l.bf16.f32 v6;
	v6 =	vld [tilespmem:s7+$0xFFFFFF80]  }
0x1e7: {  	v3 =	vadd.f32 v5, v3;
	v2 =	vadd.f32 v4, v2  }
0x1e8: {  	v4 =	vunpack.i.u.bf16.f32 v9;
	v5 =	vunpack.i.l.bf16.f32 v9;
	vm1 =	veq.s32 v10, $0x0  }
0x1e9: {  	v9 =	vmpcnt.ones.xlane vm1;
	v3 =	vadd.f32 v5, v3;
	v2 =	vadd.f32 v4, v2  }
0x1ea: {  	v4 =	vunpack.i.u.bf16.f32 v8;
	v5 =	vunpack.i.l.bf16.f32 v8;
	vm1 =	veq.s32 v11, $0x0  }
0x1eb: {  	vm1 =	vmand vm1, vm0;
	v3 =	vadd.f32 v5, v3;
	v2 =	vadd.f32 v4, v2;
	v4 =	vld [tilespmem:s7+$0xFFFFFF90]  }
0x1ec: {  	v8 =	vunpack.i.u.bf16.f32 v7;
	v7 =	vunpack.i.l.bf16.f32 v7;
	v5 =	vmpcnt.ones.xlane vm1  }
0x1ed: {  	v3 =	vadd.f32 v7, v3;
	v2 =	vadd.f32 v8, v2;
	v7 =	vld [tilespmem:s7+$0xFFFFFFA0]  }
0x1ee: {  	v8 =	vunpack.i.u.bf16.f32 v6;
	v6 =	vunpack.i.l.bf16.f32 v6;
	v5 =	vadd.s32 v9, v5  }
0x1ef: {  	v5 =	vcvt.s32.f32 v5;
	v3 =	vadd.f32 v6, v3;
	v2 =	vadd.f32 v8, v2;
	v6 =	vld [tilespmem:s7+$0xFFFFFFB0]  }
0x1f0: {  	v8 =	vunpack.i.u.bf16.f32 v4;
	v4 =	vunpack.i.l.bf16.f32 v4  }
0x1f1: {  	v3 =	vadd.f32 v4, v3;
	v2 =	vadd.f32 v8, v2;
	v4 =	vld [tilespmem:s7+$0xFFFFFFC0]  }
0x1f2: {  	v8 =	vsub.f32 $2.000000000e+01, v5;
	v9 =	vunpack.i.u.bf16.f32 v7;
	v7 =	vunpack.i.l.bf16.f32 v7  }
0x1f3: {  	v3 =	vadd.f32 v7, v3;
	v2 =	vadd.f32 v9, v2;
	v7 =	vld [tilespmem:s7+$0xFFFFFFD0]  }
0x1f4: {  	v8 =	vmax.f32 v8, $1.000000000e+00;
	v9 =	vunpack.i.u.bf16.f32 v6;
	v6 =	vunpack.i.l.bf16.f32 v6  }
0x1f5: {  	v3 =	vadd.f32 v6, v3;
	v2 =	vadd.f32 v9, v2;
	v6 =	vld [tilespmem:s7+$0xFFFFFFE0]  }
0x1f6: {  	v9 =	vunpack.i.u.bf16.f32 v4;
	v4 =	vunpack.i.l.bf16.f32 v4  }
0x1f7: {  	v3 =	vadd.f32 v4, v3;
	v2 =	vadd.f32 v9, v2;
	v4 =	vld [tilespmem:s7+$0xFFFFFFF0];
	(erf) = vrcp.f32 v8  }
0x1f8: {  	v8 =	vunpack.i.u.bf16.f32 v7;
	v7 =	vunpack.i.l.bf16.f32 v7  }
0x1f9: {  	v3 =	vadd.f32 v7, v3;
	v2 =	vadd.f32 v8, v2  }
0x1fa: {  	v7 =	vunpack.i.u.bf16.f32 v6;
	v6 =	vunpack.i.l.bf16.f32 v6  }
0x1fb: {  	v3 =	vadd.f32 v6, v3;
	v2 =	vadd.f32 v7, v2  }
0x1fc: {  	v7 =	vmul.f32 v5, v0;
	v6 =	vunpack.i.u.bf16.f32 v4;
	v4 =	vunpack.i.l.bf16.f32 v4  }
0x1fd: {  	v5 =	vmul.f32 v5, v1;
	v3 =	vadd.f32 v4, v3;
	v2 =	vadd.f32 v6, v2;
	_ =	sdelay $0x1  }
0x1fe: {  	v3 =	vsub.f32 v3, v5;
	v2 =	vsub.f32 v2, v7  }
0x1ff: {  	v4 =	vpop (erf)  }
0x200: {  	v3 =	vmul.f32 v3, v4;
	v2 =	vmul.f32 v2, v4;
	_ =	sdelay $0x1  }
0x201: {  	[tilespmem:s2+$0xFFFFFFD0] =	vst v3  }
0x202: {  	[tilespmem:s2+$0xFFFFFFE0] =	vst v2  }
0x203: {  	v2 =	vld [tilespmem:s7+$0x0]  }
0x204: {  	v3 =	vld [tilespmem:s7+$0x10];
	_ =	sdelay $0x1  }
0x205: {  	v4 =	vld [tilespmem:s7+$0x20];
	_ =	sdelay $0x1  }
0x206: {  	v5 =	vunpack.i.u.bf16.f32 v2;
	v6 =	vld [tilespmem:s7+$0x30]  }
0x207: {  	v2 =	vunpack.i.l.bf16.f32 v2;
	v7 =	vunpack.i.u.bf16.f32 v3;
	v3 =	vunpack.i.l.bf16.f32 v3  }
0x208: {  	v2 =	vadd.f32 v3, v2;
	v3 =	vadd.f32 v7, v5;
	v5 =	vld [tilespmem:s7+$0x40]  }
0x209: {  	v7 =	vunpack.i.u.bf16.f32 v4;
	v4 =	vunpack.i.l.bf16.f32 v4  }
0x20a: {  	v2 =	vadd.f32 v4, v2;
	v3 =	vadd.f32 v7, v3;
	v4 =	vld [tilespmem:s7+$0x50]  }
0x20b: {  	v7 =	vunpack.i.u.bf16.f32 v6;
	v6 =	vunpack.i.l.bf16.f32 v6  }
0x20c: {  	v2 =	vadd.f32 v6, v2;
	v3 =	vadd.f32 v7, v3;
	v6 =	vld [tilespmem:s7+$0x60]  }
0x20d: {  	v7 =	vunpack.i.u.bf16.f32 v5;
	v5 =	vunpack.i.l.bf16.f32 v5  }
0x20e: {  	v2 =	vadd.f32 v5, v2;
	v3 =	vadd.f32 v7, v3;
	v5 =	vld [tilespmem:s7+$0x70]  }
0x20f: {  	v7 =	vunpack.i.u.bf16.f32 v4;
	v4 =	vunpack.i.l.bf16.f32 v4  }
0x210: {  	v2 =	vadd.f32 v4, v2;
	v3 =	vadd.f32 v7, v3;
	v4 =	vld [tilespmem:s7+$0x80]  }
0x211: {  	v7 =	vunpack.i.u.bf16.f32 v6;
	v6 =	vunpack.i.l.bf16.f32 v6  }
0x212: {  	v2 =	vadd.f32 v6, v2;
	v3 =	vadd.f32 v7, v3;
	v6 =	vld [tilespmem:s7+$0x90]  }
0x213: {  	v7 =	vunpack.i.u.bf16.f32 v5;
	v5 =	vunpack.i.l.bf16.f32 v5  }
0x214: {  	v2 =	vadd.f32 v5, v2;
	v3 =	vadd.f32 v7, v3;
	v5 =	vld [tilespmem:s7+$0xA0]  }
0x215: {  	v7 =	vunpack.i.u.bf16.f32 v4;
	v4 =	vunpack.i.l.bf16.f32 v4;
	v8 =	vld [tilespmem:s7+$0xC0]  }
0x216: {  	v2 =	vadd.f32 v4, v2;
	v3 =	vadd.f32 v7, v3;
	v4 =	vld [tilespmem:s7+$0xB0]  }
0x217: {  	v7 =	vld [tilespmem:s4+$0x0];
	v9 =	vunpack.i.u.bf16.f32 v6;
	v6 =	vunpack.i.l.bf16.f32 v6  }
0x218: {  	v10 =	vld [tilespmem:s4+$0xFFFFFFFC];
	v2 =	vadd.f32 v6, v2;
	v3 =	vadd.f32 v9, v3  }
0x219: {  	v6 =	vunpack.i.u.bf16.f32 v5;
	v5 =	vunpack.i.l.bf16.f32 v5  }
0x21a: {  	v2 =	vadd.f32 v5, v2;
	v3 =	vadd.f32 v6, v3;
	v5 =	vld [tilespmem:s7+$0xD0]  }
0x21b: {  	v9 =	vunpack.i.l.bf16.f32 v8;
	v6 =	vunpack.i.u.bf16.f32 v4;
	v4 =	vunpack.i.l.bf16.f32 v4  }
0x21c: {  	vm1 =	veq.s32 v7, $0x0;
	v2 =	vadd.f32 v4, v2;
	v3 =	vadd.f32 v6, v3;
	v4 =	vld [tilespmem:s7+$0xE0]  }
0x21d: {  	v6 =	vunpack.i.u.bf16.f32 v8;
	vm2 =	veq.s32 v10, $0x0;
	vm1 =	vmand vm1, vm0  }
0x21e: {  	v7 =	vmpcnt.ones.xlane vm1;
	v2 =	vadd.f32 v9, v2;
	v3 =	vadd.f32 v6, v3;
	v6 =	vld [tilespmem:s7+$0xF0]  }
0x21f: {  	v8 =	vmpcnt.ones.xlane vm2;
	v9 =	vunpack.i.u.bf16.f32 v5;
	v5 =	vunpack.i.l.bf16.f32 v5  }
0x220: {  	v5 =	vadd.f32 v5, v2;
	v3 =	vadd.f32 v9, v3;
	v9 =	vld [tilespmem:s7+$0x100]  }
0x221: {  	v2 =	vadd.s32 v8, v7;
	v7 =	vunpack.i.u.bf16.f32 v4;
	v4 =	vunpack.i.l.bf16.f32 v4  }
0x222: {  	v2 =	vcvt.s32.f32 v2;
	v4 =	vadd.f32 v4, v5;
	v5 =	vadd.f32 v7, v3;
	v7 =	vld [tilespmem:s7+$0x110]  }
0x223: {  	v8 =	vunpack.i.u.bf16.f32 v6;
	v3 =	vunpack.i.l.bf16.f32 v6  }
0x224: {  	v6 =	vsub.f32 $2.000000000e+01, v2;
	v4 =	vadd.f32 v3, v4;
	v10 =	vld [tilespmem:s7+$0x120];
	v3 =	vmul.f32 v2, v1  }
0x225: {  	v5 =	vadd.f32 v8, v5;
	v8 =	vunpack.i.l.bf16.f32 v9  }
0x226: {  	v6 =	vmax.f32 v6, $1.000000000e+00;
	v9 =	vunpack.i.u.bf16.f32 v9;
	v4 =	vadd.f32 v8, v4;
	v8 =	vld [tilespmem:s7+$0x130]  }
0x227: {  	v5 =	vadd.f32 v9, v5;
	v9 =	vunpack.i.l.bf16.f32 v7;
	(erf) = vrcp.f32 v6  }
.Ltmp1:
0x228: {  	v6 =	vunpack.i.u.bf16.f32 v7;
	v4 =	vadd.f32 v9, v4;
	(pc) =	sbr.rel @p2 .LBB2_5-.Ltmp1, $4  }
0x229: {  	v5 =	vadd.f32 v6, v5;
	v6 =	vunpack.i.l.bf16.f32 v10  }
0x22a: {  	v7 =	vunpack.i.u.bf16.f32 v10;
	v9 =	vadd.f32 v6, v4  }
0x22b: {  	v4 =	vadd.f32 v7, v5;
	v6 =	vunpack.i.u.bf16.f32 v8;
	v5 =	vunpack.i.l.bf16.f32 v8  }
0x22c: {  	s4 =	sadd.s32 $0x28, s4;
	v5 =	vadd.f32 v5, v9  }
0x22d: {  	_ = 	snop  }
0x22e: {  	v4 =	vadd.f32 v6, v4;
	v2 =	vmul.f32 v2, v0  }
0x22f: {  	v3 =	vsub.f32 v5, v3  }
.Ltmp2:
0x230: {  	v2 =	vsub.f32 v4, v2;
	v63 =	vpop (erf);
	(pc) =	sbr.rel @p1 .LBB2_2-.Ltmp2, $4  }
0x231: {  	v3 =	vmul.f32 v3, v63  }
0x232: {  	v2 =	vmul.f32 v2, v63  }
0x233: {  	[tilespmem:s3+$0xFFFFFFF0] =	vst v3  }
0x234: {  	s2 =	simm.s32 $0x1;
	p3 =	por $0x0, $0x0;
	p2 =	por $0x1, $0x1;
	[tilespmem:s3+$0x0] =	vst v2  }
0x235: {  	s7 =	simm.s32 $0x0  }
0x236: {  	s2 =	rddreg [dreg:$0x6];
	s3 =	simm.s32 $0x16800;
	s5 =	simm.s32 $0x3  }
0x237: {  	[hbm4b:s2+s7] =	stream.linear.scatter [tilespmem:s3], [sflag:$0x3], $0x4000, $0x38;
	[tilespmem:$0x1CF20] =	vst v63  }
0x238: {  	_ =	swait.ge [sflag:s5], $0x4000  }
0x239: {  	s6 =	rddreg [dreg:$0x9]  }
0x23a: {  	s8 =	rddreg [dreg:$0x7];
	s3 =	sadd.s32 $0x1, s6  }
0x23b: {  	p1 =	sne.s32 s3, s8  }
.Ltmp3:
0x23c: {  	_ = 	snop;
	(pc) =	sbr.rel @p1 .LBB2_1-.Ltmp3, $3  }
0x23d: {  	_ =	sdelay $0x1  }
0x23e: {  	[sflag:s5] =	ssyncset.done $0x0  }
0x23f: {  	[sflag:s5] =	ssyncadd.s32 $0xFFFFC000  }
0x240: {  	_ =	sfence.sel $0x180000  }
0x241: {  	[bflag:$0x0] =	sbarrier.arrive $0xFFFF  }
0x242: {  	_ =	strace $0x90000047  }
0x243: {  	[bflag:$0x2] =	sbarrier.arrive $0xFFFF  }
0x244: {  	s0 =	rddreg [dreg:$0x3]  }
0x245: {  	s0 =	sadd.s32 @!p0 $0x100000, s0  }
0x246: {  	[sflag:s0] =	ssyncadd.tile.s32 @!p0 $0x1;
	_ =	shalt  }
.Lfunc_end2:
_tile_overlayer_lowered:
.L_overlay_start_2:
0x247: {  	(tag) =	ssettag $0x2  }
0x248: {  	s0 =	rddreg [dreg:$0x0];
	s2 =	stileid.u32  }
0x249: {  	s1 =	rddreg [dreg:$0x1];
	p0 =	sne.s32 s2, $0x0  }
0x24a: {  	s3 =	rddreg [dreg:$0x2];
	[bflag:$0x3] =	sbarrier.arrive $0xFFFF;
	s2 =	simm.s32 @!p0 $0x1C03  }
0x24b: {  	[timem:s3], [sflag:s2] =	dma.local @!p0 [hbm:s0], s1  }
0x24c: {  	s0 =	simm.s32 @!p0 $0x3  }
0x24d: {  	_ =	swait.ge @!p0 [sflag:s0], s1  }
0x24e: {  	s1 =	ssub.s32 @!p0 $0x0, s1;
	[sflag:s0] =	ssyncset.done @!p0 $0x0  }
0x24f: {  	[sflag:s0] =	ssyncadd.s32 @!p0 s1  }
0x250: {  	[bflag:$0x3] =	sbarrier.arrive $0xFFFF  }
0x251: {  	_ =	shalt  }

// kernel: kernel.7.cloned.1.call-start
scs
__scs_entry_jumppad:
0x0: {  	(pc) =	sbr.rel $0x88, $3  }
0x1: {  	(tag) =	ssettag $0x0;
	lr =	simm.s32 $0x1  }
0x2: {  	[smem:$0x3F9D] =	sst lr;
	_ =	strace $0xD0000000  }
0x3: {  	_ = 	snop  }
0x4: {  	_ = 	snop  }
0x5: {  	_ = 	snop  }
0x6: {  	_ = 	snop  }
0x7: {  	_ = 	snop  }
__scs_overlays_trampoline_lowered:
0x8: {  	[smem:$0x3FAC] =	sst s0  }
0x9: {  	[smem:$0x3FAD] =	sst s1  }
0xa: {  	[smem:$0x3FAE] =	sst s2  }
0xb: {  	[smem:$0x3FAF] =	sst s3  }
0xc: {  	[smem:$0x3FB0] =	sst s4  }
0xd: {  	[smem:$0x3FB1] =	sst s5  }
0xe: {  	[smem:$0x3FB2] =	sst s6  }
0xf: {  	[smem:$0x3FB3] =	sst s7  }
0x10: {  	[smem:$0x3FB4] =	sst s8  }
0x11: {  	[smem:$0x3FB5] =	sst s9;
	s0 =	simm.s32 @!p0 $0x0  }
0x12: {  	s1 =	sld [smem:$0x3F9B];
	s0 =	simm.s32 @p0 $0x1  }
0x13: {  	[smem:$0x3FB6] =	sst s0;
	s0 =	simm.s32 @!p1 $0x0  }
0x14: {  	s2 =	sld [smem:$0x3F9A];
	s0 =	simm.s32 @p1 $0x1  }
0x15: {  	[smem:$0x3FB7] =	sst s0;
	s0 =	simm.s32 @!p2 $0x0  }
0x16: {  	s3 =	sld [smem:$0x3FDB];
	s0 =	simm.s32 @p2 $0x1  }
0x17: {  	s4 =	simm.s32 $0x1BF5;
	[smem:$0x3FB9] =	sst s0  }
0x18: {  	s0 =	sld [smem:$0x3F9C];
	_ =	swait.ge [sflag:s4], $0x0  }
0x19: {  	s7 =	sld [smem:$0x3F9D]  }
0x1a: {  	s8 =	sadd.s32 $0xFFFFE003, lr  }
0x1b: {  	s9 =	sadd.s32 $0xFFFFFEF7, lr;
	s5 =	simm.s32 $0xFFFFFFFF;
	p2 =	slt.u32 s8, $0xFFFFF086  }
0x1c: {  	p1 =	slt.u32 s9, $0xF7A;
	s5 =	simm.s32 @!p2 $0x0  }
0x1d: {  	s5 =	simm.s32 @p1 $0x1;
	p0 =	seq.s32 s7, s2  }
0x1e: {  	s7 =	smul.u32 @!p0 $0xF7A, s2;
	p2 =	seq.s32 @!p0 s5, $0x0  }
0x1f: {  	s9 =	smul.u32 $0xF7A, s1;
	s8 =	simm.s32 @!p0 $0x1BF5;
	p2 =	por !p2, p0  }
0x20: {  	[sflag:s8] =	ssyncset.s32 @!p0 $0xFFFFF086;
	s6 =	sadd.s32 @!p0 s3, s7;
	s7 =	simm.s32 @!p0 $0x108  }
0x21: {  	s3 =	sadd.s32 s3, s9;
	s6 =	sadd.s32 @!p0 $0x88, s6;
	s7 =	simm.s32 @p2 $0x1082  }
0x22: {  	[simem:s7], [sflag:s8] =	dma.local @!p0 [hbm:s6], $0xF7A  }
0x23: {  	s9 =	sor.u32 $0xD0000000, s2;
	s6 =	simm.s32 $0x108;
	_ =	swait.ge @!p0 [sflag:s8], $0x0  }
0x24: {  	s3 =	sadd.s32 $0x88, s3;
	s6 =	simm.s32 @!p1 $0x1082;
	[sflag:s4] =	ssyncset.s32 $0xFFFFF086  }
0x25: {  	[simem:s6], [sflag:s4] =	dma.local [hbm:s3], $0xF7A  }
0x26: {  	[smem:$0x3F9D] =	sst s1;
	(tag) =	ssettag s2;
	_ =	strace s9  }
0x27: {  	s1 =	sld [smem:$0x3FAD]  }
0x28: {  	s2 =	sld [smem:$0x3FAE]  }
0x29: {  	s4 =	sld [smem:$0x3FB0]  }
0x2a: {  	p0 =	seq.s32 s5, $0x0;
	s5 =	sld [smem:$0x3FB1]  }
0x2b: {  	s6 =	sld [smem:$0x3FB2]  }
0x2c: {  	s7 =	sld [smem:$0x3FB3]  }
0x2d: {  	s3 =	simm.s32 $0x108;
	s8 =	sld [smem:$0x3FB4]  }
0x2e: {  	s3 =	simm.s32 @!p0 $0x1082;
	s9 =	sld [smem:$0x3FB5]  }
0x2f: {  	lr =	sadd.s32 s0, s3;
	s0 =	sld [smem:$0x3FAC]  }
0x30: {  	s3 =	sld [smem:$0x3FAF]  }
0x31: {  	[smem:$0x3FB8] =	sst s10  }
0x32: {  	s10 =	sld [smem:$0x3FB6];
	_ =	sdelay $0x3  }
0x33: {  	p0 =	seq.s32 s10, $0x1;
	s10 =	sld [smem:$0x3FB8];
	_ =	sdelay $0x3  }
0x34: {  	[smem:$0x3FB8] =	sst s10  }
0x35: {  	s10 =	sld [smem:$0x3FB7];
	_ =	sdelay $0x3  }
0x36: {  	p1 =	seq.s32 s10, $0x1;
	s10 =	sld [smem:$0x3FB8];
	_ =	sdelay $0x3  }
0x37: {  	[smem:$0x3FB8] =	sst s10  }
0x38: {  	s10 =	sld [smem:$0x3FB9]  }
0x39: {  	_ = 	snop;
	(pc) =	sbr.ind lr, $3  }
0x3a: {  	_ = 	snop  }
0x3b: {  	_ = 	snop  }
0x3c: {  	p2 =	seq.s32 s10, $0x1;
	s10 =	sld [smem:$0x3FB8]  }
0x3d: {  	_ =	shalt  }
0x3e: {  	_ =	shalt  }
0x3f: {  	_ =	shalt  }
0x40: {  	_ =	shalt  }
0x41: {  	_ =	shalt  }
0x42: {  	_ =	shalt  }
0x43: {  	_ =	shalt  }
0x44: {  	_ =	shalt  }
0x45: {  	_ =	shalt  }
0x46: {  	_ =	shalt  }
0x47: {  	_ =	shalt  }
0x48: {  	_ =	shalt  }
0x49: {  	_ =	shalt  }
0x4a: {  	_ =	shalt  }
0x4b: {  	_ =	shalt  }
0x4c: {  	_ =	shalt  }
0x4d: {  	_ =	shalt  }
0x4e: {  	_ =	shalt  }
0x4f: {  	_ =	shalt  }
0x50: {  	_ =	shalt  }
0x51: {  	_ =	shalt  }
0x52: {  	_ =	shalt  }
0x53: {  	_ =	shalt  }
0x54: {  	_ =	shalt  }
0x55: {  	_ =	shalt  }
0x56: {  	_ =	shalt  }
0x57: {  	_ =	shalt  }
0x58: {  	_ =	shalt  }
0x59: {  	_ =	shalt  }
0x5a: {  	_ =	shalt  }
0x5b: {  	_ =	shalt  }
0x5c: {  	_ =	shalt  }
0x5d: {  	_ =	shalt  }
0x5e: {  	_ =	shalt  }
0x5f: {  	_ =	shalt  }
0x60: {  	_ =	shalt  }
0x61: {  	_ =	shalt  }
0x62: {  	_ =	shalt  }
0x63: {  	_ =	shalt  }
0x64: {  	_ =	shalt  }
0x65: {  	_ =	shalt  }
0x66: {  	_ =	shalt  }
0x67: {  	_ =	shalt  }
0x68: {  	_ =	shalt  }
0x69: {  	_ =	shalt  }
0x6a: {  	_ =	shalt  }
0x6b: {  	_ =	shalt  }
0x6c: {  	_ =	shalt  }
0x6d: {  	_ =	shalt  }
0x6e: {  	_ =	shalt  }
0x6f: {  	_ =	shalt  }
0x70: {  	_ =	shalt  }
0x71: {  	_ =	shalt  }
0x72: {  	_ =	shalt  }
0x73: {  	_ =	shalt  }
0x74: {  	_ =	shalt  }
0x75: {  	_ =	shalt  }
0x76: {  	_ =	shalt  }
0x77: {  	_ =	shalt  }
0x78: {  	_ =	shalt  }
0x79: {  	_ =	shalt  }
0x7a: {  	_ =	shalt  }
0x7b: {  	_ =	shalt  }
0x7c: {  	_ =	shalt  }
0x7d: {  	_ =	shalt  }
0x7e: {  	_ =	shalt  }
0x7f: {  	_ =	shalt  }
0x80: {  	_ =	shalt  }
0x81: {  	_ =	shalt  }
0x82: {  	_ =	shalt  }
0x83: {  	_ =	shalt  }
0x84: {  	_ =	shalt  }
0x85: {  	_ =	shalt  }
0x86: {  	_ =	shalt  }
0x87: {  	_ =	shalt  }
.Lfunc_end0:
.L_simem_size_0:
called_computation.1_lowered:
.L_overlay_start_0:
0x88: {  	s2 =	sld [smem:$0x3FD9]  }
0x89: {  	s3 =	sld [smem:$0x3FFE];
	_ =	sdelay $0x1  }
0x8a: {  	s1 =	srdreg.scid  }
0x8b: {  	s0 =	sand.u32 $0x1, s1  }
0x8c: {  	s17 =	sshll.u32 s0, $0xA;
	s2 =	sadd.s32 s3, s2  }
0x8d: {  	s2 =	sadd.s32 s2, s17  }
0x8e: {  	[smem:$0x3FC4] =	sst s2  }
0x8f: {  	_ = 	snop  }
0x90: {  	s2 =	sld [smem:$0x3FC9]  }
0x91: {  	s18 =	sld [smem:$0x3FD0];
	(tm) =	ssettm $0x1  }
0x92: {  	s4 =	sld [smem:$0x3FFB];
	_ =	sdelay $0x3  }
0x93: {  	_ =	strace s4  }
0x94: {  	s4 =	sld [smem:$0x3FFC];
	_ =	sdelay $0x3  }
0x95: {  	_ =	strace s4  }
0x96: {  	s4 =	sld [smem:$0x3FFD];
	_ =	sdelay $0x3  }
0x97: {  	_ =	strace s4  }
0x98: {  	_ =	strace $0x8FFFFFFF  }
0x99: {  	s19 =	sld [smem:$0x3FDB];
	_ =	sdelay $0x1  }
0x9a: {  	s5 =	simm.s32 $_scs_section_size  }
0x9b: {  	s6 =	simm.s32 $_size__tile_overlayer_lowered;
	s7 =	simm.s32 $_tile_overlayer_lowered  }
0x9c: {  	s22 =	simm.s32 $0x1BFF;
	s21 =	sshll.u32 s7, $0x1;
	s4 =	sadd.s32 s5, s19  }
0x9d: {  	s8 =	simm.s32 $0x0;
	s20 =	sshll.u32 s6, $0x1;
	s6 =	sadd.s32 s21, s4  }
0x9e: {  	[timem:s8], [sflag:s22] =	dma.local [hbm:s6], s20  }
0x9f: {  	_ =	swait.ge [sflag:s22], s20  }
0xa0: {  	s5 =	ssub.s32 $0x0, s20;
	[sflag:s22] =	ssyncset.done $0x0  }
0xa1: {  	[sflag:s22] =	ssyncadd.s32 s5;
	_ =	sdelay $0x1  }
0xa2: {  	s23 =	simm.s32 $0x1B8B  }
0xa3: {  	_ =	swait.ge [sflag:s23], $0x1  }
0xa4: {  	[sflag:s23] =	ssyncset.done $0x0  }
0xa5: {  	s25 =	simm.s32 $0x1B8E;
	s24 =	sld [smem:$0x3FFE];
	[sflag:s23] =	ssyncadd.s32 $0xFFFFFFFF  }
0xa6: {  	s26 =	simm.s32 $execute0_lowered;
	[smem:$0x3FD2] =	sst s25  }
0xa7: {  	s6 =	sshll.u32 s26, $0x1;
	_ =	strace $0x80000049;
	[dreg:$0x1] =	wrdreg $0xFFFFFFFF  }
0xa8: {  	s28 =	simm.s32 $_size_execute0_lowered;
	s4 =	sadd.s32 s4, s6;
	[dreg:$0x0] =	wrdreg $0x0  }
0xa9: {  	s6 =	sshll.u32 s28, $0x1;
	[dreg:$0x2] =	wrdreg s4  }
0xaa: {  	[dreg:$0x3] =	wrdreg s6  }
0xab: {  	[dreg:$0x4] =	wrdreg $0xC0  }
0xac: {  	_ =	task [dreg:s8], $0x5FFFF  }
0xad: {  	[dreg:$0x1] =	wrdreg $0xFFFFFFFF  }
0xae: {  	[dreg:$0x0] =	wrdreg $0x60  }
0xaf: {  	[dreg:$0x2] =	wrdreg s24  }
0xb0: {  	[dreg:$0x3] =	wrdreg s2  }
0xb1: {  	[dreg:$0x4] =	wrdreg s18  }
0xb2: {  	[dreg:$0x5] =	wrdreg $0x9  }
0xb3: {  	_ =	task.clear_ibuf [dreg:s8], $0x6FFFF;
	_ =	strace $0x90000049  }
0xb4: {  	s29 =	simm.s32 $0x9;
	_ =	strace $0x8000004B  }
0xb5: {  	_ =	swait.ge [sflag:s29], $0x1  }
0xb6: {  	[sflag:s29] =	ssyncadd.s32 $0xFFFFFFFF  }
0xb7: {  	_ =	strace $0x9000004B  }
0xb8: {  	_ =	sfence  }
0xb9: {  	s30 =	sld [smem:$0x0];
	_ =	sdelay $0x2  }
0xba: {  	s31 =	sshll.u32 s1, $0xD;
	s1 =	sshrl.u32 s1, $0x2  }
0xbb: {  	s3 =	sand.u32 $0x4000, s31;
	s1 =	sadd.s32 s1, s30  }
0xbc: {  	s0 =	sor.u32 s3, s0;
	s1 =	sshll.u32 s1, $0x11  }
0xbd: {  	s0 =	sor.u32 s1, s0  }
0xbe: {  	s0 =	sadd.s32 $0x8F2B, s0  }
0xbf: {  	[sflag:s0] =	ssyncadd.remote.s32 $0x1  }
0xc0: {  	_ =	sfence.sel $0xFFFF  }
0xc1: {  	[dreg:$0x0] =	wrdreg $0xFFFFFFFF;
	(pc) =	sbr.abs _section_cstart, $3  }
0xc2: {  	[dreg:$0x1] =	wrdreg $0xFFFFFFFF  }
0xc3: {  	_ =	task.clear_ibuf [dreg:s8], $0x2FFFF;
	_ =	strace $0x9FFFFFFF  }
0xc4: {  	(tm) =	ssettm $0x7FFFFFFF  }
0xc5: {  	_ =	shalt  }
tec
execute0_lowered:
.L_overlay_start_1:
0x0: {  	(tag) =	ssettag $0x1  }
0x1: {  	s4 =	rddreg [dreg:$0x0]  }
0x2: {  	s5 =	rddreg [dreg:$0x1]  }
0x3: {  	s6 =	rddreg [dreg:$0x2]  }
0x4: {  	s0 =	rddreg [dreg:$0x3]  }
0x5: {  	s3 =	srdreg.scid;
	s2 =	simm.s32 $0x0;
	s1 =	stileid.u32  }
0x6: {  	s11 =	simm.s32 $0x1200;
	s12 =	simm.s32 $0x100;
	s13 =	simm.s32 $0x2200  }
0x7: {  	s14 =	simm.s32 $0x180;
	s15 =	simm.s32 $0x3200;
	s16 =	simm.s32 $0x1  }
0x8: {  	s17 =	simm.s32 $0x2;
	s18 =	simm.s32 $0x4200;
	s19 =	simm.s32 $0x0  }
0x9: {  	s7 =	sand.u32 $0x1, s3;
	[smem:$0x7FF] =	sst s2;
	s29 =	sshll.u32 s1, $0xA  }
0xa: {  	s3 =	sadd.s32 $0x197600, s4;
	s8 =	sshll.u32 s7, $0x9;
	s7 =	ssub.s32 $0x2, s7  }
0xb: {  	_ =	strace $0x8000004A;
	s8 =	sor.u32 s8, s29;
	s30 =	sshrl.u32 s7, $0x1  }
0xc: {  	s9 =	sshll.u32 s8, $0x4;
	s10 =	sshll.u32 s8, $0x2;
	s7 =	ssub.s32 s7, s30  }
0xd: {  	s31 =	sshrl.u32 s8, $0x3;
	s8 =	simm.s32 $0x3;
	s9 =	sadd.s32 s9, s4  }
0xe: {  	s4 =	sadd.s32 s6, s10;
	s5 =	sadd.s32 s5, s31;
	s7 =	smax.u32 s7, $0x1  }
0xf: {  	s10 =	simm.s32 $0x200;
	s6 =	sadd.s32 $0x1C00, s9;
	s9 =	simm.s32 $0x80  }
.LBB2_1:
0x10: {  	s20 =	simm.s32 $0x4220  }
0x11: {  	s21 =	simm.s32 $0x4;
	s23 =	sadd.s32 $0x0, s4;
	s22 =	simm.s32 $0x42A0  }
.LBB2_2:
0x12: {  	[tilespmem:s20], [sflag:$0x2] =	stream.linear.gather [hbm4b:s23+s2], $0x20, $0x38;
	[tilespmem:$0x14200] =	vst v63  }
0x13: {  	s23 =	smov.u32 s21;
	s20 =	smov.u32 s22;
	p0 =	sne.s32 s21, $0x7FC  }
.Ltmp0:
0x14: {  	s21 =	sadd.s32 $0x4, s21;
	(pc) =	sbr.rel @p0 .LBB2_2-.Ltmp0, $2  }
0x15: {  	_ =	sdelay $0x2  }
0x16: {  	s22 =	sadd.s32 $0x80, s22;
	s23 =	sadd.s32 s23, s4  }
0x17: {  	[tilespmem:s20], [sflag:$0x2] =	stream.linear.gather [hbm4b:s23+s2], $0x20, $0x38;
	[tilespmem:$0x14200] =	vst v63  }
0x18: {  	_ = 	snop  }
0x19: {  	[tilespmem:s2], [sflag:$0x3] =	stream.linear.gather [hbm4b:s5+s2], $0x200, $0x38;
	[tilespmem:$0x14200] =	vst v63  }
0x1a: {  	_ =	swait.ge [sflag:s8], $0x200  }
0x1b: {  	[sflag:s8] =	ssyncset.done $0x0  }
0x1c: {  	[sflag:s8] =	ssyncadd.s32 $0xFFFFFE00  }
0x1d: {  	[tilespmem:s10], [sflag:$0x1] =	stream.indirect.gather [hbm4b:s3+s9], $0x20, s2, s9, $0xb8;
	[tilespmem:$0x14200] =	vst v63  }
0x1e: {  	_ = 	snop  }
0x1f: {  	[tilespmem:s11], [sflag:$0x1] =	stream.indirect.gather [hbm4b:s3+s9], $0x20, s9, s9, $0xb8;
	[tilespmem:$0x14200] =	vst v63  }
0x20: {  	_ = 	snop  }
0x21: {  	[tilespmem:s13], [sflag:$0x1] =	stream.indirect.gather [hbm4b:s3+s9], $0x20, s12, s9, $0xb8;
	[tilespmem:$0x14200] =	vst v63  }
0x22: {  	_ = 	snop  }
0x23: {  	[tilespmem:s15], [sflag:$0x1] =	stream.indirect.gather [hbm4b:s3+s9], $0x20, s14, s9, $0xb8;
	[tilespmem:$0x14200] =	vst v63  }
0x24: {  	_ =	swait.ge [sflag:s16], $0x1000  }
0x25: {  	[sflag:s16] =	ssyncset.done $0x0  }
0x26: {  	[sflag:s16] =	ssyncadd.s32 $0xFFFFF000  }
0x27: {  	_ =	swait.ge [sflag:s16], $0x1000  }
0x28: {  	[sflag:s16] =	ssyncset.done $0x0  }
0x29: {  	[sflag:s16] =	ssyncadd.s32 $0xFFFFF000  }
0x2a: {  	_ =	swait.ge [sflag:s16], $0x1000  }
0x2b: {  	[sflag:s16] =	ssyncset.done $0x0  }
0x2c: {  	[sflag:s16] =	ssyncadd.s32 $0xFFFFF000  }
0x2d: {  	_ =	swait.ge [sflag:s16], $0x1000  }
0x2e: {  	[sflag:s16] =	ssyncset.done $0x0  }
0x2f: {  	s21 =	simm.s32 $0x240;
	[sflag:s16] =	ssyncadd.s32 $0xFFFFF000  }
0x30: {  	v0 =	vld [tilespmem:s21+$0xFFFFFFC0];
	_ =	sdelay $0x3  }
0x31: {  	s20 =	simm.s32 $0x4300  }
0x32: {  	[tilespmem:s20+$0xFFFFFF00] =	vst v0  }
0x33: {  	v0 =	vld [tilespmem:s21+$0xFFFFFFD0];
	_ =	sdelay $0x4  }
0x34: {  	[tilespmem:s20+$0xFFFFFF10] =	vst v0  }
0x35: {  	v0 =	vld [tilespmem:s21+$0xFFFFFFE0];
	_ =	sdelay $0x4  }
0x36: {  	[tilespmem:s20+$0xFFFFFF80] =	vst v0  }
0x37: {  	v0 =	vld [tilespmem:s21+$0xFFFFFFF0];
	_ =	sdelay $0x4  }
0x38: {  	[tilespmem:s20+$0xFFFFFF90] =	vst v0  }
0x39: {  	v0 =	vld [tilespmem:s21+$0x0];
	_ =	sdelay $0x4  }
0x3a: {  	[tilespmem:s20+$0x0] =	vst v0  }
0x3b: {  	v0 =	vld [tilespmem:s21+$0x10];
	_ =	sdelay $0x4  }
0x3c: {  	[tilespmem:s20+$0x10] =	vst v0  }
0x3d: {  	v0 =	vld [tilespmem:s21+$0x20];
	_ =	sdelay $0x4  }
0x3e: {  	[tilespmem:s20+$0x80] =	vst v0  }
0x3f: {  	v0 =	vld [tilespmem:s21+$0x30];
	_ =	sdelay $0x4  }
0x40: {  	s22 =	simm.s32 $0x2C0;
	s21 =	simm.s32 $0x0;
	[tilespmem:s20+$0x90] =	vst v0  }
.LBB2_4:
0x41: {  	v0 =	vld [tilespmem:s22+$0xFFFFFFC0];
	s21 =	sadd.s32 $0x4, s21  }
0x42: {  	p0 =	slt.u32 s21, $0x1FC;
	_ =	sdelay $0x2  }
0x43: {  	s20 =	sadd.s32 $0x200, s20  }
0x44: {  	[tilespmem:s20+$0xFFFFFF00] =	vst v0  }
0x45: {  	v0 =	vld [tilespmem:s22+$0xFFFFFFD0];
	_ =	sdelay $0x4  }
0x46: {  	[tilespmem:s20+$0xFFFFFF10] =	vst v0  }
0x47: {  	v0 =	vld [tilespmem:s22+$0xFFFFFFE0];
	_ =	sdelay $0x4  }
0x48: {  	[tilespmem:s20+$0xFFFFFF80] =	vst v0  }
0x49: {  	v0 =	vld [tilespmem:s22+$0xFFFFFFF0];
	_ =	sdelay $0x4  }
0x4a: {  	[tilespmem:s20+$0xFFFFFF90] =	vst v0  }
0x4b: {  	v0 =	vld [tilespmem:s22+$0x0];
	_ =	sdelay $0x4  }
0x4c: {  	[tilespmem:s20+$0x0] =	vst v0  }
0x4d: {  	v0 =	vld [tilespmem:s22+$0x10];
	_ =	sdelay $0x4  }
0x4e: {  	[tilespmem:s20+$0x10] =	vst v0  }
0x4f: {  	v0 =	vld [tilespmem:s22+$0x20];
	_ =	sdelay $0x4  }
0x50: {  	[tilespmem:s20+$0x80] =	vst v0  }
0x51: {  	v0 =	vld [tilespmem:s22+$0x30]  }
.Ltmp1:
0x52: {  	(pc) =	sbr.rel @p0 .LBB2_4-.Ltmp1, $2  }
0x53: {  	_ =	sdelay $0x2  }
0x54: {  	s22 =	sadd.s32 $0x80, s22;
	[tilespmem:s20+$0x90] =	vst v0  }
0x55: {  	_ =	swait.ge [sflag:s17], $0x4000;
	s19 =	sadd.s32 $0x1, s19  }
0x56: {  	[sflag:s17] =	ssyncset.done $0x0;
	p0 =	sne.s32 s19, s7  }
.Ltmp2:
0x57: {  	[sflag:s17] =	ssyncadd.s32 $0xFFFFC000;
	(pc) =	sbr.rel @p0 .LBB2_1-.Ltmp2, $4  }
0x58: {  	[hbm4b:s6+s2] =	stream.linear.scatter [tilespmem:s18], [sflag:$0x3], $0x10000, $0x38;
	[tilespmem:$0x14200] =	vst v63  }
0x59: {  	_ =	swait.ge [sflag:s8], $0x10000  }
0x5a: {  	[sflag:s8] =	ssyncset.done $0x0  }
0x5b: {  	[sflag:s8] =	ssyncadd.s32 $0xFFFF0000  }
0x5c: {  	_ =	sfence.sel $0x180000  }
0x5d: {  	[bflag:$0x0] =	sbarrier.arrive $0xFFFF  }
0x5e: {  	p0 =	sne.s32 s1, $0x0;
	_ =	strace $0x9000004A  }
0x5f: {  	s0 =	sadd.s32 @!p0 $0x100000, s0;
	[bflag:$0x2] =	sbarrier.arrive $0xFFFF  }
0x60: {  	[sflag:s0] =	ssyncadd.tile.s32 @!p0 $0x1;
	_ =	shalt  }
.Lfunc_end2:
_tile_overlayer_lowered:
.L_overlay_start_2:
0x61: {  	(tag) =	ssettag $0x2  }
0x62: {  	s0 =	rddreg [dreg:$0x0];
	s2 =	stileid.u32  }
0x63: {  	s1 =	rddreg [dreg:$0x1];
	p0 =	sne.s32 s2, $0x0  }
0x64: {  	s3 =	rddreg [dreg:$0x2];
	[bflag:$0x3] =	sbarrier.arrive $0xFFFF;
	s2 =	simm.s32 @!p0 $0x1C03  }
0x65: {  	[timem:s3], [sflag:s2] =	dma.local @!p0 [hbm:s0], s1  }
0x66: {  	s0 =	simm.s32 @!p0 $0x3  }
0x67: {  	_ =	swait.ge @!p0 [sflag:s0], s1  }
0x68: {  	s1 =	ssub.s32 @!p0 $0x0, s1;
	[sflag:s0] =	ssyncset.done @!p0 $0x0  }
0x69: {  	[sflag:s0] =	ssyncadd.s32 @!p0 s1  }
0x6a: {  	[bflag:$0x3] =	sbarrier.arrive $0xFFFF  }
0x6b: {  	_ =	shalt  }

</sc_bundles>
